<compile_context>
chip_gen: v7x
topology: tpu7x:2x2x1
jax: 0.10.2.dev20260603
libtpu: 0.0.44.dev20260713+nightly
codegen_flags: <defaults>
</compile_context>

<pallas_src>
import dataclasses
import functools

import jax
import jax.numpy as jnp
from jax import lax
from jax.experimental import pallas as pl
from jax.experimental.pallas import tpu as pltpu
from jax.experimental.pallas import tpu_sc as plsc

_N = 50000
_D = 128
_M = 12500
_H = 64
_K = 49
_NPAD = _K * 1024


def _fps_body(px_ref, py_ref, pz_ref, ps_ref, idx_ref, dists_ref, iotaf_ref):
    iota = (jax.lax.broadcasted_iota(jnp.int32, (_K, 8, 128), 0) * 1024
            + jax.lax.broadcasted_iota(jnp.int32, (_K, 8, 128), 1) * 128
            + jax.lax.broadcasted_iota(jnp.int32, (_K, 8, 128), 2))
    iotaf_ref[...] = iota.astype(jnp.float32)
    valid = iota < _N
    dists_ref[...] = jnp.where(valid, jnp.inf, -jnp.inf).astype(jnp.float32)
    idx_ref[0] = 0
    inf = jnp.float32(jnp.inf)

    def body(i, last):
        sx = ps_ref[0, last]
        sy = ps_ref[1, last]
        sz = ps_ref[2, last]
        accs = [None, None, None, None]
        pays = [None, None, None, None]
        for k in range(_K):
            dx = px_ref[k] - sx
            dy = py_ref[k] - sy
            dz = pz_ref[k] - sz
            d = (dx * dx + dz * dz) + dy * dy
            dn = jnp.minimum(dists_ref[k], d)
            dists_ref[k] = dn
            a = min(k // 13, 3)
            if accs[a] is None:
                accs[a] = dn
                pays[a] = iotaf_ref[k]
            else:
                better = dn > accs[a]
                accs[a] = jnp.where(better, dn, accs[a])
                pays[a] = jnp.where(better, iotaf_ref[k], pays[a])
        b01 = accs[1] > accs[0]
        v01 = jnp.where(b01, accs[1], accs[0])
        p01 = jnp.where(b01, pays[1], pays[0])
        b23 = accs[3] > accs[2]
        v23 = jnp.where(b23, accs[3], accs[2])
        p23 = jnp.where(b23, pays[3], pays[2])
        bb = v23 > v01
        v = jnp.where(bb, v23, v01)
        p = jnp.where(bb, p23, p01)
        for sh in (4, 2, 1):
            vr = pltpu.roll(v, sh, 0)
            pr = pltpu.roll(p, sh, 0)
            better = (vr > v) | ((vr == v) & (pr < p))
            v = jnp.where(better, vr, v)
            p = jnp.where(better, pr, p)
        m = jnp.max(v, axis=1, keepdims=True)
        cand = jnp.where(v == m, p, inf)
        nxt = jnp.min(cand).astype(jnp.int32)
        idx_ref[i] = nxt
        return nxt

    jax.lax.fori_loop(1, _M, body, jnp.int32(0))


def _fps(pos):
    px = jnp.zeros((_NPAD,), jnp.float32).at[:_N].set(pos[:, 0]).reshape(_K, 8, 128)
    py = jnp.zeros((_NPAD,), jnp.float32).at[:_N].set(pos[:, 1]).reshape(_K, 8, 128)
    pz = jnp.zeros((_NPAD,), jnp.float32).at[:_N].set(pos[:, 2]).reshape(_K, 8, 128)
    return pl.pallas_call(
        _fps_body,
        out_shape=jax.ShapeDtypeStruct((_M,), jnp.int32),
        in_specs=[
            pl.BlockSpec(memory_space=pltpu.VMEM),
            pl.BlockSpec(memory_space=pltpu.VMEM),
            pl.BlockSpec(memory_space=pltpu.VMEM),
            pl.BlockSpec(memory_space=pltpu.SMEM),
        ],
        out_specs=pl.BlockSpec(memory_space=pltpu.SMEM),
        scratch_shapes=[
            pltpu.VMEM((_K, 8, 128), jnp.float32),
            pltpu.VMEM((_K, 8, 128), jnp.float32),
        ],
    )(px, py, pz, pos.T)


_BN = 1024
_NBLK = 49


def _mlp_body(x_ref, rel_ref, wx_ref, wp_ref, b1_ref, w2_ref, b2_ref, o_ref):
    acc = jnp.dot(x_ref[...], wx_ref[...], preferred_element_type=jnp.float32)
    rel = rel_ref[...]
    acc += rel[:, 0:1] * wp_ref[0:1, :]
    acc += rel[:, 1:2] * wp_ref[1:2, :]
    acc += rel[:, 2:3] * wp_ref[2:3, :]
    h = jnp.maximum(acc + b1_ref[...], 0.0)
    o_ref[...] = jnp.dot(h, w2_ref[...], preferred_element_type=jnp.float32) + b2_ref[...]


def _mlp(x, rel, W1, b1, W2, b2):
    npad = _NBLK * _BN
    xp = jnp.zeros((npad, _D), jnp.float32).at[:_N].set(x)
    relp = jnp.zeros((npad, 3), jnp.float32).at[:_N].set(rel)
    h = pl.pallas_call(
        _mlp_body,
        grid=(_NBLK,),
        in_specs=[
            pl.BlockSpec((_BN, _D), lambda i: (i, 0)),
            pl.BlockSpec((_BN, 3), lambda i: (i, 0)),
            pl.BlockSpec((_D, _H), lambda i: (0, 0)),
            pl.BlockSpec((3, _H), lambda i: (0, 0)),
            pl.BlockSpec((1, _H), lambda i: (0, 0)),
            pl.BlockSpec((_H, _H), lambda i: (0, 0)),
            pl.BlockSpec((1, _H), lambda i: (0, 0)),
        ],
        out_specs=pl.BlockSpec((_BN, _H), lambda i: (i, 0)),
        out_shape=jax.ShapeDtypeStruct((npad, _H), jnp.float32),
    )(xp, relp, W1[:_D], W1[_D:], b1.reshape(1, _H), W2, b2.reshape(1, _H))
    return h[:_N]


_NW = 32
_CHUNK = 1664
_NPAD2 = _CHUNK * _NW
_MCHUNK = 512
_MPAD = _MCHUNK * _NW


def _sc_compiler_params():
    cp = pltpu.CompilerParams()
    if "needs_layout_passes" in pltpu.CompilerParams.__dataclass_fields__:
        cp = dataclasses.replace(cp, needs_layout_passes=False)
    return cp


def _gather_body(px_hbm, py_hbm, pz_hbm, bt_hbm, idx_hbm, row_hbm,
                 rx_hbm, ry_hbm, rz_hbm, px2_hbm, py2_hbm, pz2_hbm, bn_hbm,
                 idx_v, row_v, g_v, plane_v, relf_v, pn_v, bn_v):
    wid = lax.axis_index("s") * 2 + lax.axis_index("c")
    base = pl.multiple_of(wid * _CHUNK, 128)
    mbase = pl.multiple_of(wid * _MCHUNK, 128)
    pltpu.sync_copy(idx_hbm, idx_v)
    pltpu.sync_copy(row_hbm.at[pl.ds(base, _CHUNK)], row_v)

    @pl.loop(0, _CHUNK // 16)
    def _(j):
        o = pl.multiple_of(j * 16, 8)
        r16 = row_v[pl.ds(o, 16)]
        g_v[pl.ds(o, 16)] = plsc.load_gather(idx_v, [r16])

    for plane_hbm, rel_out, pn_out in ((px_hbm, rx_hbm, px2_hbm),
                                       (py_hbm, ry_hbm, py2_hbm),
                                       (pz_hbm, rz_hbm, pz2_hbm)):
        pltpu.sync_copy(plane_hbm, plane_v)

        @pl.loop(0, _CHUNK // 16)
        def _(j):
            o = pl.multiple_of(j * 16, 8)
            g16 = g_v[pl.ds(o, 16)]
            s16 = plsc.bitcast(plsc.load_gather(plane_v, [g16]), jnp.float32)
            own = plsc.bitcast(plane_v[pl.ds(pl.multiple_of(base + o, 8), 16)],
                               jnp.float32)
            relf_v[pl.ds(o, 16)] = own - s16

        pltpu.sync_copy(relf_v, rel_out.at[pl.ds(base, _CHUNK)])

        @pl.loop(0, _MCHUNK // 16)
        def _(k):
            o = pl.multiple_of(k * 16, 8)
            i16 = idx_v[pl.ds(pl.multiple_of(mbase + o, 8), 16)]
            pn_v[pl.ds(o, 16)] = plsc.bitcast(plsc.load_gather(plane_v, [i16]),
                                              jnp.float32)

        pltpu.sync_copy(pn_v, pn_out.at[pl.ds(mbase, _MCHUNK)])

    pltpu.sync_copy(bt_hbm, plane_v)

    @pl.loop(0, _MCHUNK // 16)
    def _(k):
        o = pl.multiple_of(k * 16, 8)
        i16 = idx_v[pl.ds(pl.multiple_of(mbase + o, 8), 16)]
        bn_v[pl.ds(o, 16)] = plsc.load_gather(plane_v, [i16])

    pltpu.sync_copy(bn_v, bn_hbm.at[pl.ds(mbase, _MCHUNK)])


def _sc_gather(pos, batch, idx, row):
    pos_bits = jax.lax.bitcast_convert_type(pos, jnp.int32)
    zeros_n = jnp.zeros((_NPAD2,), jnp.int32)
    px = zeros_n.at[:_N].set(pos_bits[:, 0])
    py = zeros_n.at[:_N].set(pos_bits[:, 1])
    pz = zeros_n.at[:_N].set(pos_bits[:, 2])
    bt = zeros_n.at[:_N].set(batch)
    idx_p = jnp.zeros((_MPAD,), jnp.int32).at[:_M].set(idx)
    row_p = zeros_n.at[:_N].set(row)

    kfn = pl.kernel(
        _gather_body,
        out_type=(
            jax.ShapeDtypeStruct((_NPAD2,), jnp.float32),
            jax.ShapeDtypeStruct((_NPAD2,), jnp.float32),
            jax.ShapeDtypeStruct((_NPAD2,), jnp.float32),
            jax.ShapeDtypeStruct((_MPAD,), jnp.float32),
            jax.ShapeDtypeStruct((_MPAD,), jnp.float32),
            jax.ShapeDtypeStruct((_MPAD,), jnp.float32),
            jax.ShapeDtypeStruct((_MPAD,), jnp.int32),
        ),
        mesh=plsc.VectorSubcoreMesh(core_axis_name="c", subcore_axis_name="s"),
        compiler_params=_sc_compiler_params(),
        scratch_types=[
            pltpu.VMEM((_MPAD,), jnp.int32),
            pltpu.VMEM((_CHUNK,), jnp.int32),
            pltpu.VMEM((_CHUNK,), jnp.int32),
            pltpu.VMEM((_NPAD2,), jnp.int32),
            pltpu.VMEM((_CHUNK,), jnp.float32),
            pltpu.VMEM((_MCHUNK,), jnp.float32),
            pltpu.VMEM((_MCHUNK,), jnp.int32),
        ],
    )
    rx, ry, rz, pnx, pny, pnz, bn = kfn(px, py, pz, bt, idx_p, row_p)
    rel = jnp.stack([rx[:_N], ry[:_N], rz[:_N]], axis=1)
    pos_dst = jnp.stack([pnx[:_M], pny[:_M], pnz[:_M]], axis=1)
    return rel, pos_dst, bn[:_M]


def kernel(x, pos, residue_number, batch, W1, b1, W2, b2):
    idx = _fps(pos)
    row = residue_number
    rel, pos_dst, batch_new = _sc_gather(pos, batch, idx, row)
    h = _mlp(x, rel, W1, b1, W2, b2)
    out = jax.ops.segment_max(h, row, num_segments=_M)
    out = jnp.where(jnp.isfinite(out), out, 0.0)
    return out, pos_dst, batch_new

# --- scband reference (transcript-rebuilt; emitter-appended) ---
"""Pipeline reference for scband-acid-samodule-58600533786798 (READ-ONLY COPY).

The authoritative reference and input builder live on the scoring server;
editing this copy changes nothing except your own understanding.
"""

import jax, jax.numpy as jnp
import numpy as np

N = 50000
D = 128
RATIO = 0.25
M = int(N * RATIO)
H = 64


def fps(pos, n_samples):
    # Farthest point sampling (single batch, deterministic start at index 0),
    # matching torch_geometric.nn.fps semantics with random_start disabled.
    def body(carry, _):
        dists, last = carry
        d = jnp.sum((pos - pos[last]) ** 2, axis=-1)
        dists = jnp.minimum(dists, d)
        nxt = jnp.argmax(dists).astype(jnp.int32)
        return (dists, nxt), nxt
    init = (jnp.full((pos.shape[0],), jnp.inf, dtype=pos.dtype), jnp.int32(0))
    _, rest = jax.lax.scan(body, init, None, length=n_samples - 1)
    return jnp.concatenate([jnp.zeros((1,), jnp.int32), rest])


def setup_inputs(seed: int = 0):
    key = jax.random.key(seed)
    k1, k2, k3, k4, k5 = jax.random.split(key, 5)
    x = jax.random.normal(k1, (N, D), dtype=jnp.float32)
    pos = jax.random.normal(k2, (N, 3), dtype=jnp.float32)
    residue_number = jax.random.randint(k3, (N,), 0, M, dtype=jnp.int32)
    batch = jnp.zeros((N,), dtype=jnp.int32)
    # PointNetConv local nn: Linear(D+3 -> H) -> ReLU -> Linear(H -> H)
    W1 = jax.random.normal(k4, (D + 3, H), dtype=jnp.float32) * 0.05
    b1 = jnp.zeros((H,), dtype=jnp.float32)
    W2 = jax.random.normal(k5, (H, H), dtype=jnp.float32) * 0.05
    b2 = jnp.zeros((H,), dtype=jnp.float32)
    return {"x": x, "pos": pos, "residue_number": residue_number, "batch": batch,
            "W1": W1, "b1": b1, "W2": W2, "b2": b2}


def reference(x, pos, residue_number, batch, W1, b1, W2, b2):
    # idx = fps(pos, batch, ratio)
    idx = fps(pos, M)
    # col = arange(N) (source atoms), row = residue_number (target centroid per atom)
    row = residue_number
    pos_dst = jnp.take(pos, idx, axis=0)
    x_dst = jnp.take(x, idx, axis=0)  # x_dst gathered as in forward (unused in message w/ add_self_loops=False)
    # PointNetConv message: nn(concat([x_j, pos_j - pos_i])) with max aggregation
    rel = pos - jnp.take(pos_dst, row, axis=0)
    msg = jnp.concatenate([x, rel], axis=-1)
    h = jnp.maximum(msg @ W1 + b1, 0.0)
    h = h @ W2 + b2
    out = jax.ops.segment_max(h, row, num_segments=M)
    out = jnp.where(jnp.isfinite(out), out, 0.0)  # empty segments -> 0
    pos_new = pos_dst
    batch_new = jnp.take(batch, idx, axis=0)
    return out, pos_new, batch_new

if __name__ == "__main__":
    import jax
    _d = setup_inputs()
    print(jax.jit(kernel)(*tuple(_d.values())))

</pallas_src>

<mosaic_0001>
#map = affine_map<(d0, d1) -> (0)>
module attributes {stable_mosaic.version = 14 : i64} {
  func.func @_gather_body(%arg0: i32, %arg1: i32, %arg2: memref<53248xi32, #tpu.memory_space<hbm>>, %arg3: memref<53248xi32, #tpu.memory_space<hbm>>, %arg4: memref<53248xi32, #tpu.memory_space<hbm>>, %arg5: memref<53248xi32, #tpu.memory_space<hbm>>, %arg6: memref<16384xi32, #tpu.memory_space<hbm>>, %arg7: memref<53248xi32, #tpu.memory_space<hbm>>, %arg8: memref<53248xf32, #tpu.memory_space<hbm>>, %arg9: memref<53248xf32, #tpu.memory_space<hbm>>, %arg10: memref<53248xf32, #tpu.memory_space<hbm>>, %arg11: memref<16384xf32, #tpu.memory_space<hbm>>, %arg12: memref<16384xf32, #tpu.memory_space<hbm>>, %arg13: memref<16384xf32, #tpu.memory_space<hbm>>, %arg14: memref<16384xi32, #tpu.memory_space<hbm>>, %arg15: memref<16384xi32, #tpu.memory_space<vmem>>, %arg16: memref<1664xi32, #tpu.memory_space<vmem>>, %arg17: memref<1664xi32, #tpu.memory_space<vmem>>, %arg18: memref<53248xi32, #tpu.memory_space<vmem>>, %arg19: memref<1664xf32, #tpu.memory_space<vmem>>, %arg20: memref<512xf32, #tpu.memory_space<vmem>>, %arg21: memref<512xi32, #tpu.memory_space<vmem>>) attributes {dimension_semantics = [#tpu.dimension_semantics<core_parallel>, #tpu.dimension_semantics<subcore_parallel>], iteration_bounds = array<i64: 2, 16>, scalar_prefetch = 0 : i64, scratch_operands = 7 : i64, tpu.core_type = #tpu.core_type<sc_vector_subcore>, window_params = [{transform_indices = #map}, {transform_indices = #map}, {transform_indices = #map}, {transform_indices = #map}, {transform_indices = #map}, {transform_indices = #map}, {transform_indices = #map}, {transform_indices = #map}, {transform_indices = #map}, {transform_indices = #map}, {transform_indices = #map}, {transform_indices = #map}, {transform_indices = #map}]} {
    %mul3A = arith.constant 2 : i32
    %mul3A_0 = arith.muli %arg1, %mul3A : i32
    %add3A = arith.addi %mul3A_0, %arg0 : i32
    %mul3A_1 = arith.constant 1664 : i32
    %mul3A_2 = arith.muli %add3A, %mul3A_1 : i32
    %multiple_of3A = tpu.assume_multiple %mul3A_2, 128 : i32
    %mul3A_3 = arith.constant 512 : i32
    %mul3A_4 = arith.muli %add3A, %mul3A_3 : i32
    %multiple_of3A_5 = tpu.assume_multiple %mul3A_4, 128 : i32
    "tpu.region"() ({
      %run_scoped3A = tpu.sem_alloc : memref<!tpu.dma_semaphore, #tpu.memory_space<semaphore_mem>>
      tpu.enqueue_dma source(%arg6 : memref<16384xi32, #tpu.memory_space<hbm>>) target(%arg15 : memref<16384xi32, #tpu.memory_space<vmem>>) target_semaphore(%run_scoped3A : memref<!tpu.dma_semaphore, #tpu.memory_space<semaphore_mem>>)
      tpu.wait_dma2 semaphore(%run_scoped3A : memref<!tpu.dma_semaphore, #tpu.memory_space<semaphore_mem>>) src(%arg6 : memref<16384xi32, #tpu.memory_space<hbm>>) dst(%arg15 : memref<16384xi32, #tpu.memory_space<vmem>>)
      tpu.yield
    }) : () -> ()
    "tpu.region"() ({
      %run_scoped3A = tpu.sem_alloc : memref<!tpu.dma_semaphore, #tpu.memory_space<semaphore_mem>>
      %dma_start3A = tpu.memref_slice %arg7[%multiple_of3A] : memref<53248xi32, #tpu.memory_space<hbm>> -> memref<1664xi32, #tpu.memory_space<hbm>>
      %dma_start3A_45 = tpu.memref_slice %arg7[%multiple_of3A] : memref<53248xi32, #tpu.memory_space<hbm>> -> memref<1664xi32, #tpu.memory_space<hbm>>
      tpu.enqueue_dma source(%dma_start3A_45 : memref<1664xi32, #tpu.memory_space<hbm>>) target(%arg16 : memref<1664xi32, #tpu.memory_space<vmem>>) target_semaphore(%run_scoped3A : memref<!tpu.dma_semaphore, #tpu.memory_space<semaphore_mem>>)
      %dma_wait3A = tpu.memref_slice %arg7[%multiple_of3A] : memref<53248xi32, #tpu.memory_space<hbm>> -> memref<1664xi32, #tpu.memory_space<hbm>>
      %dma_wait3A_46 = tpu.memref_slice %arg7[%multiple_of3A] : memref<53248xi32, #tpu.memory_space<hbm>> -> memref<1664xi32, #tpu.memory_space<hbm>>
      tpu.wait_dma2 semaphore(%run_scoped3A : memref<!tpu.dma_semaphore, #tpu.memory_space<semaphore_mem>>) src(%dma_wait3A_46 : memref<1664xi32, #tpu.memory_space<hbm>>) dst(%arg16 : memref<1664xi32, #tpu.memory_space<vmem>>)
      tpu.yield
    }) : () -> ()
    %scan3A = arith.constant 0 : i32
    %scan3A_6 = arith.constant 104 : i32
    %scan3A_7 = arith.addi %scan3A, %scan3A_6 : i32
    %scan3A_8 = arith.constant 1 : i32
    scf.for %scan3A_45 = %scan3A to %scan3A_7 step %scan3A_8  : i32 {
      %mul3A_46 = arith.constant 1 : i32
      %mul3A_47 = arith.muli %scan3A_45, %mul3A_46 : i32
      %add3A_48 = arith.constant 0 : i32
      %add3A_49 = arith.addi %add3A_48, %mul3A_47 : i32
      %mul3A_50 = arith.constant 16 : i32
      %mul3A_51 = arith.muli %add3A_49, %mul3A_50 : i32
      %multiple_of3A_52 = tpu.assume_multiple %mul3A_51, 8 : i32
      %get3A = arith.index_cast %multiple_of3A_52 : i32 to index
      %get3A_53 = tpu.vector_load %arg16[%get3A] {strides = array<i32>} : memref<1664xi32, #tpu.memory_space<vmem>>, vector<16xi32>,
      %gather3A = tpu.vector_load_idx %arg15[%get3A_53] : memref<16384xi32, #tpu.memory_space<vmem>>[vector<16xi32>], vector<16xi32>,
      %swap3A = arith.index_cast %multiple_of3A_52 : i32 to index
      %swap3A_54 = tpu.vector_load %arg17[%swap3A] {strides = array<i32>} : memref<1664xi32, #tpu.memory_space<vmem>>, vector<16xi32>,
      tpu.vector_store %arg17[%swap3A], %gather3A {strides = array<i32>} : memref<1664xi32, #tpu.memory_space<vmem>>, vector<16xi32>,
    }
    %scan3A_9 = arith.constant 104 : i32
    "tpu.region"() ({
      %run_scoped3A = tpu.sem_alloc : memref<!tpu.dma_semaphore, #tpu.memory_space<semaphore_mem>>
      tpu.enqueue_dma source(%arg2 : memref<53248xi32, #tpu.memory_space<hbm>>) target(%arg18 : memref<53248xi32, #tpu.memory_space<vmem>>) target_semaphore(%run_scoped3A : memref<!tpu.dma_semaphore, #tpu.memory_space<semaphore_mem>>)
      tpu.wait_dma2 semaphore(%run_scoped3A : memref<!tpu.dma_semaphore, #tpu.memory_space<semaphore_mem>>) src(%arg2 : memref<53248xi32, #tpu.memory_space<hbm>>) dst(%arg18 : memref<53248xi32, #tpu.memory_space<vmem>>)
      tpu.yield
    }) : () -> ()
    %scan3A_10 = arith.constant 0 : i32
    %scan3A_11 = arith.constant 104 : i32
    %scan3A_12 = arith.addi %scan3A_10, %scan3A_11 : i32
    %scan3A_13 = arith.constant 1 : i32
    scf.for %scan3A_45 = %scan3A_10 to %scan3A_12 step %scan3A_13  : i32 {
      %mul3A_46 = arith.constant 1 : i32
      %mul3A_47 = arith.muli %scan3A_45, %mul3A_46 : i32
      %add3A_48 = arith.constant 0 : i32
      %add3A_49 = arith.addi %add3A_48, %mul3A_47 : i32
      %mul3A_50 = arith.constant 16 : i32
      %mul3A_51 = arith.muli %add3A_49, %mul3A_50 : i32
      %multiple_of3A_52 = tpu.assume_multiple %mul3A_51, 8 : i32
      %get3A = arith.index_cast %multiple_of3A_52 : i32 to index
      %get3A_53 = tpu.vector_load %arg17[%get3A] {strides = array<i32>} : memref<1664xi32, #tpu.memory_space<vmem>>, vector<16xi32>,
      %gather3A = tpu.vector_load_idx %arg18[%get3A_53] : memref<53248xi32, #tpu.memory_space<vmem>>[vector<16xi32>], vector<16xi32>,
      %bitcast3A = vector.bitcast %gather3A : vector<16xi32> to vector<16xf32>
      %add3A_54 = arith.addi %multiple_of3A, %multiple_of3A_52 : i32
      %multiple_of3A_55 = tpu.assume_multiple %add3A_54, 8 : i32
      %get3A_56 = arith.index_cast %multiple_of3A_55 : i32 to index
      %get3A_57 = tpu.vector_load %arg18[%get3A_56] {strides = array<i32>} : memref<53248xi32, #tpu.memory_space<vmem>>, vector<16xi32>,
      %bitcast3A_58 = vector.bitcast %get3A_57 : vector<16xi32> to vector<16xf32>
      %sub3A = arith.subf %bitcast3A_58, %bitcast3A : vector<16xf32>
      %swap3A = arith.index_cast %multiple_of3A_52 : i32 to index
      %swap3A_59 = tpu.vector_load %arg19[%swap3A] {strides = array<i32>} : memref<1664xf32, #tpu.memory_space<vmem>>, vector<16xf32>,
      tpu.vector_store %arg19[%swap3A], %sub3A {strides = array<i32>} : memref<1664xf32, #tpu.memory_space<vmem>>, vector<16xf32>,
    }
    %scan3A_14 = arith.constant 104 : i32
    "tpu.region"() ({
      %run_scoped3A = tpu.sem_alloc : memref<!tpu.dma_semaphore, #tpu.memory_space<semaphore_mem>>
      %dma_start3A = tpu.memref_slice %arg8[%multiple_of3A] : memref<53248xf32, #tpu.memory_space<hbm>> -> memref<1664xf32, #tpu.memory_space<hbm>>
      %dma_start3A_45 = tpu.memref_slice %arg8[%multiple_of3A] : memref<53248xf32, #tpu.memory_space<hbm>> -> memref<1664xf32, #tpu.memory_space<hbm>>
      tpu.enqueue_dma source(%arg19 : memref<1664xf32, #tpu.memory_space<vmem>>) target(%dma_start3A_45 : memref<1664xf32, #tpu.memory_space<hbm>>) target_semaphore(%run_scoped3A : memref<!tpu.dma_semaphore, #tpu.memory_space<semaphore_mem>>)
      %dma_wait3A = tpu.memref_slice %arg8[%multiple_of3A] : memref<53248xf32, #tpu.memory_space<hbm>> -> memref<1664xf32, #tpu.memory_space<hbm>>
      %dma_wait3A_46 = tpu.memref_slice %arg8[%multiple_of3A] : memref<53248xf32, #tpu.memory_space<hbm>> -> memref<1664xf32, #tpu.memory_space<hbm>>
      tpu.wait_dma2 semaphore(%run_scoped3A : memref<!tpu.dma_semaphore, #tpu.memory_space<semaphore_mem>>) src(%arg19 : memref<1664xf32, #tpu.memory_space<vmem>>) dst(%dma_wait3A_46 : memref<1664xf32, #tpu.memory_space<hbm>>)
      tpu.yield
    }) : () -> ()
    %scan3A_15 = arith.constant 0 : i32
    %scan3A_16 = arith.constant 32 : i32
    %scan3A_17 = arith.addi %scan3A_15, %scan3A_16 : i32
    %scan3A_18 = arith.constant 1 : i32
    scf.for %scan3A_45 = %scan3A_15 to %scan3A_17 step %scan3A_18  : i32 {
      %mul3A_46 = arith.constant 1 : i32
      %mul3A_47 = arith.muli %scan3A_45, %mul3A_46 : i32
      %add3A_48 = arith.constant 0 : i32
      %add3A_49 = arith.addi %add3A_48, %mul3A_47 : i32
      %mul3A_50 = arith.constant 16 : i32
      %mul3A_51 = arith.muli %add3A_49, %mul3A_50 : i32
      %multiple_of3A_52 = tpu.assume_multiple %mul3A_51, 8 : i32
      %add3A_53 = arith.addi %multiple_of3A_5, %multiple_of3A_52 : i32
      %multiple_of3A_54 = tpu.assume_multiple %add3A_53, 8 : i32
      %get3A = arith.index_cast %multiple_of3A_54 : i32 to index
      %get3A_55 = tpu.vector_load %arg15[%get3A] {strides = array<i32>} : memref<16384xi32, #tpu.memory_space<vmem>>, vector<16xi32>,
      %gather3A = tpu.vector_load_idx %arg18[%get3A_55] : memref<53248xi32, #tpu.memory_space<vmem>>[vector<16xi32>], vector<16xi32>,
      %bitcast3A = vector.bitcast %gather3A : vector<16xi32> to vector<16xf32>
      %swap3A = arith.index_cast %multiple_of3A_52 : i32 to index
      %swap3A_56 = tpu.vector_load %arg20[%swap3A] {strides = array<i32>} : memref<512xf32, #tpu.memory_space<vmem>>, vector<16xf32>,
      tpu.vector_store %arg20[%swap3A], %bitcast3A {strides = array<i32>} : memref<512xf32, #tpu.memory_space<vmem>>, vector<16xf32>,
    }
    %scan3A_19 = arith.constant 32 : i32
    "tpu.region"() ({
      %run_scoped3A = tpu.sem_alloc : memref<!tpu.dma_semaphore, #tpu.memory_space<semaphore_mem>>
      %dma_start3A = tpu.memref_slice %arg11[%multiple_of3A_5] : memref<16384xf32, #tpu.memory_space<hbm>> -> memref<512xf32, #tpu.memory_space<hbm>>
      %dma_start3A_45 = tpu.memref_slice %arg11[%multiple_of3A_5] : memref<16384xf32, #tpu.memory_space<hbm>> -> memref<512xf32, #tpu.memory_space<hbm>>
      tpu.enqueue_dma source(%arg20 : memref<512xf32, #tpu.memory_space<vmem>>) target(%dma_start3A_45 : memref<512xf32, #tpu.memory_space<hbm>>) target_semaphore(%run_scoped3A : memref<!tpu.dma_semaphore, #tpu.memory_space<semaphore_mem>>)
      %dma_wait3A = tpu.memref_slice %arg11[%multiple_of3A_5] : memref<16384xf32, #tpu.memory_space<hbm>> -> memref<512xf32, #tpu.memory_space<hbm>>
      %dma_wait3A_46 = tpu.memref_slice %arg11[%multiple_of3A_5] : memref<16384xf32, #tpu.memory_space<hbm>> -> memref<512xf32, #tpu.memory_space<hbm>>
      tpu.wait_dma2 semaphore(%run_scoped3A : memref<!tpu.dma_semaphore, #tpu.memory_space<semaphore_mem>>) src(%arg20 : memref<512xf32, #tpu.memory_space<vmem>>) dst(%dma_wait3A_46 : memref<512xf32, #tpu.memory_space<hbm>>)
      tpu.yield
    }) : () -> ()
    "tpu.region"() ({
      %run_scoped3A = tpu.sem_alloc : memref<!tpu.dma_semaphore, #tpu.memory_space<semaphore_mem>>
      tpu.enqueue_dma source(%arg3 : memref<53248xi32, #tpu.memory_space<hbm>>) target(%arg18 : memref<53248xi32, #tpu.memory_space<vmem>>) target_semaphore(%run_scoped3A : memref<!tpu.dma_semaphore, #tpu.memory_space<semaphore_mem>>)
      tpu.wait_dma2 semaphore(%run_scoped3A : memref<!tpu.dma_semaphore, #tpu.memory_space<semaphore_mem>>) src(%arg3 : memref<53248xi32, #tpu.memory_space<hbm>>) dst(%arg18 : memref<53248xi32, #tpu.memory_space<vmem>>)
      tpu.yield
    }) : () -> ()
    %scan3A_20 = arith.constant 0 : i32
    %scan3A_21 = arith.constant 104 : i32
    %scan3A_22 = arith.addi %scan3A_20, %scan3A_21 : i32
    %scan3A_23 = arith.constant 1 : i32
    scf.for %scan3A_45 = %scan3A_20 to %scan3A_22 step %scan3A_23  : i32 {
      %mul3A_46 = arith.constant 1 : i32
      %mul3A_47 = arith.muli %scan3A_45, %mul3A_46 : i32
      %add3A_48 = arith.constant 0 : i32
      %add3A_49 = arith.addi %add3A_48, %mul3A_47 : i32
      %mul3A_50 = arith.constant 16 : i32
      %mul3A_51 = arith.muli %add3A_49, %mul3A_50 : i32
      %multiple_of3A_52 = tpu.assume_multiple %mul3A_51, 8 : i32
      %get3A = arith.index_cast %multiple_of3A_52 : i32 to index
      %get3A_53 = tpu.vector_load %arg17[%get3A] {strides = array<i32>} : memref<1664xi32, #tpu.memory_space<vmem>>, vector<16xi32>,
      %gather3A = tpu.vector_load_idx %arg18[%get3A_53] : memref<53248xi32, #tpu.memory_space<vmem>>[vector<16xi32>], vector<16xi32>,
      %bitcast3A = vector.bitcast %gather3A : vector<16xi32> to vector<16xf32>
      %add3A_54 = arith.addi %multiple_of3A, %multiple_of3A_52 : i32
      %multiple_of3A_55 = tpu.assume_multiple %add3A_54, 8 : i32
      %get3A_56 = arith.index_cast %multiple_of3A_55 : i32 to index
      %get3A_57 = tpu.vector_load %arg18[%get3A_56] {strides = array<i32>} : memref<53248xi32, #tpu.memory_space<vmem>>, vector<16xi32>,
      %bitcast3A_58 = vector.bitcast %get3A_57 : vector<16xi32> to vector<16xf32>
      %sub3A = arith.subf %bitcast3A_58, %bitcast3A : vector<16xf32>
      %swap3A = arith.index_cast %multiple_of3A_52 : i32 to index
      %swap3A_59 = tpu.vector_load %arg19[%swap3A] {strides = array<i32>} : memref<1664xf32, #tpu.memory_space<vmem>>, vector<16xf32>,
      tpu.vector_store %arg19[%swap3A], %sub3A {strides = array<i32>} : memref<1664xf32, #tpu.memory_space<vmem>>, vector<16xf32>,
    }
    %scan3A_24 = arith.constant 104 : i32
    "tpu.region"() ({
      %run_scoped3A = tpu.sem_alloc : memref<!tpu.dma_semaphore, #tpu.memory_space<semaphore_mem>>
      %dma_start3A = tpu.memref_slice %arg9[%multiple_of3A] : memref<53248xf32, #tpu.memory_space<hbm>> -> memref<1664xf32, #tpu.memory_space<hbm>>
      %dma_start3A_45 = tpu.memref_slice %arg9[%multiple_of3A] : memref<53248xf32, #tpu.memory_space<hbm>> -> memref<1664xf32, #tpu.memory_space<hbm>>
      tpu.enqueue_dma source(%arg19 : memref<1664xf32, #tpu.memory_space<vmem>>) target(%dma_start3A_45 : memref<1664xf32, #tpu.memory_space<hbm>>) target_semaphore(%run_scoped3A : memref<!tpu.dma_semaphore, #tpu.memory_space<semaphore_mem>>)
      %dma_wait3A = tpu.memref_slice %arg9[%multiple_of3A] : memref<53248xf32, #tpu.memory_space<hbm>> -> memref<1664xf32, #tpu.memory_space<hbm>>
      %dma_wait3A_46 = tpu.memref_slice %arg9[%multiple_of3A] : memref<53248xf32, #tpu.memory_space<hbm>> -> memref<1664xf32, #tpu.memory_space<hbm>>
      tpu.wait_dma2 semaphore(%run_scoped3A : memref<!tpu.dma_semaphore, #tpu.memory_space<semaphore_mem>>) src(%arg19 : memref<1664xf32, #tpu.memory_space<vmem>>) dst(%dma_wait3A_46 : memref<1664xf32, #tpu.memory_space<hbm>>)
      tpu.yield
    }) : () -> ()
    %scan3A_25 = arith.constant 0 : i32
    %scan3A_26 = arith.constant 32 : i32
    %scan3A_27 = arith.addi %scan3A_25, %scan3A_26 : i32
    %scan3A_28 = arith.constant 1 : i32
    scf.for %scan3A_45 = %scan3A_25 to %scan3A_27 step %scan3A_28  : i32 {
      %mul3A_46 = arith.constant 1 : i32
      %mul3A_47 = arith.muli %scan3A_45, %mul3A_46 : i32
      %add3A_48 = arith.constant 0 : i32
      %add3A_49 = arith.addi %add3A_48, %mul3A_47 : i32
      %mul3A_50 = arith.constant 16 : i32
      %mul3A_51 = arith.muli %add3A_49, %mul3A_50 : i32
      %multiple_of3A_52 = tpu.assume_multiple %mul3A_51, 8 : i32
      %add3A_53 = arith.addi %multiple_of3A_5, %multiple_of3A_52 : i32
      %multiple_of3A_54 = tpu.assume_multiple %add3A_53, 8 : i32
      %get3A = arith.index_cast %multiple_of3A_54 : i32 to index
      %get3A_55 = tpu.vector_load %arg15[%get3A] {strides = array<i32>} : memref<16384xi32, #tpu.memory_space<vmem>>, vector<16xi32>,
      %gather3A = tpu.vector_load_idx %arg18[%get3A_55] : memref<53248xi32, #tpu.memory_space<vmem>>[vector<16xi32>], vector<16xi32>,
      %bitcast3A = vector.bitcast %gather3A : vector<16xi32> to vector<16xf32>
      %swap3A = arith.index_cast %multiple_of3A_52 : i32 to index
      %swap3A_56 = tpu.vector_load %arg20[%swap3A] {strides = array<i32>} : memref<512xf32, #tpu.memory_space<vmem>>, vector<16xf32>,
      tpu.vector_store %arg20[%swap3A], %bitcast3A {strides = array<i32>} : memref<512xf32, #tpu.memory_space<vmem>>, vector<16xf32>,
    }
    %scan3A_29 = arith.constant 32 : i32
    "tpu.region"() ({
      %run_scoped3A = tpu.sem_alloc : memref<!tpu.dma_semaphore, #tpu.memory_space<semaphore_mem>>
      %dma_start3A = tpu.memref_slice %arg12[%multiple_of3A_5] : memref<16384xf32, #tpu.memory_space<hbm>> -> memref<512xf32, #tpu.memory_space<hbm>>
      %dma_start3A_45 = tpu.memref_slice %arg12[%multiple_of3A_5] : memref<16384xf32, #tpu.memory_space<hbm>> -> memref<512xf32, #tpu.memory_space<hbm>>
      tpu.enqueue_dma source(%arg20 : memref<512xf32, #tpu.memory_space<vmem>>) target(%dma_start3A_45 : memref<512xf32, #tpu.memory_space<hbm>>) target_semaphore(%run_scoped3A : memref<!tpu.dma_semaphore, #tpu.memory_space<semaphore_mem>>)
      %dma_wait3A = tpu.memref_slice %arg12[%multiple_of3A_5] : memref<16384xf32, #tpu.memory_space<hbm>> -> memref<512xf32, #tpu.memory_space<hbm>>
      %dma_wait3A_46 = tpu.memref_slice %arg12[%multiple_of3A_5] : memref<16384xf32, #tpu.memory_space<hbm>> -> memref<512xf32, #tpu.memory_space<hbm>>
      tpu.wait_dma2 semaphore(%run_scoped3A : memref<!tpu.dma_semaphore, #tpu.memory_space<semaphore_mem>>) src(%arg20 : memref<512xf32, #tpu.memory_space<vmem>>) dst(%dma_wait3A_46 : memref<512xf32, #tpu.memory_space<hbm>>)
      tpu.yield
    }) : () -> ()
    "tpu.region"() ({
      %run_scoped3A = tpu.sem_alloc : memref<!tpu.dma_semaphore, #tpu.memory_space<semaphore_mem>>
      tpu.enqueue_dma source(%arg4 : memref<53248xi32, #tpu.memory_space<hbm>>) target(%arg18 : memref<53248xi32, #tpu.memory_space<vmem>>) target_semaphore(%run_scoped3A : memref<!tpu.dma_semaphore, #tpu.memory_space<semaphore_mem>>)
      tpu.wait_dma2 semaphore(%run_scoped3A : memref<!tpu.dma_semaphore, #tpu.memory_space<semaphore_mem>>) src(%arg4 : memref<53248xi32, #tpu.memory_space<hbm>>) dst(%arg18 : memref<53248xi32, #tpu.memory_space<vmem>>)
      tpu.yield
    }) : () -> ()
    %scan3A_30 = arith.constant 0 : i32
    %scan3A_31 = arith.constant 104 : i32
    %scan3A_32 = arith.addi %scan3A_30, %scan3A_31 : i32
    %scan3A_33 = arith.constant 1 : i32
    scf.for %scan3A_45 = %scan3A_30 to %scan3A_32 step %scan3A_33  : i32 {
      %mul3A_46 = arith.constant 1 : i32
      %mul3A_47 = arith.muli %scan3A_45, %mul3A_46 : i32
      %add3A_48 = arith.constant 0 : i32
      %add3A_49 = arith.addi %add3A_48, %mul3A_47 : i32
      %mul3A_50 = arith.constant 16 : i32
      %mul3A_51 = arith.muli %add3A_49, %mul3A_50 : i32
      %multiple_of3A_52 = tpu.assume_multiple %mul3A_51, 8 : i32
      %get3A = arith.index_cast %multiple_of3A_52 : i32 to index
      %get3A_53 = tpu.vector_load %arg17[%get3A] {strides = array<i32>} : memref<1664xi32, #tpu.memory_space<vmem>>, vector<16xi32>,
      %gather3A = tpu.vector_load_idx %arg18[%get3A_53] : memref<53248xi32, #tpu.memory_space<vmem>>[vector<16xi32>], vector<16xi32>,
      %bitcast3A = vector.bitcast %gather3A : vector<16xi32> to vector<16xf32>
      %add3A_54 = arith.addi %multiple_of3A, %multiple_of3A_52 : i32
      %multiple_of3A_55 = tpu.assume_multiple %add3A_54, 8 : i32
      %get3A_56 = arith.index_cast %multiple_of3A_55 : i32 to index
      %get3A_57 = tpu.vector_load %arg18[%get3A_56] {strides = array<i32>} : memref<53248xi32, #tpu.memory_space<vmem>>, vector<16xi32>,
      %bitcast3A_58 = vector.bitcast %get3A_57 : vector<16xi32> to vector<16xf32>
      %sub3A = arith.subf %bitcast3A_58, %bitcast3A : vector<16xf32>
      %swap3A = arith.index_cast %multiple_of3A_52 : i32 to index
      %swap3A_59 = tpu.vector_load %arg19[%swap3A] {strides = array<i32>} : memref<1664xf32, #tpu.memory_space<vmem>>, vector<16xf32>,
      tpu.vector_store %arg19[%swap3A], %sub3A {strides = array<i32>} : memref<1664xf32, #tpu.memory_space<vmem>>, vector<16xf32>,
    }
    %scan3A_34 = arith.constant 104 : i32
    "tpu.region"() ({
      %run_scoped3A = tpu.sem_alloc : memref<!tpu.dma_semaphore, #tpu.memory_space<semaphore_mem>>
      %dma_start3A = tpu.memref_slice %arg10[%multiple_of3A] : memref<53248xf32, #tpu.memory_space<hbm>> -> memref<1664xf32, #tpu.memory_space<hbm>>
      %dma_start3A_45 = tpu.memref_slice %arg10[%multiple_of3A] : memref<53248xf32, #tpu.memory_space<hbm>> -> memref<1664xf32, #tpu.memory_space<hbm>>
      tpu.enqueue_dma source(%arg19 : memref<1664xf32, #tpu.memory_space<vmem>>) target(%dma_start3A_45 : memref<1664xf32, #tpu.memory_space<hbm>>) target_semaphore(%run_scoped3A : memref<!tpu.dma_semaphore, #tpu.memory_space<semaphore_mem>>)
      %dma_wait3A = tpu.memref_slice %arg10[%multiple_of3A] : memref<53248xf32, #tpu.memory_space<hbm>> -> memref<1664xf32, #tpu.memory_space<hbm>>
      %dma_wait3A_46 = tpu.memref_slice %arg10[%multiple_of3A] : memref<53248xf32, #tpu.memory_space<hbm>> -> memref<1664xf32, #tpu.memory_space<hbm>>
      tpu.wait_dma2 semaphore(%run_scoped3A : memref<!tpu.dma_semaphore, #tpu.memory_space<semaphore_mem>>) src(%arg19 : memref<1664xf32, #tpu.memory_space<vmem>>) dst(%dma_wait3A_46 : memref<1664xf32, #tpu.memory_space<hbm>>)
      tpu.yield
    }) : () -> ()
    %scan3A_35 = arith.constant 0 : i32
    %scan3A_36 = arith.constant 32 : i32
    %scan3A_37 = arith.addi %scan3A_35, %scan3A_36 : i32
    %scan3A_38 = arith.constant 1 : i32
    scf.for %scan3A_45 = %scan3A_35 to %scan3A_37 step %scan3A_38  : i32 {
      %mul3A_46 = arith.constant 1 : i32
      %mul3A_47 = arith.muli %scan3A_45, %mul3A_46 : i32
      %add3A_48 = arith.constant 0 : i32
      %add3A_49 = arith.addi %add3A_48, %mul3A_47 : i32
      %mul3A_50 = arith.constant 16 : i32
      %mul3A_51 = arith.muli %add3A_49, %mul3A_50 : i32
      %multiple_of3A_52 = tpu.assume_multiple %mul3A_51, 8 : i32
      %add3A_53 = arith.addi %multiple_of3A_5, %multiple_of3A_52 : i32
      %multiple_of3A_54 = tpu.assume_multiple %add3A_53, 8 : i32
      %get3A = arith.index_cast %multiple_of3A_54 : i32 to index
      %get3A_55 = tpu.vector_load %arg15[%get3A] {strides = array<i32>} : memref<16384xi32, #tpu.memory_space<vmem>>, vector<16xi32>,
      %gather3A = tpu.vector_load_idx %arg18[%get3A_55] : memref<53248xi32, #tpu.memory_space<vmem>>[vector<16xi32>], vector<16xi32>,
      %bitcast3A = vector.bitcast %gather3A : vector<16xi32> to vector<16xf32>
      %swap3A = arith.index_cast %multiple_of3A_52 : i32 to index
      %swap3A_56 = tpu.vector_load %arg20[%swap3A] {strides = array<i32>} : memref<512xf32, #tpu.memory_space<vmem>>, vector<16xf32>,
      tpu.vector_store %arg20[%swap3A], %bitcast3A {strides = array<i32>} : memref<512xf32, #tpu.memory_space<vmem>>, vector<16xf32>,
    }
    %scan3A_39 = arith.constant 32 : i32
    "tpu.region"() ({
      %run_scoped3A = tpu.sem_alloc : memref<!tpu.dma_semaphore, #tpu.memory_space<semaphore_mem>>
      %dma_start3A = tpu.memref_slice %arg13[%multiple_of3A_5] : memref<16384xf32, #tpu.memory_space<hbm>> -> memref<512xf32, #tpu.memory_space<hbm>>
      %dma_start3A_45 = tpu.memref_slice %arg13[%multiple_of3A_5] : memref<16384xf32, #tpu.memory_space<hbm>> -> memref<512xf32, #tpu.memory_space<hbm>>
      tpu.enqueue_dma source(%arg20 : memref<512xf32, #tpu.memory_space<vmem>>) target(%dma_start3A_45 : memref<512xf32, #tpu.memory_space<hbm>>) target_semaphore(%run_scoped3A : memref<!tpu.dma_semaphore, #tpu.memory_space<semaphore_mem>>)
      %dma_wait3A = tpu.memref_slice %arg13[%multiple_of3A_5] : memref<16384xf32, #tpu.memory_space<hbm>> -> memref<512xf32, #tpu.memory_space<hbm>>
      %dma_wait3A_46 = tpu.memref_slice %arg13[%multiple_of3A_5] : memref<16384xf32, #tpu.memory_space<hbm>> -> memref<512xf32, #tpu.memory_space<hbm>>
      tpu.wait_dma2 semaphore(%run_scoped3A : memref<!tpu.dma_semaphore, #tpu.memory_space<semaphore_mem>>) src(%arg20 : memref<512xf32, #tpu.memory_space<vmem>>) dst(%dma_wait3A_46 : memref<512xf32, #tpu.memory_space<hbm>>)
      tpu.yield
    }) : () -> ()
    "tpu.region"() ({
      %run_scoped3A = tpu.sem_alloc : memref<!tpu.dma_semaphore, #tpu.memory_space<semaphore_mem>>
      tpu.enqueue_dma source(%arg5 : memref<53248xi32, #tpu.memory_space<hbm>>) target(%arg18 : memref<53248xi32, #tpu.memory_space<vmem>>) target_semaphore(%run_scoped3A : memref<!tpu.dma_semaphore, #tpu.memory_space<semaphore_mem>>)
      tpu.wait_dma2 semaphore(%run_scoped3A : memref<!tpu.dma_semaphore, #tpu.memory_space<semaphore_mem>>) src(%arg5 : memref<53248xi32, #tpu.memory_space<hbm>>) dst(%arg18 : memref<53248xi32, #tpu.memory_space<vmem>>)
      tpu.yield
    }) : () -> ()
    %scan3A_40 = arith.constant 0 : i32
    %scan3A_41 = arith.constant 32 : i32
    %scan3A_42 = arith.addi %scan3A_40, %scan3A_41 : i32
    %scan3A_43 = arith.constant 1 : i32
    scf.for %scan3A_45 = %scan3A_40 to %scan3A_42 step %scan3A_43  : i32 {
      %mul3A_46 = arith.constant 1 : i32
      %mul3A_47 = arith.muli %scan3A_45, %mul3A_46 : i32
      %add3A_48 = arith.constant 0 : i32
      %add3A_49 = arith.addi %add3A_48, %mul3A_47 : i32
      %mul3A_50 = arith.constant 16 : i32
      %mul3A_51 = arith.muli %add3A_49, %mul3A_50 : i32
      %multiple_of3A_52 = tpu.assume_multiple %mul3A_51, 8 : i32
      %add3A_53 = arith.addi %multiple_of3A_5, %multiple_of3A_52 : i32
      %multiple_of3A_54 = tpu.assume_multiple %add3A_53, 8 : i32
      %get3A = arith.index_cast %multiple_of3A_54 : i32 to index
      %get3A_55 = tpu.vector_load %arg15[%get3A] {strides = array<i32>} : memref<16384xi32, #tpu.memory_space<vmem>>, vector<16xi32>,
      %gather3A = tpu.vector_load_idx %arg18[%get3A_55] : memref<53248xi32, #tpu.memory_space<vmem>>[vector<16xi32>], vector<16xi32>,
      %swap3A = arith.index_cast %multiple_of3A_52 : i32 to index
      %swap3A_56 = tpu.vector_load %arg21[%swap3A] {strides = array<i32>} : memref<512xi32, #tpu.memory_space<vmem>>, vector<16xi32>,
      tpu.vector_store %arg21[%swap3A], %gather3A {strides = array<i32>} : memref<512xi32, #tpu.memory_space<vmem>>, vector<16xi32>,
    }
    %scan3A_44 = arith.constant 32 : i32
    "tpu.region"() ({
      %run_scoped3A = tpu.sem_alloc : memref<!tpu.dma_semaphore, #tpu.memory_space<semaphore_mem>>
      %dma_start3A = tpu.memref_slice %arg14[%multiple_of3A_5] : memref<16384xi32, #tpu.memory_space<hbm>> -> memref<512xi32, #tpu.memory_space<hbm>>
      %dma_start3A_45 = tpu.memref_slice %arg14[%multiple_of3A_5] : memref<16384xi32, #tpu.memory_space<hbm>> -> memref<512xi32, #tpu.memory_space<hbm>>
      tpu.enqueue_dma source(%arg21 : memref<512xi32, #tpu.memory_space<vmem>>) target(%dma_start3A_45 : memref<512xi32, #tpu.memory_space<hbm>>) target_semaphore(%run_scoped3A : memref<!tpu.dma_semaphore, #tpu.memory_space<semaphore_mem>>)
      %dma_wait3A = tpu.memref_slice %arg14[%multiple_of3A_5] : memref<16384xi32, #tpu.memory_space<hbm>> -> memref<512xi32, #tpu.memory_space<hbm>>
      %dma_wait3A_46 = tpu.memref_slice %arg14[%multiple_of3A_5] : memref<16384xi32, #tpu.memory_space<hbm>> -> memref<512xi32, #tpu.memory_space<hbm>>
      tpu.wait_dma2 semaphore(%run_scoped3A : memref<!tpu.dma_semaphore, #tpu.memory_space<semaphore_mem>>) src(%arg21 : memref<512xi32, #tpu.memory_space<vmem>>) dst(%dma_wait3A_46 : memref<512xi32, #tpu.memory_space<hbm>>)
      tpu.yield
    }) : () -> ()
    return
  }
}

module attributes {stable_mosaic.version = 14 : i64} {
  func.func @_fps_body(%arg0: memref<49x8x128xf32, #tpu.memory_space<vmem>>, %arg1: memref<49x8x128xf32, #tpu.memory_space<vmem>>, %arg2: memref<49x8x128xf32, #tpu.memory_space<vmem>>, %arg3: memref<3x50000xf32, #tpu.memory_space<smem>>, %arg4: memref<12500xi32, #tpu.memory_space<smem>>, %arg5: memref<49x8x128xf32, #tpu.memory_space<vmem>>, %arg6: memref<49x8x128xf32, #tpu.memory_space<vmem>>) attributes {dimension_semantics = [], scalar_prefetch = 0 : i64, scratch_operands = 2 : i64, tpu.core_type = #tpu.core_type<tc>} {
    %iota3A = tpu.iota {dimensions = array<i32: 0>} : vector<49x8x128xi32>
    %mul3A = arith.constant 1024 : i32
    %mul3A_0 = vector.broadcast %mul3A : i32 to vector<49x8x128xi32>
    %mul3A_1 = arith.muli %iota3A, %mul3A_0 : vector<49x8x128xi32>
    %iota3A_2 = tpu.iota {dimensions = array<i32: 1>} : vector<49x8x128xi32>
    %mul3A_3 = arith.constant 128 : i32
    %mul3A_4 = vector.broadcast %mul3A_3 : i32 to vector<49x8x128xi32>
    %mul3A_5 = arith.muli %iota3A_2, %mul3A_4 : vector<49x8x128xi32>
    %add3A = arith.addi %mul3A_1, %mul3A_5 : vector<49x8x128xi32>
    %iota3A_6 = tpu.iota {dimensions = array<i32: 2>} : vector<49x8x128xi32>
    %add3A_7 = arith.addi %add3A, %iota3A_6 : vector<49x8x128xi32>
    %convert_element_type3A = arith.sitofp %add3A_7 : vector<49x8x128xi32> to vector<49x8x128xf32>
    %swap3A = arith.constant 0 : index
    %swap3A_8 = arith.constant 0 : index
    %swap3A_9 = arith.constant 0 : index
    %swap3A_10 = vector.load %arg6[%swap3A, %swap3A_8, %swap3A_9] : memref<49x8x128xf32, #tpu.memory_space<vmem>>, vector<49x8x128xf32>
    tpu.vector_store %arg6[%swap3A, %swap3A_8, %swap3A_9], %convert_element_type3A {strides = array<i32>} : memref<49x8x128xf32, #tpu.memory_space<vmem>>, vector<49x8x128xf32>,
    %lt3A = arith.constant 50000 : i32
    %lt3A_11 = vector.broadcast %lt3A : i32 to vector<49x8x128xi32>
    %lt3A_12 = arith.cmpi slt, %add3A_7, %lt3A_11 : vector<49x8x128xi32>
    %jit3A = arith.constant 0x7F800000 : f32
    %jit3A_13 = arith.constant 0xFF800000 : f32
    %broadcast_in_dim3A = vector.broadcast %jit3A : f32 to vector<49x8x128xf32>
    %broadcast_in_dim3A_14 = vector.broadcast %jit3A_13 : f32 to vector<49x8x128xf32>
    %select_n3A = arith.select %lt3A_12, %broadcast_in_dim3A, %broadcast_in_dim3A_14 : vector<49x8x128xi1>, vector<49x8x128xf32>
    %swap3A_15 = arith.constant 0 : index
    %swap3A_16 = arith.constant 0 : index
    %swap3A_17 = arith.constant 0 : index
    %swap3A_18 = vector.load %arg5[%swap3A_15, %swap3A_16, %swap3A_17] : memref<49x8x128xf32, #tpu.memory_space<vmem>>, vector<49x8x128xf32>
    tpu.vector_store %arg5[%swap3A_15, %swap3A_16, %swap3A_17], %select_n3A {strides = array<i32>} : memref<49x8x128xf32, #tpu.memory_space<vmem>>, vector<49x8x128xf32>,
    %swap3A_19 = arith.constant 0 : i32
    %swap3A_20 = arith.constant 0 : index
    %swap3A_21 = memref.load %arg4[%swap3A_20] : memref<12500xi32, #tpu.memory_space<smem>>
    memref.store %swap3A_19, %arg4[%swap3A_20] : memref<12500xi32, #tpu.memory_space<smem>>
    %scan3A = arith.constant 0x7F800000 : f32
    %scan3A_22 = arith.constant 0 : i32
    %scan3A_23 = arith.constant 1 : i32
    %scan3A_24 = arith.constant 12499 : i32
    %scan3A_25 = arith.addi %scan3A_23, %scan3A_24 : i32
    %scan3A_26 = arith.constant 1 : i32
    %scan3A_27 = scf.for %scan3A_29 = %scan3A_23 to %scan3A_25 step %scan3A_26 iter_args(%scan3A_30 = %scan3A_22) -> (i32)  : i32 {
      %get3A = arith.constant 0 : index
      %get3A_31 = arith.index_cast %scan3A_30 : i32 to index
      %get3A_32 = memref.load %arg3[%get3A, %get3A_31] : memref<3x50000xf32, #tpu.memory_space<smem>>
      %get3A_33 = arith.constant 1 : index
      %get3A_34 = arith.index_cast %scan3A_30 : i32 to index
      %get3A_35 = memref.load %arg3[%get3A_33, %get3A_34] : memref<3x50000xf32, #tpu.memory_space<smem>>
      %get3A_36 = arith.constant 2 : index
      %get3A_37 = arith.index_cast %scan3A_30 : i32 to index
      %get3A_38 = memref.load %arg3[%get3A_36, %get3A_37] : memref<3x50000xf32, #tpu.memory_space<smem>>
      %get3A_39 = arith.constant 0 : index
      %get3A_40 = arith.constant 0 : index
      %get3A_41 = arith.constant 0 : index
      %get3A_42 = vector.load %arg0[%get3A_39, %get3A_40, %get3A_41] : memref<49x8x128xf32, #tpu.memory_space<vmem>>, vector<1x8x128xf32>
      %get3A_43 = vector.shape_cast %get3A_42 : vector<1x8x128xf32> to vector<8x128xf32>
      %sub3A = vector.broadcast %get3A_32 : f32 to vector<8x128xf32>
      %sub3A_44 = arith.subf %get3A_43, %sub3A : vector<8x128xf32>
      %get3A_45 = arith.constant 0 : index
      %get3A_46 = arith.constant 0 : index
      %get3A_47 = arith.constant 0 : index
      %get3A_48 = vector.load %arg1[%get3A_45, %get3A_46, %get3A_47] : memref<49x8x128xf32, #tpu.memory_space<vmem>>, vector<1x8x128xf32>
      %get3A_49 = vector.shape_cast %get3A_48 : vector<1x8x128xf32> to vector<8x128xf32>
      %sub3A_50 = vector.broadcast %get3A_35 : f32 to vector<8x128xf32>
      %sub3A_51 = arith.subf %get3A_49, %sub3A_50 : vector<8x128xf32>
      %get3A_52 = arith.constant 0 : index
      %get3A_53 = arith.constant 0 : index
      %get3A_54 = arith.constant 0 : index
      %get3A_55 = vector.load %arg2[%get3A_52, %get3A_53, %get3A_54] : memref<49x8x128xf32, #tpu.memory_space<vmem>>, vector<1x8x128xf32>
      %get3A_56 = vector.shape_cast %get3A_55 : vector<1x8x128xf32> to vector<8x128xf32>
      %sub3A_57 = vector.broadcast %get3A_38 : f32 to vector<8x128xf32>
      %sub3A_58 = arith.subf %get3A_56, %sub3A_57 : vector<8x128xf32>
      %mul3A_59 = arith.mulf %sub3A_44, %sub3A_44 : vector<8x128xf32>
      %mul3A_60 = arith.mulf %sub3A_58, %sub3A_58 : vector<8x128xf32>
      %add3A_61 = arith.addf %mul3A_59, %mul3A_60 : vector<8x128xf32>
      %mul3A_62 = arith.mulf %sub3A_51, %sub3A_51 : vector<8x128xf32>
      %add3A_63 = arith.addf %add3A_61, %mul3A_62 : vector<8x128xf32>
      %get3A_64 = arith.constant 0 : index
      %get3A_65 = arith.constant 0 : index
      %get3A_66 = arith.constant 0 : index
      %get3A_67 = vector.load %arg5[%get3A_64, %get3A_65, %get3A_66] : memref<49x8x128xf32, #tpu.memory_space<vmem>>, vector<1x8x128xf32>
      %get3A_68 = vector.shape_cast %get3A_67 : vector<1x8x128xf32> to vector<8x128xf32>
      %min3A = arith.minimumf %get3A_68, %add3A_63 : vector<8x128xf32>
      %swap3A_69 = arith.constant 0 : index
      %swap3A_70 = arith.constant 0 : index
      %swap3A_71 = arith.constant 0 : index
      %swap3A_72 = vector.load %arg5[%swap3A_69, %swap3A_70, %swap3A_71] : memref<49x8x128xf32, #tpu.memory_space<vmem>>, vector<1x8x128xf32>
      %swap3A_73 = vector.shape_cast %swap3A_72 : vector<1x8x128xf32> to vector<8x128xf32>
      %swap3A_74 = vector.shape_cast %min3A : vector<8x128xf32> to vector<1x8x128xf32>
      tpu.vector_store %arg5[%swap3A_69, %swap3A_70, %swap3A_71], %swap3A_74 {strides = array<i32>} : memref<49x8x128xf32, #tpu.memory_space<vmem>>, vector<1x8x128xf32>,
      %get3A_75 = arith.constant 0 : index
      %get3A_76 = arith.constant 0 : index
      %get3A_77 = arith.constant 0 : index
      %get3A_78 = vector.load %arg6[%get3A_75, %get3A_76, %get3A_77] : memref<49x8x128xf32, #tpu.memory_space<vmem>>, vector<1x8x128xf32>
      %get3A_79 = vector.shape_cast %get3A_78 : vector<1x8x128xf32> to vector<8x128xf32>
      %get3A_80 = arith.constant 1 : index
      %get3A_81 = arith.constant 0 : index
      %get3A_82 = arith.constant 0 : index
      %get3A_83 = vector.load %arg0[%get3A_80, %get3A_81, %get3A_82] : memref<49x8x128xf32, #tpu.memory_space<vmem>>, vector<1x8x128xf32>
      %get3A_84 = vector.shape_cast %get3A_83 : vector<1x8x128xf32> to vector<8x128xf32>
      %sub3A_85 = vector.broadcast %get3A_32 : f32 to vector<8x128xf32>
      %sub3A_86 = arith.subf %get3A_84, %sub3A_85 : vector<8x128xf32>
      %get3A_87 = arith.constant 1 : index
      %get3A_88 = arith.constant 0 : index
      %get3A_89 = arith.constant 0 : index
      %get3A_90 = vector.load %arg1[%get3A_87, %get3A_88, %get3A_89] : memref<49x8x128xf32, #tpu.memory_space<vmem>>, vector<1x8x128xf32>
      %get3A_91 = vector.shape_cast %get3A_90 : vector<1x8x128xf32> to vector<8x128xf32>
      %sub3A_92 = vector.broadcast %get3A_35 : f32 to vector<8x128xf32>
      %sub3A_93 = arith.subf %get3A_91, %sub3A_92 : vector<8x128xf32>
      %get3A_94 = arith.constant 1 : index
      %get3A_95 = arith.constant 0 : index
      %get3A_96 = arith.constant 0 : index
      %get3A_97 = vector.load %arg2[%get3A_94, %get3A_95, %get3A_96] : memref<49x8x128xf32, #tpu.memory_space<vmem>>, vector<1x8x128xf32>
      %get3A_98 = vector.shape_cast %get3A_97 : vector<1x8x128xf32> to vector<8x128xf32>
      %sub3A_99 = vector.broadcast %get3A_38 : f32 to vector<8x128xf32>
      %sub3A_100 = arith.subf %get3A_98, %sub3A_99 : vector<8x128xf32>
      %mul3A_101 = arith.mulf %sub3A_86, %sub3A_86 : vector<8x128xf32>
      %mul3A_102 = arith.mulf %sub3A_100, %sub3A_100 : vector<8x128xf32>
      %add3A_103 = arith.addf %mul3A_101, %mul3A_102 : vector<8x128xf32>
      %mul3A_104 = arith.mulf %sub3A_93, %sub3A_93 : vector<8x128xf32>
      %add3A_105 = arith.addf %add3A_103, %mul3A_104 : vector<8x128xf32>
      %get3A_106 = arith.constant 1 : index
      %get3A_107 = arith.constant 0 : index
      %get3A_108 = arith.constant 0 : index
      %get3A_109 = vector.load %arg5[%get3A_106, %get3A_107, %get3A_108] : memref<49x8x128xf32, #tpu.memory_space<vmem>>, vector<1x8x128xf32>
      %get3A_110 = vector.shape_cast %get3A_109 : vector<1x8x128xf32> to vector<8x128xf32>
      %min3A_111 = arith.minimumf %get3A_110, %add3A_105 : vector<8x128xf32>
      %swap3A_112 = arith.constant 1 : index
      %swap3A_113 = arith.constant 0 : index
      %swap3A_114 = arith.constant 0 : index
      %swap3A_115 = vector.load %arg5[%swap3A_112, %swap3A_113, %swap3A_114] : memref<49x8x128xf32, #tpu.memory_space<vmem>>, vector<1x8x128xf32>
      %swap3A_116 = vector.shape_cast %swap3A_115 : vector<1x8x128xf32> to vector<8x128xf32>
      %swap3A_117 = vector.shape_cast %min3A_111 : vector<8x128xf32> to vector<1x8x128xf32>
      tpu.vector_store %arg5[%swap3A_112, %swap3A_113, %swap3A_114], %swap3A_117 {strides = array<i32>} : memref<49x8x128xf32, #tpu.memory_space<vmem>>, vector<1x8x128xf32>,
      %gt3A = arith.cmpf ogt, %min3A_111, %min3A : vector<8x128xf32>
      %select_n3A_118 = arith.select %gt3A, %min3A_111, %min3A : vector<8x128xi1>, vector<8x128xf32>
      %get3A_119 = arith.constant 1 : index
      %get3A_120 = arith.constant 0 : index
      %get3A_121 = arith.constant 0 : index
      %get3A_122 = vector.load %arg6[%get3A_119, %get3A_120, %get3A_121] : memref<49x8x128xf32, #tpu.memory_space<vmem>>, vector<1x8x128xf32>
      %get3A_123 = vector.shape_cast %get3A_122 : vector<1x8x128xf32> to vector<8x128xf32>
      %select_n3A_124 = arith.select %gt3A, %get3A_123, %get3A_79 : vector<8x128xi1>, vector<8x128xf32>
      %get3A_125 = arith.constant 2 : index
      %get3A_126 = arith.constant 0 : index
      %get3A_127 = arith.constant 0 : index
      %get3A_128 = vector.load %arg0[%get3A_125, %get3A_126, %get3A_127] : memref<49x8x128xf32, #tpu.memory_space<vmem>>, vector<1x8x128xf32>
      %get3A_129 = vector.shape_cast %get3A_128 : vector<1x8x128xf32> to vector<8x128xf32>
      %sub3A_130 = vector.broadcast %get3A_32 : f32 to vector<8x128xf32>
      %sub3A_131 = arith.subf %get3A_129, %sub3A_130 : vector<8x128xf32>
      %get3A_132 = arith.constant 2 : index
      %get3A_133 = arith.constant 0 : index
      %get3A_134 = arith.constant 0 : index
      %get3A_135 = vector.load %arg1[%get3A_132, %get3A_133, %get3A_134] : memref<49x8x128xf32, #tpu.memory_space<vmem>>, vector<1x8x128xf32>
      %get3A_136 = vector.shape_cast %get3A_135 : vector<1x8x128xf32> to vector<8x128xf32>
      %sub3A_137 = vector.broadcast %get3A_35 : f32 to vector<8x128xf32>
      %sub3A_138 = arith.subf %get3A_136, %sub3A_137 : vector<8x128xf32>
      %get3A_139 = arith.constant 2 : index
      %get3A_140 = arith.constant 0 : index
      %get3A_141 = arith.constant 0 : index
      %get3A_142 = vector.load %arg2[%get3A_139, %get3A_140, %get3A_141] : memref<49x8x128xf32, #tpu.memory_space<vmem>>, vector<1x8x128xf32>
      %get3A_143 = vector.shape_cast %get3A_142 : vector<1x8x128xf32> to vector<8x128xf32>
      %sub3A_144 = vector.broadcast %get3A_38 : f32 to vector<8x128xf32>
      %sub3A_145 = arith.subf %get3A_143, %sub3A_144 : vector<8x128xf32>
      %mul3A_146 = arith.mulf %sub3A_131, %sub3A_131 : vector<8x128xf32>
      %mul3A_147 = arith.mulf %sub3A_145, %sub3A_145 : vector<8x128xf32>
      %add3A_148 = arith.addf %mul3A_146, %mul3A_147 : vector<8x128xf32>
      %mul3A_149 = arith.mulf %sub3A_138, %sub3A_138 : vector<8x128xf32>
      %add3A_150 = arith.addf %add3A_148, %mul3A_149 : vector<8x128xf32>
      %get3A_151 = arith.constant 2 : index
      %get3A_152 = arith.constant 0 : index
      %get3A_153 = arith.constant 0 : index
      %get3A_154 = vector.load %arg5[%get3A_151, %get3A_152, %get3A_153] : memref<49x8x128xf32, #tpu.memory_space<vmem>>, vector<1x8x128xf32>
      %get3A_155 = vector.shape_cast %get3A_154 : vector<1x8x128xf32> to vector<8x128xf32>
      %min3A_156 = arith.minimumf %get3A_155, %add3A_150 : vector<8x128xf32>
      %swap3A_157 = arith.constant 2 : index
      %swap3A_158 = arith.constant 0 : index
      %swap3A_159 = arith.constant 0 : index
      %swap3A_160 = vector.load %arg5[%swap3A_157, %swap3A_158, %swap3A_159] : memref<49x8x128xf32, #tpu.memory_space<vmem>>, vector<1x8x128xf32>
      %swap3A_161 = vector.shape_cast %swap3A_160 : vector<1x8x128xf32> to vector<8x128xf32>
      %swap3A_162 = vector.shape_cast %min3A_156 : vector<8x128xf32> to vector<1x8x128xf32>
      tpu.vector_store %arg5[%swap3A_157, %swap3A_158, %swap3A_159], %swap3A_162 {strides = array<i32>} : memref<49x8x128xf32, #tpu.memory_space<vmem>>, vector<1x8x128xf32>,
      %gt3A_163 = arith.cmpf ogt, %min3A_156, %select_n3A_118 : vector<8x128xf32>
      %select_n3A_164 = arith.select %gt3A_163, %min3A_156, %select_n3A_118 : vector<8x128xi1>, vector<8x128xf32>
      %get3A_165 = arith.constant 2 : index
      %get3A_166 = arith.constant 0 : index
      %get3A_167 = arith.constant 0 : index
      %get3A_168 = vector.load %arg6[%get3A_165, %get3A_166, %get3A_167] : memref<49x8x128xf32, #tpu.memory_space<vmem>>, vector<1x8x128xf32>
      %get3A_169 = vector.shape_cast %get3A_168 : vector<1x8x128xf32> to vector<8x128xf32>
      %select_n3A_170 = arith.select %gt3A_163, %get3A_169, %select_n3A_124 : vector<8x128xi1>, vector<8x128xf32>
      %get3A_171 = arith.constant 3 : index
      %get3A_172 = arith.constant 0 : index
      %get3A_173 = arith.constant 0 : index
      %get3A_174 = vector.load %arg0[%get3A_171, %get3A_172, %get3A_173] : memref<49x8x128xf32, #tpu.memory_space<vmem>>, vector<1x8x128xf32>
      %get3A_175 = vector.shape_cast %get3A_174 : vector<1x8x128xf32> to vector<8x128xf32>
      %sub3A_176 = vector.broadcast %get3A_32 : f32 to vector<8x128xf32>
      %sub3A_177 = arith.subf %get3A_175, %sub3A_176 : vector<8x128xf32>
      %get3A_178 = arith.constant 3 : index
      %get3A_179 = arith.constant 0 : index
      %get3A_180 = arith.constant 0 : index
      %get3A_181 = vector.load %arg1[%get3A_178, %get3A_179, %get3A_180] : memref<49x8x128xf32, #tpu.memory_space<vmem>>, vector<1x8x128xf32>
      %get3A_182 = vector.shape_cast %get3A_181 : vector<1x8x128xf32> to vector<8x128xf32>
      %sub3A_183 = vector.broadcast %get3A_35 : f32 to vector<8x128xf32>
      %sub3A_184 = arith.subf %get3A_182, %sub3A_183 : vector<8x128xf32>
      %get3A_185 = arith.constant 3 : index
      %get3A_186 = arith.constant 0 : index
      %get3A_187 = arith.constant 0 : index
      %get3A_188 = vector.load %arg2[%get3A_185, %get3A_186, %get3A_187] : memref<49x8x128xf32, #tpu.memory_space<vmem>>, vector<1x8x128xf32>
      %get3A_189 = vector.shape_cast %get3A_188 : vector<1x8x128xf32> to vector<8x128xf32>
      %sub3A_190 = vector.broadcast %get3A_38 : f32 to vector<8x128xf32>
      %sub3A_191 = arith.subf %get3A_189, %sub3A_190 : vector<8x128xf32>
      %mul3A_192 = arith.mulf %sub3A_177, %sub3A_177 : vector<8x128xf32>
      %mul3A_193 = arith.mulf %sub3A_191, %sub3A_191 : vector<8x128xf32>
      %add3A_194 = arith.addf %mul3A_192, %mul3A_193 : vector<8x128xf32>
      %mul3A_195 = arith.mulf %sub3A_184, %sub3A_184 : vector<8x128xf32>
      %add3A_196 = arith.addf %add3A_194, %mul3A_195 : vector<8x128xf32>
      %get3A_197 = arith.constant 3 : index
      %get3A_198 = arith.constant 0 : index
      %get3A_199 = arith.constant 0 : index
      %get3A_200 = vector.load %arg5[%get3A_197, %get3A_198, %get3A_199] : memref<49x8x128xf32, #tpu.memory_space<vmem>>, vector<1x8x128xf32>
      %get3A_201 = vector.shape_cast %get3A_200 : vector<1x8x128xf32> to vector<8x128xf32>
      %min3A_202 = arith.minimumf %get3A_201, %add3A_196 : vector<8x128xf32>
      %swap3A_203 = arith.constant 3 : index
      %swap3A_204 = arith.constant 0 : index
      %swap3A_205 = arith.constant 0 : index
      %swap3A_206 = vector.load %arg5[%swap3A_203, %swap3A_204, %swap3A_205] : memref<49x8x128xf32, #tpu.memory_space<vmem>>, vector<1x8x128xf32>
      %swap3A_207 = vector.shape_cast %swap3A_206 : vector<1x8x128xf32> to vector<8x128xf32>
      %swap3A_208 = vector.shape_cast %min3A_202 : vector<8x128xf32> to vector<1x8x128xf32>
      tpu.vector_store %arg5[%swap3A_203, %swap3A_204, %swap3A_205], %swap3A_208 {strides = array<i32>} : memref<49x8x128xf32, #tpu.memory_space<vmem>>, vector<1x8x128xf32>,
      %gt3A_209 = arith.cmpf ogt, %min3A_202, %select_n3A_164 : vector<8x128xf32>
      %select_n3A_210 = arith.select %gt3A_209, %min3A_202, %select_n3A_164 : vector<8x128xi1>, vector<8x128xf32>
      %get3A_211 = arith.constant 3 : index
      %get3A_212 = arith.constant 0 : index
      %get3A_213 = arith.constant 0 : index
      %get3A_214 = vector.load %arg6[%get3A_211, %get3A_212, %get3A_213] : memref<49x8x128xf32, #tpu.memory_space<vmem>>, vector<1x8x128xf32>
      %get3A_215 = vector.shape_cast %get3A_214 : vector<1x8x128xf32> to vector<8x128xf32>
      %select_n3A_216 = arith.select %gt3A_209, %get3A_215, %select_n3A_170 : vector<8x128xi1>, vector<8x128xf32>
      %get3A_217 = arith.constant 4 : index
      %get3A_218 = arith.constant 0 : index
      %get3A_219 = arith.constant 0 : index
      %get3A_220 = vector.load %arg0[%get3A_217, %get3A_218, %get3A_219] : memref<49x8x128xf32, #tpu.memory_space<vmem>>, vector<1x8x128xf32>
      %get3A_221 = vector.shape_cast %get3A_220 : vector<1x8x128xf32> to vector<8x128xf32>
      %sub3A_222 = vector.broadcast %get3A_32 : f32 to vector<8x128xf32>
      %sub3A_223 = arith.subf %get3A_221, %sub3A_222 : vector<8x128xf32>
      %get3A_224 = arith.constant 4 : index
      %get3A_225 = arith.constant 0 : index
      %get3A_226 = arith.constant 0 : index
      %get3A_227 = vector.load %arg1[%get3A_224, %get3A_225, %get3A_226] : memref<49x8x128xf32, #tpu.memory_space<vmem>>, vector<1x8x128xf32>
      %get3A_228 = vector.shape_cast %get3A_227 : vector<1x8x128xf32> to vector<8x128xf32>
      %sub3A_229 = vector.broadcast %get3A_35 : f32 to vector<8x128xf32>
      %sub3A_230 = arith.subf %get3A_228, %sub3A_229 : vector<8x128xf32>
      %get3A_231 = arith.constant 4 : index
      %get3A_232 = arith.constant 0 : index
      %get3A_233 = arith.constant 0 : index
      %get3A_234 = vector.load %arg2[%get3A_231, %get3A_232, %get3A_233] : memref<49x8x128xf32, #tpu.memory_space<vmem>>, vector<1x8x128xf32>
      %get3A_235 = vector.shape_cast %get3A_234 : vector<1x8x128xf32> to vector<8x128xf32>
      %sub3A_236 = vector.broadcast %get3A_38 : f32 to vector<8x128xf32>
      %sub3A_237 = arith.subf %get3A_235, %sub3A_236 : vector<8x128xf32>
      %mul3A_238 = arith.mulf %sub3A_223, %sub3A_223 : vector<8x128xf32>
      %mul3A_239 = arith.mulf %sub3A_237, %sub3A_237 : vector<8x128xf32>
      %add3A_240 = arith.addf %mul3A_238, %mul3A_239 : vector<8x128xf32>
      %mul3A_241 = arith.mulf %sub3A_230, %sub3A_230 : vector<8x128xf32>
      %add3A_242 = arith.addf %add3A_240, %mul3A_241 : vector<8x128xf32>
      %get3A_243 = arith.constant 4 : index
      %get3A_244 = arith.constant 0 : index
      %get3A_245 = arith.constant 0 : index
      %get3A_246 = vector.load %arg5[%get3A_243, %get3A_244, %get3A_245] : memref<49x8x128xf32, #tpu.memory_space<vmem>>, vector<1x8x128xf32>
      %get3A_247 = vector.shape_cast %get3A_246 : vector<1x8x128xf32> to vector<8x128xf32>
      %min3A_248 = arith.minimumf %get3A_247, %add3A_242 : vector<8x128xf32>
      %swap3A_249 = arith.constant 4 : index
      %swap3A_250 = arith.constant 0 : index
      %swap3A_251 = arith.constant 0 : index
      %swap3A_252 = vector.load %arg5[%swap3A_249, %swap3A_250, %swap3A_251] : memref<49x8x128xf32, #tpu.memory_space<vmem>>, vector<1x8x128xf32>
      %swap3A_253 = vector.shape_cast %swap3A_252 : vector<1x8x128xf32> to vector<8x128xf32>
      %swap3A_254 = vector.shape_cast %min3A_248 : vector<8x128xf32> to vector<1x8x128xf32>
      tpu.vector_store %arg5[%swap3A_249, %swap3A_250, %swap3A_251], %swap3A_254 {strides = array<i32>} : memref<49x8x128xf32, #tpu.memory_space<vmem>>, vector<1x8x128xf32>,
      %gt3A_255 = arith.cmpf ogt, %min3A_248, %select_n3A_210 : vector<8x128xf32>
      %select_n3A_256 = arith.select %gt3A_255, %min3A_248, %select_n3A_210 : vector<8x128xi1>, vector<8x128xf32>
      %get3A_257 = arith.constant 4 : index
      %get3A_258 = arith.constant 0 : index
      %get3A_259 = arith.constant 0 : index
      %get3A_260 = vector.load %arg6[%get3A_257, %get3A_258, %get3A_259] : memref<49x8x128xf32, #tpu.memory_space<vmem>>, vector<1x8x128xf32>
      %get3A_261 = vector.shape_cast %get3A_260 : vector<1x8x128xf32> to vector<8x128xf32>
      %select_n3A_262 = arith.select %gt3A_255, %get3A_261, %select_n3A_216 : vector<8x128xi1>, vector<8x128xf32>
      %get3A_263 = arith.constant 5 : index
      %get3A_264 = arith.constant 0 : index
      %get3A_265 = arith.constant 0 : index
      %get3A_266 = vector.load %arg0[%get3A_263, %get3A_264, %get3A_265] : memref<49x8x128xf32, #tpu.memory_space<vmem>>, vector<1x8x128xf32>
      %get3A_267 = vector.shape_cast %get3A_266 : vector<1x8x128xf32> to vector<8x128xf32>
      %sub3A_268 = vector.broadcast %get3A_32 : f32 to vector<8x128xf32>
      %sub3A_269 = arith.subf %get3A_267, %sub3A_268 : vector<8x128xf32>
      %get3A_270 = arith.constant 5 : index
      %get3A_271 = arith.constant 0 : index
      %get3A_272 = arith.constant 0 : index
      %get3A_273 = vector.load %arg1[%get3A_270, %get3A_271, %get3A_272] : memref<49x8x128xf32, #tpu.memory_space<vmem>>, vector<1x8x128xf32>
      %get3A_274 = vector.shape_cast %get3A_273 : vector<1x8x128xf32> to vector<8x128xf32>
      %sub3A_275 = vector.broadcast %get3A_35 : f32 to vector<8x128xf32>
      %sub3A_276 = arith.subf %get3A_274, %sub3A_275 : vector<8x128xf32>
      %get3A_277 = arith.constant 5 : index
      %get3A_278 = arith.constant 0 : index
      %get3A_279 = arith.constant 0 : index
      %get3A_280 = vector.load %arg2[%get3A_277, %get3A_278, %get3A_279] : memref<49x8x128xf32, #tpu.memory_space<vmem>>, vector<1x8x128xf32>
      %get3A_281 = vector.shape_cast %get3A_280 : vector<1x8x128xf32> to vector<8x128xf32>
      %sub3A_282 = vector.broadcast %get3A_38 : f32 to vector<8x128xf32>
      %sub3A_283 = arith.subf %get3A_281, %sub3A_282 : vector<8x128xf32>
      %mul3A_284 = arith.mulf %sub3A_269, %sub3A_269 : vector<8x128xf32>
      %mul3A_285 = arith.mulf %sub3A_283, %sub3A_283 : vector<8x128xf32>
      %add3A_286 = arith.addf %mul3A_284, %mul3A_285 : vector<8x128xf32>
      %mul3A_287 = arith.mulf %sub3A_276, %sub3A_276 : vector<8x128xf32>
      %add3A_288 = arith.addf %add3A_286, %mul3A_287 : vector<8x128xf32>
      %get3A_289 = arith.constant 5 : index
      %get3A_290 = arith.constant 0 : index
      %get3A_291 = arith.constant 0 : index
      %get3A_292 = vector.load %arg5[%get3A_289, %get3A_290, %get3A_291] : memref<49x8x128xf32, #tpu.memory_space<vmem>>, vector<1x8x128xf32>
      %get3A_293 = vector.shape_cast %get3A_292 : vector<1x8x128xf32> to vector<8x128xf32>
      %min3A_294 = arith.minimumf %get3A_293, %add3A_288 : vector<8x128xf32>
      %swap3A_295 = arith.constant 5 : index
      %swap3A_296 = arith.constant 0 : index
      %swap3A_297 = arith.constant 0 : index
      %swap3A_298 = vector.load %arg5[%swap3A_295, %swap3A_296, %swap3A_297] : memref<49x8x128xf32, #tpu.memory_space<vmem>>, vector<1x8x128xf32>
      %swap3A_299 = vector.shape_cast %swap3A_298 : vector<1x8x128xf32> to vector<8x128xf32>
      %swap3A_300 = vector.shape_cast %min3A_294 : vector<8x128xf32> to vector<1x8x128xf32>
      tpu.vector_store %arg5[%swap3A_295, %swap3A_296, %swap3A_297], %swap3A_300 {strides = array<i32>} : memref<49x8x128xf32, #tpu.memory_space<vmem>>, vector<1x8x128xf32>,
      %gt3A_301 = arith.cmpf ogt, %min3A_294, %select_n3A_256 : vector<8x128xf32>
      %select_n3A_302 = arith.select %gt3A_301, %min3A_294, %select_n3A_256 : vector<8x128xi1>, vector<8x128xf32>
      %get3A_303 = arith.constant 5 : index
      %get3A_304 = arith.constant 0 : index
      %get3A_305 = arith.constant 0 : index
      %get3A_306 = vector.load %arg6[%get3A_303, %get3A_304, %get3A_305] : memref<49x8x128xf32, #tpu.memory_space<vmem>>, vector<1x8x128xf32>
      %get3A_307 = vector.shape_cast %get3A_306 : vector<1x8x128xf32> to vector<8x128xf32>
      %select_n3A_308 = arith.select %gt3A_301, %get3A_307, %select_n3A_262 : vector<8x128xi1>, vector<8x128xf32>
      %get3A_309 = arith.constant 6 : index
      %get3A_310 = arith.constant 0 : index
      %get3A_311 = arith.constant 0 : index
      %get3A_312 = vector.load %arg0[%get3A_309, %get3A_310, %get3A_311] : memref<49x8x128xf32, #tpu.memory_space<vmem>>, vector<1x8x128xf32>
      %get3A_313 = vector.shape_cast %get3A_312 : vector<1x8x128xf32> to vector<8x128xf32>
      %sub3A_314 = vector.broadcast %get3A_32 : f32 to vector<8x128xf32>
      %sub3A_315 = arith.subf %get3A_313, %sub3A_314 : vector<8x128xf32>
      %get3A_316 = arith.constant 6 : index
      %get3A_317 = arith.constant 0 : index
      %get3A_318 = arith.constant 0 : index
      %get3A_319 = vector.load %arg1[%get3A_316, %get3A_317, %get3A_318] : memref<49x8x128xf32, #tpu.memory_space<vmem>>, vector<1x8x128xf32>
      %get3A_320 = vector.shape_cast %get3A_319 : vector<1x8x128xf32> to vector<8x128xf32>
      %sub3A_321 = vector.broadcast %get3A_35 : f32 to vector<8x128xf32>
      %sub3A_322 = arith.subf %get3A_320, %sub3A_321 : vector<8x128xf32>
      %get3A_323 = arith.constant 6 : index
      %get3A_324 = arith.constant 0 : index
      %get3A_325 = arith.constant 0 : index
      %get3A_326 = vector.load %arg2[%get3A_323, %get3A_324, %get3A_325] : memref<49x8x128xf32, #tpu.memory_space<vmem>>, vector<1x8x128xf32>
      %get3A_327 = vector.shape_cast %get3A_326 : vector<1x8x128xf32> to vector<8x128xf32>
      %sub3A_328 = vector.broadcast %get3A_38 : f32 to vector<8x128xf32>
      %sub3A_329 = arith.subf %get3A_327, %sub3A_328 : vector<8x128xf32>
      %mul3A_330 = arith.mulf %sub3A_315, %sub3A_315 : vector<8x128xf32>
      %mul3A_331 = arith.mulf %sub3A_329, %sub3A_329 : vector<8x128xf32>
      %add3A_332 = arith.addf %mul3A_330, %mul3A_331 : vector<8x128xf32>
      %mul3A_333 = arith.mulf %sub3A_322, %sub3A_322 : vector<8x128xf32>
      %add3A_334 = arith.addf %add3A_332, %mul3A_333 : vector<8x128xf32>
      %get3A_335 = arith.constant 6 : index
      %get3A_336 = arith.constant 0 : index
      %get3A_337 = arith.constant 0 : index
      %get3A_338 = vector.load %arg5[%get3A_335, %get3A_336, %get3A_337] : memref<49x8x128xf32, #tpu.memory_space<vmem>>, vector<1x8x128xf32>
      %get3A_339 = vector.shape_cast %get3A_338 : vector<1x8x128xf32> to vector<8x128xf32>
      %min3A_340 = arith.minimumf %get3A_339, %add3A_334 : vector<8x128xf32>
      %swap3A_341 = arith.constant 6 : index
      %swap3A_342 = arith.constant 0 : index
      %swap3A_343 = arith.constant 0 : index
      %swap3A_344 = vector.load %arg5[%swap3A_341, %swap3A_342, %swap3A_343] : memref<49x8x128xf32, #tpu.memory_space<vmem>>, vector<1x8x128xf32>
      %swap3A_345 = vector.shape_cast %swap3A_344 : vector<1x8x128xf32> to vector<8x128xf32>
      %swap3A_346 = vector.shape_cast %min3A_340 : vector<8x128xf32> to vector<1x8x128xf32>
      tpu.vector_store %arg5[%swap3A_341, %swap3A_342, %swap3A_343], %swap3A_346 {strides = array<i32>} : memref<49x8x128xf32, #tpu.memory_space<vmem>>, vector<1x8x128xf32>,
      %gt3A_347 = arith.cmpf ogt, %min3A_340, %select_n3A_302 : vector<8x128xf32>
      %select_n3A_348 = arith.select %gt3A_347, %min3A_340, %select_n3A_302 : vector<8x128xi1>, vector<8x128xf32>
      %get3A_349 = arith.constant 6 : index
      %get3A_350 = arith.constant 0 : index
      %get3A_351 = arith.constant 0 : index
      %get3A_352 = vector.load %arg6[%get3A_349, %get3A_350, %get3A_351] : memref<49x8x128xf32, #tpu.memory_space<vmem>>, vector<1x8x128xf32>
      %get3A_353 = vector.shape_cast %get3A_352 : vector<1x8x128xf32> to vector<8x128xf32>
      %select_n3A_354 = arith.select %gt3A_347, %get3A_353, %select_n3A_308 : vector<8x128xi1>, vector<8x128xf32>
      %get3A_355 = arith.constant 7 : index
      %get3A_356 = arith.constant 0 : index
      %get3A_357 = arith.constant 0 : index
      %get3A_358 = vector.load %arg0[%get3A_355, %get3A_356, %get3A_357] : memref<49x8x128xf32, #tpu.memory_space<vmem>>, vector<1x8x128xf32>
      %get3A_359 = vector.shape_cast %get3A_358 : vector<1x8x128xf32> to vector<8x128xf32>
      %sub3A_360 = vector.broadcast %get3A_32 : f32 to vector<8x128xf32>
      %sub3A_361 = arith.subf %get3A_359, %sub3A_360 : vector<8x128xf32>
      %get3A_362 = arith.constant 7 : index
      %get3A_363 = arith.constant 0 : index
      %get3A_364 = arith.constant 0 : index
      %get3A_365 = vector.load %arg1[%get3A_362, %get3A_363, %get3A_364] : memref<49x8x128xf32, #tpu.memory_space<vmem>>, vector<1x8x128xf32>
      %get3A_366 = vector.shape_cast %get3A_365 : vector<1x8x128xf32> to vector<8x128xf32>
      %sub3A_367 = vector.broadcast %get3A_35 : f32 to vector<8x128xf32>
      %sub3A_368 = arith.subf %get3A_366, %sub3A_367 : vector<8x128xf32>
      %get3A_369 = arith.constant 7 : index
      %get3A_370 = arith.constant 0 : index
      %get3A_371 = arith.constant 0 : index
      %get3A_372 = vector.load %arg2[%get3A_369, %get3A_370, %get3A_371] : memref<49x8x128xf32, #tpu.memory_space<vmem>>, vector<1x8x128xf32>
      %get3A_373 = vector.shape_cast %get3A_372 : vector<1x8x128xf32> to vector<8x128xf32>
      %sub3A_374 = vector.broadcast %get3A_38 : f32 to vector<8x128xf32>
      %sub3A_375 = arith.subf %get3A_373, %sub3A_374 : vector<8x128xf32>
      %mul3A_376 = arith.mulf %sub3A_361, %sub3A_361 : vector<8x128xf32>
      %mul3A_377 = arith.mulf %sub3A_375, %sub3A_375 : vector<8x128xf32>
      %add3A_378 = arith.addf %mul3A_376, %mul3A_377 : vector<8x128xf32>
      %mul3A_379 = arith.mulf %sub3A_368, %sub3A_368 : vector<8x128xf32>
      %add3A_380 = arith.addf %add3A_378, %mul3A_379 : vector<8x128xf32>
      %get3A_381 = arith.constant 7 : index
      %get3A_382 = arith.constant 0 : index
      %get3A_383 = arith.constant 0 : index
      %get3A_384 = vector.load %arg5[%get3A_381, %get3A_382, %get3A_383] : memref<49x8x128xf32, #tpu.memory_space<vmem>>, vector<1x8x128xf32>
      %get3A_385 = vector.shape_cast %get3A_384 : vector<1x8x128xf32> to vector<8x128xf32>
      %min3A_386 = arith.minimumf %get3A_385, %add3A_380 : vector<8x128xf32>
      %swap3A_387 = arith.constant 7 : index
      %swap3A_388 = arith.constant 0 : index
      %swap3A_389 = arith.constant 0 : index
      %swap3A_390 = vector.load %arg5[%swap3A_387, %swap3A_388, %swap3A_389] : memref<49x8x128xf32, #tpu.memory_space<vmem>>, vector<1x8x128xf32>
      %swap3A_391 = vector.shape_cast %swap3A_390 : vector<1x8x128xf32> to vector<8x128xf32>
      %swap3A_392 = vector.shape_cast %min3A_386 : vector<8x128xf32> to vector<1x8x128xf32>
      tpu.vector_store %arg5[%swap3A_387, %swap3A_388, %swap3A_389], %swap3A_392 {strides = array<i32>} : memref<49x8x128xf32, #tpu.memory_space<vmem>>, vector<1x8x128xf32>,
      %gt3A_393 = arith.cmpf ogt, %min3A_386, %select_n3A_348 : vector<8x128xf32>
      %select_n3A_394 = arith.select %gt3A_393, %min3A_386, %select_n3A_348 : vector<8x128xi1>, vector<8x128xf32>
      %get3A_395 = arith.constant 7 : index
      %get3A_396 = arith.constant 0 : index
      %get3A_397 = arith.constant 0 : index
      %get3A_398 = vector.load %arg6[%get3A_395, %get3A_396, %get3A_397] : memref<49x8x128xf32, #tpu.memory_space<vmem>>, vector<1x8x128xf32>
      %get3A_399 = vector.shape_cast %get3A_398 : vector<1x8x128xf32> to vector<8x128xf32>
      %select_n3A_400 = arith.select %gt3A_393, %get3A_399, %select_n3A_354 : vector<8x128xi1>, vector<8x128xf32>
      %get3A_401 = arith.constant 8 : index
      %get3A_402 = arith.constant 0 : index
      %get3A_403 = arith.constant 0 : index
      %get3A_404 = vector.load %arg0[%get3A_401, %get3A_402, %get3A_403] : memref<49x8x128xf32, #tpu.memory_space<vmem>>, vector<1x8x128xf32>
      %get3A_405 = vector.shape_cast %get3A_404 : vector<1x8x128xf32> to vector<8x128xf32>
      %sub3A_406 = vector.broadcast %get3A_32 : f32 to vector<8x128xf32>
      %sub3A_407 = arith.subf %get3A_405, %sub3A_406 : vector<8x128xf32>
      %get3A_408 = arith.constant 8 : index
      %get3A_409 = arith.constant 0 : index
      %get3A_410 = arith.constant 0 : index
      %get3A_411 = vector.load %arg1[%get3A_408, %get3A_409, %get3A_410] : memref<49x8x128xf32, #tpu.memory_space<vmem>>, vector<1x8x128xf32>
      %get3A_412 = vector.shape_cast %get3A_411 : vector<1x8x128xf32> to vector<8x128xf32>
      %sub3A_413 = vector.broadcast %get3A_35 : f32 to vector<8x128xf32>
      %sub3A_414 = arith.subf %get3A_412, %sub3A_413 : vector<8x128xf32>
      %get3A_415 = arith.constant 8 : index
      %get3A_416 = arith.constant 0 : index
      %get3A_417 = arith.constant 0 : index
      %get3A_418 = vector.load %arg2[%get3A_415, %get3A_416, %get3A_417] : memref<49x8x128xf32, #tpu.memory_space<vmem>>, vector<1x8x128xf32>
      %get3A_419 = vector.shape_cast %get3A_418 : vector<1x8x128xf32> to vector<8x128xf32>
      %sub3A_420 = vector.broadcast %get3A_38 : f32 to vector<8x128xf32>
      %sub3A_421 = arith.subf %get3A_419, %sub3A_420 : vector<8x128xf32>
      %mul3A_422 = arith.mulf %sub3A_407, %sub3A_407 : vector<8x128xf32>
      %mul3A_423 = arith.mulf %sub3A_421, %sub3A_421 : vector<8x128xf32>
      %add3A_424 = arith.addf %mul3A_422, %mul3A_423 : vector<8x128xf32>
      %mul3A_425 = arith.mulf %sub3A_414, %sub3A_414 : vector<8x128xf32>
      %add3A_426 = arith.addf %add3A_424, %mul3A_425 : vector<8x128xf32>
      %get3A_427 = arith.constant 8 : index
      %get3A_428 = arith.constant 0 : index
      %get3A_429 = arith.constant 0 : index
      %get3A_430 = vector.load %arg5[%get3A_427, %get3A_428, %get3A_429] : memref<49x8x128xf32, #tpu.memory_space<vmem>>, vector<1x8x128xf32>
      %get3A_431 = vector.shape_cast %get3A_430 : vector<1x8x128xf32> to vector<8x128xf32>
      %min3A_432 = arith.minimumf %get3A_431, %add3A_426 : vector<8x128xf32>
      %swap3A_433 = arith.constant 8 : index
      %swap3A_434 = arith.constant 0 : index
      %swap3A_435 = arith.constant 0 : index
      %swap3A_436 = vector.load %arg5[%swap3A_433, %swap3A_434, %swap3A_435] : memref<49x8x128xf32, #tpu.memory_space<vmem>>, vector<1x8x128xf32>
      %swap3A_437 = vector.shape_cast %swap3A_436 : vector<1x8x128xf32> to vector<8x128xf32>
      %swap3A_438 = vector.shape_cast %min3A_432 : vector<8x128xf32> to vector<1x8x128xf32>
      tpu.vector_store %arg5[%swap3A_433, %swap3A_434, %swap3A_435], %swap3A_438 {strides = array<i32>} : memref<49x8x128xf32, #tpu.memory_space<vmem>>, vector<1x8x128xf32>,
      %gt3A_439 = arith.cmpf ogt, %min3A_432, %select_n3A_394 : vector<8x128xf32>
      %select_n3A_440 = arith.select %gt3A_439, %min3A_432, %select_n3A_394 : vector<8x128xi1>, vector<8x128xf32>
      %get3A_441 = arith.constant 8 : index
      %get3A_442 = arith.constant 0 : index
      %get3A_443 = arith.constant 0 : index
      %get3A_444 = vector.load %arg6[%get3A_441, %get3A_442, %get3A_443] : memref<49x8x128xf32, #tpu.memory_space<vmem>>, vector<1x8x128xf32>
      %get3A_445 = vector.shape_cast %get3A_444 : vector<1x8x128xf32> to vector<8x128xf32>
      %select_n3A_446 = arith.select %gt3A_439, %get3A_445, %select_n3A_400 : vector<8x128xi1>, vector<8x128xf32>
      %get3A_447 = arith.constant 9 : index
      %get3A_448 = arith.constant 0 : index
      %get3A_449 = arith.constant 0 : index
      %get3A_450 = vector.load %arg0[%get3A_447, %get3A_448, %get3A_449] : memref<49x8x128xf32, #tpu.memory_space<vmem>>, vector<1x8x128xf32>
      %get3A_451 = vector.shape_cast %get3A_450 : vector<1x8x128xf32> to vector<8x128xf32>
      %sub3A_452 = vector.broadcast %get3A_32 : f32 to vector<8x128xf32>
      %sub3A_453 = arith.subf %get3A_451, %sub3A_452 : vector<8x128xf32>
      %get3A_454 = arith.constant 9 : index
      %get3A_455 = arith.constant 0 : index
      %get3A_456 = arith.constant 0 : index
      %get3A_457 = vector.load %arg1[%get3A_454, %get3A_455, %get3A_456] : memref<49x8x128xf32, #tpu.memory_space<vmem>>, vector<1x8x128xf32>
      %get3A_458 = vector.shape_cast %get3A_457 : vector<1x8x128xf32> to vector<8x128xf32>
      %sub3A_459 = vector.broadcast %get3A_35 : f32 to vector<8x128xf32>
      %sub3A_460 = arith.subf %get3A_458, %sub3A_459 : vector<8x128xf32>
      %get3A_461 = arith.constant 9 : index
      %get3A_462 = arith.constant 0 : index
      %get3A_463 = arith.constant 0 : index
      %get3A_464 = vector.load %arg2[%get3A_461, %get3A_462, %get3A_463] : memref<49x8x128xf32, #tpu.memory_space<vmem>>, vector<1x8x128xf32>
      %get3A_465 = vector.shape_cast %get3A_464 : vector<1x8x128xf32> to vector<8x128xf32>
      %sub3A_466 = vector.broadcast %get3A_38 : f32 to vector<8x128xf32>
      %sub3A_467 = arith.subf %get3A_465, %sub3A_466 : vector<8x128xf32>
      %mul3A_468 = arith.mulf %sub3A_453, %sub3A_453 : vector<8x128xf32>
      %mul3A_469 = arith.mulf %sub3A_467, %sub3A_467 : vector<8x128xf32>
      %add3A_470 = arith.addf %mul3A_468, %mul3A_469 : vector<8x128xf32>
      %mul3A_471 = arith.mulf %sub3A_460, %sub3A_460 : vector<8x128xf32>
      %add3A_472 = arith.addf %add3A_470, %mul3A_471 : vector<8x128xf32>
      %get3A_473 = arith.constant 9 : index
      %get3A_474 = arith.constant 0 : index
      %get3A_475 = arith.constant 0 : index
      %get3A_476 = vector.load %arg5[%get3A_473, %get3A_474, %get3A_475] : memref<49x8x128xf32, #tpu.memory_space<vmem>>, vector<1x8x128xf32>
      %get3A_477 = vector.shape_cast %get3A_476 : vector<1x8x128xf32> to vector<8x128xf32>
      %min3A_478 = arith.minimumf %get3A_477, %add3A_472 : vector<8x128xf32>
      %swap3A_479 = arith.constant 9 : index
      %swap3A_480 = arith.constant 0 : index
      %swap3A_481 = arith.constant 0 : index
      %swap3A_482 = vector.load %arg5[%swap3A_479, %swap3A_480, %swap3A_481] : memref<49x8x128xf32, #tpu.memory_space<vmem>>, vector<1x8x128xf32>
      %swap3A_483 = vector.shape_cast %swap3A_482 : vector<1x8x128xf32> to vector<8x128xf32>
      %swap3A_484 = vector.shape_cast %min3A_478 : vector<8x128xf32> to vector<1x8x128xf32>
      tpu.vector_store %arg5[%swap3A_479, %swap3A_480, %swap3A_481], %swap3A_484 {strides = array<i32>} : memref<49x8x128xf32, #tpu.memory_space<vmem>>, vector<1x8x128xf32>,
      %gt3A_485 = arith.cmpf ogt, %min3A_478, %select_n3A_440 : vector<8x128xf32>
      %select_n3A_486 = arith.select %gt3A_485, %min3A_478, %select_n3A_440 : vector<8x128xi1>, vector<8x128xf32>
      %get3A_487 = arith.constant 9 : index
      %get3A_488 = arith.constant 0 : index
      %get3A_489 = arith.constant 0 : index
      %get3A_490 = vector.load %arg6[%get3A_487, %get3A_488, %get3A_489] : memref<49x8x128xf32, #tpu.memory_space<vmem>>, vector<1x8x128xf32>
      %get3A_491 = vector.shape_cast %get3A_490 : vector<1x8x128xf32> to vector<8x128xf32>
      %select_n3A_492 = arith.select %gt3A_485, %get3A_491, %select_n3A_446 : vector<8x128xi1>, vector<8x128xf32>
      %get3A_493 = arith.constant 10 : index
      %get3A_494 = arith.constant 0 : index
      %get3A_495 = arith.constant 0 : index
      %get3A_496 = vector.load %arg0[%get3A_493, %get3A_494, %get3A_495] : memref<49x8x128xf32, #tpu.memory_space<vmem>>, vector<1x8x128xf32>
      %get3A_497 = vector.shape_cast %get3A_496 : vector<1x8x128xf32> to vector<8x128xf32>
      %sub3A_498 = vector.broadcast %get3A_32 : f32 to vector<8x128xf32>
      %sub3A_499 = arith.subf %get3A_497, %sub3A_498 : vector<8x128xf32>
      %get3A_500 = arith.constant 10 : index
      %get3A_501 = arith.constant 0 : index
      %get3A_502 = arith.constant 0 : index
      %get3A_503 = vector.load %arg1[%get3A_500, %get3A_501, %get3A_502] : memref<49x8x128xf32, #tpu.memory_space<vmem>>, vector<1x8x128xf32>
      %get3A_504 = vector.shape_cast %get3A_503 : vector<1x8x128xf32> to vector<8x128xf32>
      %sub3A_505 = vector.broadcast %get3A_35 : f32 to vector<8x128xf32>
      %sub3A_506 = arith.subf %get3A_504, %sub3A_505 : vector<8x128xf32>
      %get3A_507 = arith.constant 10 : index
      %get3A_508 = arith.constant 0 : index
      %get3A_509 = arith.constant 0 : index
      %get3A_510 = vector.load %arg2[%get3A_507, %get3A_508, %get3A_509] : memref<49x8x128xf32, #tpu.memory_space<vmem>>, vector<1x8x128xf32>
      %get3A_511 = vector.shape_cast %get3A_510 : vector<1x8x128xf32> to vector<8x128xf32>
      %sub3A_512 = vector.broadcast %get3A_38 : f32 to vector<8x128xf32>
      %sub3A_513 = arith.subf %get3A_511, %sub3A_512 : vector<8x128xf32>
      %mul3A_514 = arith.mulf %sub3A_499, %sub3A_499 : vector<8x128xf32>
      %mul3A_515 = arith.mulf %sub3A_513, %sub3A_513 : vector<8x128xf32>
      %add3A_516 = arith.addf %mul3A_514, %mul3A_515 : vector<8x128xf32>
      %mul3A_517 = arith.mulf %sub3A_506, %sub3A_506 : vector<8x128xf32>
      %add3A_518 = arith.addf %add3A_516, %mul3A_517 : vector<8x128xf32>
      %get3A_519 = arith.constant 10 : index
      %get3A_520 = arith.constant 0 : index
      %get3A_521 = arith.constant 0 : index
      %get3A_522 = vector.load %arg5[%get3A_519, %get3A_520, %get3A_521] : memref<49x8x128xf32, #tpu.memory_space<vmem>>, vector<1x8x128xf32>
      %get3A_523 = vector.shape_cast %get3A_522 : vector<1x8x128xf32> to vector<8x128xf32>
      %min3A_524 = arith.minimumf %get3A_523, %add3A_518 : vector<8x128xf32>
      %swap3A_525 = arith.constant 10 : index
      %swap3A_526 = arith.constant 0 : index
      %swap3A_527 = arith.constant 0 : index
      %swap3A_528 = vector.load %arg5[%swap3A_525, %swap3A_526, %swap3A_527] : memref<49x8x128xf32, #tpu.memory_space<vmem>>, vector<1x8x128xf32>
      %swap3A_529 = vector.shape_cast %swap3A_528 : vector<1x8x128xf32> to vector<8x128xf32>
      %swap3A_530 = vector.shape_cast %min3A_524 : vector<8x128xf32> to vector<1x8x128xf32>
      tpu.vector_store %arg5[%swap3A_525, %swap3A_526, %swap3A_527], %swap3A_530 {strides = array<i32>} : memref<49x8x128xf32, #tpu.memory_space<vmem>>, vector<1x8x128xf32>,
      %gt3A_531 = arith.cmpf ogt, %min3A_524, %select_n3A_486 : vector<8x128xf32>
      %select_n3A_532 = arith.select %gt3A_531, %min3A_524, %select_n3A_486 : vector<8x128xi1>, vector<8x128xf32>
      %get3A_533 = arith.constant 10 : index
      %get3A_534 = arith.constant 0 : index
      %get3A_535 = arith.constant 0 : index
      %get3A_536 = vector.load %arg6[%get3A_533, %get3A_534, %get3A_535] : memref<49x8x128xf32, #tpu.memory_space<vmem>>, vector<1x8x128xf32>
      %get3A_537 = vector.shape_cast %get3A_536 : vector<1x8x128xf32> to vector<8x128xf32>
      %select_n3A_538 = arith.select %gt3A_531, %get3A_537, %select_n3A_492 : vector<8x128xi1>, vector<8x128xf32>
      %get3A_539 = arith.constant 11 : index
      %get3A_540 = arith.constant 0 : index
      %get3A_541 = arith.constant 0 : index
      %get3A_542 = vector.load %arg0[%get3A_539, %get3A_540, %get3A_541] : memref<49x8x128xf32, #tpu.memory_space<vmem>>, vector<1x8x128xf32>
      %get3A_543 = vector.shape_cast %get3A_542 : vector<1x8x128xf32> to vector<8x128xf32>
      %sub3A_544 = vector.broadcast %get3A_32 : f32 to vector<8x128xf32>
      %sub3A_545 = arith.subf %get3A_543, %sub3A_544 : vector<8x128xf32>
      %get3A_546 = arith.constant 11 : index
      %get3A_547 = arith.constant 0 : index
      %get3A_548 = arith.constant 0 : index
      %get3A_549 = vector.load %arg1[%get3A_546, %get3A_547, %get3A_548] : memref<49x8x128xf32, #tpu.memory_space<vmem>>, vector<1x8x128xf32>
      %get3A_550 = vector.shape_cast %get3A_549 : vector<1x8x128xf32> to vector<8x128xf32>
      %sub3A_551 = vector.broadcast %get3A_35 : f32 to vector<8x128xf32>
      %sub3A_552 = arith.subf %get3A_550, %sub3A_551 : vector<8x128xf32>
      %get3A_553 = arith.constant 11 : index
      %get3A_554 = arith.constant 0 : index
      %get3A_555 = arith.constant 0 : index
      %get3A_556 = vector.load %arg2[%get3A_553, %get3A_554, %get3A_555] : memref<49x8x128xf32, #tpu.memory_space<vmem>>, vector<1x8x128xf32>
      %get3A_557 = vector.shape_cast %get3A_556 : vector<1x8x128xf32> to vector<8x128xf32>
      %sub3A_558 = vector.broadcast %get3A_38 : f32 to vector<8x128xf32>
      %sub3A_559 = arith.subf %get3A_557, %sub3A_558 : vector<8x128xf32>
      %mul3A_560 = arith.mulf %sub3A_545, %sub3A_545 : vector<8x128xf32>
      %mul3A_561 = arith.mulf %sub3A_559, %sub3A_559 : vector<8x128xf32>
      %add3A_562 = arith.addf %mul3A_560, %mul3A_561 : vector<8x128xf32>
      %mul3A_563 = arith.mulf %sub3A_552, %sub3A_552 : vector<8x128xf32>
      %add3A_564 = arith.addf %add3A_562, %mul3A_563 : vector<8x128xf32>
      %get3A_565 = arith.constant 11 : index
      %get3A_566 = arith.constant 0 : index
      %get3A_567 = arith.constant 0 : index
      %get3A_568 = vector.load %arg5[%get3A_565, %get3A_566, %get3A_567] : memref<49x8x128xf32, #tpu.memory_space<vmem>>, vector<1x8x128xf32>
      %get3A_569 = vector.shape_cast %get3A_568 : vector<1x8x128xf32> to vector<8x128xf32>
      %min3A_570 = arith.minimumf %get3A_569, %add3A_564 : vector<8x128xf32>
      %swap3A_571 = arith.constant 11 : index
      %swap3A_572 = arith.constant 0 : index
      %swap3A_573 = arith.constant 0 : index
      %swap3A_574 = vector.load %arg5[%swap3A_571, %swap3A_572, %swap3A_573] : memref<49x8x128xf32, #tpu.memory_space<vmem>>, vector<1x8x128xf32>
      %swap3A_575 = vector.shape_cast %swap3A_574 : vector<1x8x128xf32> to vector<8x128xf32>
      %swap3A_576 = vector.shape_cast %min3A_570 : vector<8x128xf32> to vector<1x8x128xf32>
      tpu.vector_store %arg5[%swap3A_571, %swap3A_572, %swap3A_573], %swap3A_576 {strides = array<i32>} : memref<49x8x128xf32, #tpu.memory_space<vmem>>, vector<1x8x128xf32>,
      %gt3A_577 = arith.cmpf ogt, %min3A_570, %select_n3A_532 : vector<8x128xf32>
      %select_n3A_578 = arith.select %gt3A_577, %min3A_570, %select_n3A_532 : vector<8x128xi1>, vector<8x128xf32>
      %get3A_579 = arith.constant 11 : index
      %get3A_580 = arith.constant 0 : index
      %get3A_581 = arith.constant 0 : index
      %get3A_582 = vector.load %arg6[%get3A_579, %get3A_580, %get3A_581] : memref<49x8x128xf32, #tpu.memory_space<vmem>>, vector<1x8x128xf32>
      %get3A_583 = vector.shape_cast %get3A_582 : vector<1x8x128xf32> to vector<8x128xf32>
      %select_n3A_584 = arith.select %gt3A_577, %get3A_583, %select_n3A_538 : vector<8x128xi1>, vector<8x128xf32>
      %get3A_585 = arith.constant 12 : index
      %get3A_586 = arith.constant 0 : index
      %get3A_587 = arith.constant 0 : index
      %get3A_588 = vector.load %arg0[%get3A_585, %get3A_586, %get3A_587] : memref<49x8x128xf32, #tpu.memory_space<vmem>>, vector<1x8x128xf32>
      %get3A_589 = vector.shape_cast %get3A_588 : vector<1x8x128xf32> to vector<8x128xf32>
      %sub3A_590 = vector.broadcast %get3A_32 : f32 to vector<8x128xf32>
      %sub3A_591 = arith.subf %get3A_589, %sub3A_590 : vector<8x128xf32>
      %get3A_592 = arith.constant 12 : index
      %get3A_593 = arith.constant 0 : index
      %get3A_594 = arith.constant 0 : index
      %get3A_595 = vector.load %arg1[%get3A_592, %get3A_593, %get3A_594] : memref<49x8x128xf32, #tpu.memory_space<vmem>>, vector<1x8x128xf32>
      %get3A_596 = vector.shape_cast %get3A_595 : vector<1x8x128xf32> to vector<8x128xf32>
      %sub3A_597 = vector.broadcast %get3A_35 : f32 to vector<8x128xf32>
      %sub3A_598 = arith.subf %get3A_596, %sub3A_597 : vector<8x128xf32>
      %get3A_599 = arith.constant 12 : index
      %get3A_600 = arith.constant 0 : index
      %get3A_601 = arith.constant 0 : index
      %get3A_602 = vector.load %arg2[%get3A_599, %get3A_600, %get3A_601] : memref<49x8x128xf32, #tpu.memory_space<vmem>>, vector<1x8x128xf32>
      %get3A_603 = vector.shape_cast %get3A_602 : vector<1x8x128xf32> to vector<8x128xf32>
      %sub3A_604 = vector.broadcast %get3A_38 : f32 to vector<8x128xf32>
      %sub3A_605 = arith.subf %get3A_603, %sub3A_604 : vector<8x128xf32>
      %mul3A_606 = arith.mulf %sub3A_591, %sub3A_591 : vector<8x128xf32>
      %mul3A_607 = arith.mulf %sub3A_605, %sub3A_605 : vector<8x128xf32>
      %add3A_608 = arith.addf %mul3A_606, %mul3A_607 : vector<8x128xf32>
      %mul3A_609 = arith.mulf %sub3A_598, %sub3A_598 : vector<8x128xf32>
      %add3A_610 = arith.addf %add3A_608, %mul3A_609 : vector<8x128xf32>
      %get3A_611 = arith.constant 12 : index
      %get3A_612 = arith.constant 0 : index
      %get3A_613 = arith.constant 0 : index
      %get3A_614 = vector.load %arg5[%get3A_611, %get3A_612, %get3A_613] : memref<49x8x128xf32, #tpu.memory_space<vmem>>, vector<1x8x128xf32>
      %get3A_615 = vector.shape_cast %get3A_614 : vector<1x8x128xf32> to vector<8x128xf32>
      %min3A_616 = arith.minimumf %get3A_615, %add3A_610 : vector<8x128xf32>
      %swap3A_617 = arith.constant 12 : index
      %swap3A_618 = arith.constant 0 : index
      %swap3A_619 = arith.constant 0 : index
      %swap3A_620 = vector.load %arg5[%swap3A_617, %swap3A_618, %swap3A_619] : memref<49x8x128xf32, #tpu.memory_space<vmem>>, vector<1x8x128xf32>
      %swap3A_621 = vector.shape_cast %swap3A_620 : vector<1x8x128xf32> to vector<8x128xf32>
      %swap3A_622 = vector.shape_cast %min3A_616 : vector<8x128xf32> to vector<1x8x128xf32>
      tpu.vector_store %arg5[%swap3A_617, %swap3A_618, %swap3A_619], %swap3A_622 {strides = array<i32>} : memref<49x8x128xf32, #tpu.memory_space<vmem>>, vector<1x8x128xf32>,
      %gt3A_623 = arith.cmpf ogt, %min3A_616, %select_n3A_578 : vector<8x128xf32>
      %select_n3A_624 = arith.select %gt3A_623, %min3A_616, %select_n3A_578 : vector<8x128xi1>, vector<8x128xf32>
      %get3A_625 = arith.constant 12 : index
      %get3A_626 = arith.constant 0 : index
      %get3A_627 = arith.constant 0 : index
      %get3A_628 = vector.load %arg6[%get3A_625, %get3A_626, %get3A_627] : memref<49x8x128xf32, #tpu.memory_space<vmem>>, vector<1x8x128xf32>
      %get3A_629 = vector.shape_cast %get3A_628 : vector<1x8x128xf32> to vector<8x128xf32>
      %select_n3A_630 = arith.select %gt3A_623, %get3A_629, %select_n3A_584 : vector<8x128xi1>, vector<8x128xf32>
      %get3A_631 = arith.constant 13 : index
      %get3A_632 = arith.constant 0 : index
      %get3A_633 = arith.constant 0 : index
      %get3A_634 = vector.load %arg0[%get3A_631, %get3A_632, %get3A_633] : memref<49x8x128xf32, #tpu.memory_space<vmem>>, vector<1x8x128xf32>
      %get3A_635 = vector.shape_cast %get3A_634 : vector<1x8x128xf32> to vector<8x128xf32>
      %sub3A_636 = vector.broadcast %get3A_32 : f32 to vector<8x128xf32>
      %sub3A_637 = arith.subf %get3A_635, %sub3A_636 : vector<8x128xf32>
      %get3A_638 = arith.constant 13 : index
      %get3A_639 = arith.constant 0 : index
      %get3A_640 = arith.constant 0 : index
      %get3A_641 = vector.load %arg1[%get3A_638, %get3A_639, %get3A_640] : memref<49x8x128xf32, #tpu.memory_space<vmem>>, vector<1x8x128xf32>
      %get3A_642 = vector.shape_cast %get3A_641 : vector<1x8x128xf32> to vector<8x128xf32>
      %sub3A_643 = vector.broadcast %get3A_35 : f32 to vector<8x128xf32>
      %sub3A_644 = arith.subf %get3A_642, %sub3A_643 : vector<8x128xf32>
      %get3A_645 = arith.constant 13 : index
      %get3A_646 = arith.constant 0 : index
      %get3A_647 = arith.constant 0 : index
      %get3A_648 = vector.load %arg2[%get3A_645, %get3A_646, %get3A_647] : memref<49x8x128xf32, #tpu.memory_space<vmem>>, vector<1x8x128xf32>
      %get3A_649 = vector.shape_cast %get3A_648 : vector<1x8x128xf32> to vector<8x128xf32>
      %sub3A_650 = vector.broadcast %get3A_38 : f32 to vector<8x128xf32>
      %sub3A_651 = arith.subf %get3A_649, %sub3A_650 : vector<8x128xf32>
      %mul3A_652 = arith.mulf %sub3A_637, %sub3A_637 : vector<8x128xf32>
      %mul3A_653 = arith.mulf %sub3A_651, %sub3A_651 : vector<8x128xf32>
      %add3A_654 = arith.addf %mul3A_652, %mul3A_653 : vector<8x128xf32>
      %mul3A_655 = arith.mulf %sub3A_644, %sub3A_644 : vector<8x128xf32>
      %add3A_656 = arith.addf %add3A_654, %mul3A_655 : vector<8x128xf32>
      %get3A_657 = arith.constant 13 : index
      %get3A_658 = arith.constant 0 : index
      %get3A_659 = arith.constant 0 : index
      %get3A_660 = vector.load %arg5[%get3A_657, %get3A_658, %get3A_659] : memref<49x8x128xf32, #tpu.memory_space<vmem>>, vector<1x8x128xf32>
      %get3A_661 = vector.shape_cast %get3A_660 : vector<1x8x128xf32> to vector<8x128xf32>
      %min3A_662 = arith.minimumf %get3A_661, %add3A_656 : vector<8x128xf32>
      %swap3A_663 = arith.constant 13 : index
      %swap3A_664 = arith.constant 0 : index
      %swap3A_665 = arith.constant 0 : index
      %swap3A_666 = vector.load %arg5[%swap3A_663, %swap3A_664, %swap3A_665] : memref<49x8x128xf32, #tpu.memory_space<vmem>>, vector<1x8x128xf32>
      %swap3A_667 = vector.shape_cast %swap3A_666 : vector<1x8x128xf32> to vector<8x128xf32>
      %swap3A_668 = vector.shape_cast %min3A_662 : vector<8x128xf32> to vector<1x8x128xf32>
      tpu.vector_store %arg5[%swap3A_663, %swap3A_664, %swap3A_665], %swap3A_668 {strides = array<i32>} : memref<49x8x128xf32, #tpu.memory_space<vmem>>, vector<1x8x128xf32>,
      %get3A_669 = arith.constant 13 : index
      %get3A_670 = arith.constant 0 : index
      %get3A_671 = arith.constant 0 : index
      %get3A_672 = vector.load %arg6[%get3A_669, %get3A_670, %get3A_671] : memref<49x8x128xf32, #tpu.memory_space<vmem>>, vector<1x8x128xf32>
      %get3A_673 = vector.shape_cast %get3A_672 : vector<1x8x128xf32> to vector<8x128xf32>
      %get3A_674 = arith.constant 14 : index
      %get3A_675 = arith.constant 0 : index
      %get3A_676 = arith.constant 0 : index
      %get3A_677 = vector.load %arg0[%get3A_674, %get3A_675, %get3A_676] : memref<49x8x128xf32, #tpu.memory_space<vmem>>, vector<1x8x128xf32>
      %get3A_678 = vector.shape_cast %get3A_677 : vector<1x8x128xf32> to vector<8x128xf32>
      %sub3A_679 = vector.broadcast %get3A_32 : f32 to vector<8x128xf32>
      %sub3A_680 = arith.subf %get3A_678, %sub3A_679 : vector<8x128xf32>
      %get3A_681 = arith.constant 14 : index
      %get3A_682 = arith.constant 0 : index
      %get3A_683 = arith.constant 0 : index
      %get3A_684 = vector.load %arg1[%get3A_681, %get3A_682, %get3A_683] : memref<49x8x128xf32, #tpu.memory_space<vmem>>, vector<1x8x128xf32>
      %get3A_685 = vector.shape_cast %get3A_684 : vector<1x8x128xf32> to vector<8x128xf32>
      %sub3A_686 = vector.broadcast %get3A_35 : f32 to vector<8x128xf32>
      %sub3A_687 = arith.subf %get3A_685, %sub3A_686 : vector<8x128xf32>
      %get3A_688 = arith.constant 14 : index
      %get3A_689 = arith.constant 0 : index
      %get3A_690 = arith.constant 0 : index
      %get3A_691 = vector.load %arg2[%get3A_688, %get3A_689, %get3A_690] : memref<49x8x128xf32, #tpu.memory_space<vmem>>, vector<1x8x128xf32>
      %get3A_692 = vector.shape_cast %get3A_691 : vector<1x8x128xf32> to vector<8x128xf32>
      %sub3A_693 = vector.broadcast %get3A_38 : f32 to vector<8x128xf32>
      %sub3A_694 = arith.subf %get3A_692, %sub3A_693 : vector<8x128xf32>
      %mul3A_695 = arith.mulf %sub3A_680, %sub3A_680 : vector<8x128xf32>
      %mul3A_696 = arith.mulf %sub3A_694, %sub3A_694 : vector<8x128xf32>
      %add3A_697 = arith.addf %mul3A_695, %mul3A_696 : vector<8x128xf32>
      %mul3A_698 = arith.mulf %sub3A_687, %sub3A_687 : vector<8x128xf32>
      %add3A_699 = arith.addf %add3A_697, %mul3A_698 : vector<8x128xf32>
      %get3A_700 = arith.constant 14 : index
      %get3A_701 = arith.constant 0 : index
      %get3A_702 = arith.constant 0 : index
      %get3A_703 = vector.load %arg5[%get3A_700, %get3A_701, %get3A_702] : memref<49x8x128xf32, #tpu.memory_space<vmem>>, vector<1x8x128xf32>
      %get3A_704 = vector.shape_cast %get3A_703 : vector<1x8x128xf32> to vector<8x128xf32>
      %min3A_705 = arith.minimumf %get3A_704, %add3A_699 : vector<8x128xf32>
      %swap3A_706 = arith.constant 14 : index
      %swap3A_707 = arith.constant 0 : index
      %swap3A_708 = arith.constant 0 : index
      %swap3A_709 = vector.load %arg5[%swap3A_706, %swap3A_707, %swap3A_708] : memref<49x8x128xf32, #tpu.memory_space<vmem>>, vector<1x8x128xf32>
      %swap3A_710 = vector.shape_cast %swap3A_709 : vector<1x8x128xf32> to vector<8x128xf32>
      %swap3A_711 = vector.shape_cast %min3A_705 : vector<8x128xf32> to vector<1x8x128xf32>
      tpu.vector_store %arg5[%swap3A_706, %swap3A_707, %swap3A_708], %swap3A_711 {strides = array<i32>} : memref<49x8x128xf32, #tpu.memory_space<vmem>>, vector<1x8x128xf32>,
      %gt3A_712 = arith.cmpf ogt, %min3A_705, %min3A_662 : vector<8x128xf32>
      %select_n3A_713 = arith.select %gt3A_712, %min3A_705, %min3A_662 : vector<8x128xi1>, vector<8x128xf32>
      %get3A_714 = arith.constant 14 : index
      %get3A_715 = arith.constant 0 : index
      %get3A_716 = arith.constant 0 : index
      %get3A_717 = vector.load %arg6[%get3A_714, %get3A_715, %get3A_716] : memref<49x8x128xf32, #tpu.memory_space<vmem>>, vector<1x8x128xf32>
      %get3A_718 = vector.shape_cast %get3A_717 : vector<1x8x128xf32> to vector<8x128xf32>
      %select_n3A_719 = arith.select %gt3A_712, %get3A_718, %get3A_673 : vector<8x128xi1>, vector<8x128xf32>
      %get3A_720 = arith.constant 15 : index
      %get3A_721 = arith.constant 0 : index
      %get3A_722 = arith.constant 0 : index
      %get3A_723 = vector.load %arg0[%get3A_720, %get3A_721, %get3A_722] : memref<49x8x128xf32, #tpu.memory_space<vmem>>, vector<1x8x128xf32>
      %get3A_724 = vector.shape_cast %get3A_723 : vector<1x8x128xf32> to vector<8x128xf32>
      %sub3A_725 = vector.broadcast %get3A_32 : f32 to vector<8x128xf32>
      %sub3A_726 = arith.subf %get3A_724, %sub3A_725 : vector<8x128xf32>
      %get3A_727 = arith.constant 15 : index
      %get3A_728 = arith.constant 0 : index
      %get3A_729 = arith.constant 0 : index
      %get3A_730 = vector.load %arg1[%get3A_727, %get3A_728, %get3A_729] : memref<49x8x128xf32, #tpu.memory_space<vmem>>, vector<1x8x128xf32>
      %get3A_731 = vector.shape_cast %get3A_730 : vector<1x8x128xf32> to vector<8x128xf32>
      %sub3A_732 = vector.broadcast %get3A_35 : f32 to vector<8x128xf32>
      %sub3A_733 = arith.subf %get3A_731, %sub3A_732 : vector<8x128xf32>
      %get3A_734 = arith.constant 15 : index
      %get3A_735 = arith.constant 0 : index
      %get3A_736 = arith.constant 0 : index
      %get3A_737 = vector.load %arg2[%get3A_734, %get3A_735, %get3A_736] : memref<49x8x128xf32, #tpu.memory_space<vmem>>, vector<1x8x128xf32>
      %get3A_738 = vector.shape_cast %get3A_737 : vector<1x8x128xf32> to vector<8x128xf32>
      %sub3A_739 = vector.broadcast %get3A_38 : f32 to vector<8x128xf32>
      %sub3A_740 = arith.subf %get3A_738, %sub3A_739 : vector<8x128xf32>
      %mul3A_741 = arith.mulf %sub3A_726, %sub3A_726 : vector<8x128xf32>
      %mul3A_742 = arith.mulf %sub3A_740, %sub3A_740 : vector<8x128xf32>
      %add3A_743 = arith.addf %mul3A_741, %mul3A_742 : vector<8x128xf32>
      %mul3A_744 = arith.mulf %sub3A_733, %sub3A_733 : vector<8x128xf32>
      %add3A_745 = arith.addf %add3A_743, %mul3A_744 : vector<8x128xf32>
      %get3A_746 = arith.constant 15 : index
      %get3A_747 = arith.constant 0 : index
      %get3A_748 = arith.constant 0 : index
      %get3A_749 = vector.load %arg5[%get3A_746, %get3A_747, %get3A_748] : memref<49x8x128xf32, #tpu.memory_space<vmem>>, vector<1x8x128xf32>
      %get3A_750 = vector.shape_cast %get3A_749 : vector<1x8x128xf32> to vector<8x128xf32>
      %min3A_751 = arith.minimumf %get3A_750, %add3A_745 : vector<8x128xf32>
      %swap3A_752 = arith.constant 15 : index
      %swap3A_753 = arith.constant 0 : index
      %swap3A_754 = arith.constant 0 : index
      %swap3A_755 = vector.load %arg5[%swap3A_752, %swap3A_753, %swap3A_754] : memref<49x8x128xf32, #tpu.memory_space<vmem>>, vector<1x8x128xf32>
      %swap3A_756 = vector.shape_cast %swap3A_755 : vector<1x8x128xf32> to vector<8x128xf32>
      %swap3A_757 = vector.shape_cast %min3A_751 : vector<8x128xf32> to vector<1x8x128xf32>
      tpu.vector_store %arg5[%swap3A_752, %swap3A_753, %swap3A_754], %swap3A_757 {strides = array<i32>} : memref<49x8x128xf32, #tpu.memory_space<vmem>>, vector<1x8x128xf32>,
      %gt3A_758 = arith.cmpf ogt, %min3A_751, %select_n3A_713 : vector<8x128xf32>
      %select_n3A_759 = arith.select %gt3A_758, %min3A_751, %select_n3A_713 : vector<8x128xi1>, vector<8x128xf32>
      %get3A_760 = arith.constant 15 : index
      %get3A_761 = arith.constant 0 : index
      %get3A_762 = arith.constant 0 : index
      %get3A_763 = vector.load %arg6[%get3A_760, %get3A_761, %get3A_762] : memref<49x8x128xf32, #tpu.memory_space<vmem>>, vector<1x8x128xf32>
      %get3A_764 = vector.shape_cast %get3A_763 : vector<1x8x128xf32> to vector<8x128xf32>
      %select_n3A_765 = arith.select %gt3A_758, %get3A_764, %select_n3A_719 : vector<8x128xi1>, vector<8x128xf32>
      %get3A_766 = arith.constant 16 : index
      %get3A_767 = arith.constant 0 : index
      %get3A_768 = arith.constant 0 : index
      %get3A_769 = vector.load %arg0[%get3A_766, %get3A_767, %get3A_768] : memref<49x8x128xf32, #tpu.memory_space<vmem>>, vector<1x8x128xf32>
      %get3A_770 = vector.shape_cast %get3A_769 : vector<1x8x128xf32> to vector<8x128xf32>
      %sub3A_771 = vector.broadcast %get3A_32 : f32 to vector<8x128xf32>
      %sub3A_772 = arith.subf %get3A_770, %sub3A_771 : vector<8x128xf32>
      %get3A_773 = arith.constant 16 : index
      %get3A_774 = arith.constant 0 : index
      %get3A_775 = arith.constant 0 : index
      %get3A_776 = vector.load %arg1[%get3A_773, %get3A_774, %get3A_775] : memref<49x8x128xf32, #tpu.memory_space<vmem>>, vector<1x8x128xf32>
      %get3A_777 = vector.shape_cast %get3A_776 : vector<1x8x128xf32> to vector<8x128xf32>
      %sub3A_778 = vector.broadcast %get3A_35 : f32 to vector<8x128xf32>
      %sub3A_779 = arith.subf %get3A_777, %sub3A_778 : vector<8x128xf32>
      %get3A_780 = arith.constant 16 : index
      %get3A_781 = arith.constant 0 : index
      %get3A_782 = arith.constant 0 : index
      %get3A_783 = vector.load %arg2[%get3A_780, %get3A_781, %get3A_782] : memref<49x8x128xf32, #tpu.memory_space<vmem>>, vector<1x8x128xf32>
      %get3A_784 = vector.shape_cast %get3A_783 : vector<1x8x128xf32> to vector<8x128xf32>
      %sub3A_785 = vector.broadcast %get3A_38 : f32 to vector<8x128xf32>
      %sub3A_786 = arith.subf %get3A_784, %sub3A_785 : vector<8x128xf32>
      %mul3A_787 = arith.mulf %sub3A_772, %sub3A_772 : vector<8x128xf32>
      %mul3A_788 = arith.mulf %sub3A_786, %sub3A_786 : vector<8x128xf32>
      %add3A_789 = arith.addf %mul3A_787, %mul3A_788 : vector<8x128xf32>
      %mul3A_790 = arith.mulf %sub3A_779, %sub3A_779 : vector<8x128xf32>
      %add3A_791 = arith.addf %add3A_789, %mul3A_790 : vector<8x128xf32>
      %get3A_792 = arith.constant 16 : index
      %get3A_793 = arith.constant 0 : index
      %get3A_794 = arith.constant 0 : index
      %get3A_795 = vector.load %arg5[%get3A_792, %get3A_793, %get3A_794] : memref<49x8x128xf32, #tpu.memory_space<vmem>>, vector<1x8x128xf32>
      %get3A_796 = vector.shape_cast %get3A_795 : vector<1x8x128xf32> to vector<8x128xf32>
      %min3A_797 = arith.minimumf %get3A_796, %add3A_791 : vector<8x128xf32>
      %swap3A_798 = arith.constant 16 : index
      %swap3A_799 = arith.constant 0 : index
      %swap3A_800 = arith.constant 0 : index
      %swap3A_801 = vector.load %arg5[%swap3A_798, %swap3A_799, %swap3A_800] : memref<49x8x128xf32, #tpu.memory_space<vmem>>, vector<1x8x128xf32>
      %swap3A_802 = vector.shape_cast %swap3A_801 : vector<1x8x128xf32> to vector<8x128xf32>
      %swap3A_803 = vector.shape_cast %min3A_797 : vector<8x128xf32> to vector<1x8x128xf32>
      tpu.vector_store %arg5[%swap3A_798, %swap3A_799, %swap3A_800], %swap3A_803 {strides = array<i32>} : memref<49x8x128xf32, #tpu.memory_space<vmem>>, vector<1x8x128xf32>,
      %gt3A_804 = arith.cmpf ogt, %min3A_797, %select_n3A_759 : vector<8x128xf32>
      %select_n3A_805 = arith.select %gt3A_804, %min3A_797, %select_n3A_759 : vector<8x128xi1>, vector<8x128xf32>
      %get3A_806 = arith.constant 16 : index
      %get3A_807 = arith.constant 0 : index
      %get3A_808 = arith.constant 0 : index
      %get3A_809 = vector.load %arg6[%get3A_806, %get3A_807, %get3A_808] : memref<49x8x128xf32, #tpu.memory_space<vmem>>, vector<1x8x128xf32>
      %get3A_810 = vector.shape_cast %get3A_809 : vector<1x8x128xf32> to vector<8x128xf32>
      %select_n3A_811 = arith.select %gt3A_804, %get3A_810, %select_n3A_765 : vector<8x128xi1>, vector<8x128xf32>
      %get3A_812 = arith.constant 17 : index
      %get3A_813 = arith.constant 0 : index
      %get3A_814 = arith.constant 0 : index
      %get3A_815 = vector.load %arg0[%get3A_812, %get3A_813, %get3A_814] : memref<49x8x128xf32, #tpu.memory_space<vmem>>, vector<1x8x128xf32>
      %get3A_816 = vector.shape_cast %get3A_815 : vector<1x8x128xf32> to vector<8x128xf32>
      %sub3A_817 = vector.broadcast %get3A_32 : f32 to vector<8x128xf32>
      %sub3A_818 = arith.subf %get3A_816, %sub3A_817 : vector<8x128xf32>
      %get3A_819 = arith.constant 17 : index
      %get3A_820 = arith.constant 0 : index
      %get3A_821 = arith.constant 0 : index
      %get3A_822 = vector.load %arg1[%get3A_819, %get3A_820, %get3A_821] : memref<49x8x128xf32, #tpu.memory_space<vmem>>, vector<1x8x128xf32>
      %get3A_823 = vector.shape_cast %get3A_822 : vector<1x8x128xf32> to vector<8x128xf32>
      %sub3A_824 = vector.broadcast %get3A_35 : f32 to vector<8x128xf32>
      %sub3A_825 = arith.subf %get3A_823, %sub3A_824 : vector<8x128xf32>
      %get3A_826 = arith.constant 17 : index
      %get3A_827 = arith.constant 0 : index
      %get3A_828 = arith.constant 0 : index
      %get3A_829 = vector.load %arg2[%get3A_826, %get3A_827, %get3A_828] : memref<49x8x128xf32, #tpu.memory_space<vmem>>, vector<1x8x128xf32>
      %get3A_830 = vector.shape_cast %get3A_829 : vector<1x8x128xf32> to vector<8x128xf32>
      %sub3A_831 = vector.broadcast %get3A_38 : f32 to vector<8x128xf32>
      %sub3A_832 = arith.subf %get3A_830, %sub3A_831 : vector<8x128xf32>
      %mul3A_833 = arith.mulf %sub3A_818, %sub3A_818 : vector<8x128xf32>
      %mul3A_834 = arith.mulf %sub3A_832, %sub3A_832 : vector<8x128xf32>
      %add3A_835 = arith.addf %mul3A_833, %mul3A_834 : vector<8x128xf32>
      %mul3A_836 = arith.mulf %sub3A_825, %sub3A_825 : vector<8x128xf32>
      %add3A_837 = arith.addf %add3A_835, %mul3A_836 : vector<8x128xf32>
      %get3A_838 = arith.constant 17 : index
      %get3A_839 = arith.constant 0 : index
      %get3A_840 = arith.constant 0 : index
      %get3A_841 = vector.load %arg5[%get3A_838, %get3A_839, %get3A_840] : memref<49x8x128xf32, #tpu.memory_space<vmem>>, vector<1x8x128xf32>
      %get3A_842 = vector.shape_cast %get3A_841 : vector<1x8x128xf32> to vector<8x128xf32>
      %min3A_843 = arith.minimumf %get3A_842, %add3A_837 : vector<8x128xf32>
      %swap3A_844 = arith.constant 17 : index
      %swap3A_845 = arith.constant 0 : index
      %swap3A_846 = arith.constant 0 : index
      %swap3A_847 = vector.load %arg5[%swap3A_844, %swap3A_845, %swap3A_846] : memref<49x8x128xf32, #tpu.memory_space<vmem>>, vector<1x8x128xf32>
      %swap3A_848 = vector.shape_cast %swap3A_847 : vector<1x8x128xf32> to vector<8x128xf32>
      %swap3A_849 = vector.shape_cast %min3A_843 : vector<8x128xf32> to vector<1x8x128xf32>
      tpu.vector_store %arg5[%swap3A_844, %swap3A_845, %swap3A_846], %swap3A_849 {strides = array<i32>} : memref<49x8x128xf32, #tpu.memory_space<vmem>>, vector<1x8x128xf32>,
      %gt3A_850 = arith.cmpf ogt, %min3A_843, %select_n3A_805 : vector<8x128xf32>
      %select_n3A_851 = arith.select %gt3A_850, %min3A_843, %select_n3A_805 : vector<8x128xi1>, vector<8x128xf32>
      %get3A_852 = arith.constant 17 : index
      %get3A_853 = arith.constant 0 : index
      %get3A_854 = arith.constant 0 : index
      %get3A_855 = vector.load %arg6[%get3A_852, %get3A_853, %get3A_854] : memref<49x8x128xf32, #tpu.memory_space<vmem>>, vector<1x8x128xf32>
      %get3A_856 = vector.shape_cast %get3A_855 : vector<1x8x128xf32> to vector<8x128xf32>
      %select_n3A_857 = arith.select %gt3A_850, %get3A_856, %select_n3A_811 : vector<8x128xi1>, vector<8x128xf32>
      %get3A_858 = arith.constant 18 : index
      %get3A_859 = arith.constant 0 : index
      %get3A_860 = arith.constant 0 : index
      %get3A_861 = vector.load %arg0[%get3A_858, %get3A_859, %get3A_860] : memref<49x8x128xf32, #tpu.memory_space<vmem>>, vector<1x8x128xf32>
      %get3A_862 = vector.shape_cast %get3A_861 : vector<1x8x128xf32> to vector<8x128xf32>
      %sub3A_863 = vector.broadcast %get3A_32 : f32 to vector<8x128xf32>
      %sub3A_864 = arith.subf %get3A_862, %sub3A_863 : vector<8x128xf32>
      %get3A_865 = arith.constant 18 : index
      %get3A_866 = arith.constant 0 : index
      %get3A_867 = arith.constant 0 : index
      %get3A_868 = vector.load %arg1[%get3A_865, %get3A_866, %get3A_867] : memref<49x8x128xf32, #tpu.memory_space<vmem>>, vector<1x8x128xf32>
      %get3A_869 = vector.shape_cast %get3A_868 : vector<1x8x128xf32> to vector<8x128xf32>
      %sub3A_870 = vector.broadcast %get3A_35 : f32 to vector<8x128xf32>
      %sub3A_871 = arith.subf %get3A_869, %sub3A_870 : vector<8x128xf32>
      %get3A_872 = arith.constant 18 : index
      %get3A_873 = arith.constant 0 : index
      %get3A_874 = arith.constant 0 : index
      %get3A_875 = vector.load %arg2[%get3A_872, %get3A_873, %get3A_874] : memref<49x8x128xf32, #tpu.memory_space<vmem>>, vector<1x8x128xf32>
      %get3A_876 = vector.shape_cast %get3A_875 : vector<1x8x128xf32> to vector<8x128xf32>
      %sub3A_877 = vector.broadcast %get3A_38 : f32 to vector<8x128xf32>
      %sub3A_878 = arith.subf %get3A_876, %sub3A_877 : vector<8x128xf32>
      %mul3A_879 = arith.mulf %sub3A_864, %sub3A_864 : vector<8x128xf32>
      %mul3A_880 = arith.mulf %sub3A_878, %sub3A_878 : vector<8x128xf32>
      %add3A_881 = arith.addf %mul3A_879, %mul3A_880 : vector<8x128xf32>
      %mul3A_882 = arith.mulf %sub3A_871, %sub3A_871 : vector<8x128xf32>
      %add3A_883 = arith.addf %add3A_881, %mul3A_882 : vector<8x128xf32>
      %get3A_884 = arith.constant 18 : index
      %get3A_885 = arith.constant 0 : index
      %get3A_886 = arith.constant 0 : index
      %get3A_887 = vector.load %arg5[%get3A_884, %get3A_885, %get3A_886] : memref<49x8x128xf32, #tpu.memory_space<vmem>>, vector<1x8x128xf32>
      %get3A_888 = vector.shape_cast %get3A_887 : vector<1x8x128xf32> to vector<8x128xf32>
      %min3A_889 = arith.minimumf %get3A_888, %add3A_883 : vector<8x128xf32>
      %swap3A_890 = arith.constant 18 : index
      %swap3A_891 = arith.constant 0 : index
      %swap3A_892 = arith.constant 0 : index
      %swap3A_893 = vector.load %arg5[%swap3A_890, %swap3A_891, %swap3A_892] : memref<49x8x128xf32, #tpu.memory_space<vmem>>, vector<1x8x128xf32>
      %swap3A_894 = vector.shape_cast %swap3A_893 : vector<1x8x128xf32> to vector<8x128xf32>
      %swap3A_895 = vector.shape_cast %min3A_889 : vector<8x128xf32> to vector<1x8x128xf32>
      tpu.vector_store %arg5[%swap3A_890, %swap3A_891, %swap3A_892], %swap3A_895 {strides = array<i32>} : memref<49x8x128xf32, #tpu.memory_space<vmem>>, vector<1x8x128xf32>,
      %gt3A_896 = arith.cmpf ogt, %min3A_889, %select_n3A_851 : vector<8x128xf32>
      %select_n3A_897 = arith.select %gt3A_896, %min3A_889, %select_n3A_851 : vector<8x128xi1>, vector<8x128xf32>
      %get3A_898 = arith.constant 18 : index
      %get3A_899 = arith.constant 0 : index
      %get3A_900 = arith.constant 0 : index
      %get3A_901 = vector.load %arg6[%get3A_898, %get3A_899, %get3A_900] : memref<49x8x128xf32, #tpu.memory_space<vmem>>, vector<1x8x128xf32>
      %get3A_902 = vector.shape_cast %get3A_901 : vector<1x8x128xf32> to vector<8x128xf32>
      %select_n3A_903 = arith.select %gt3A_896, %get3A_902, %select_n3A_857 : vector<8x128xi1>, vector<8x128xf32>
      %get3A_904 = arith.constant 19 : index
      %get3A_905 = arith.constant 0 : index
      %get3A_906 = arith.constant 0 : index
      %get3A_907 = vector.load %arg0[%get3A_904, %get3A_905, %get3A_906] : memref<49x8x128xf32, #tpu.memory_space<vmem>>, vector<1x8x128xf32>
      %get3A_908 = vector.shape_cast %get3A_907 : vector<1x8x128xf32> to vector<8x128xf32>
      %sub3A_909 = vector.broadcast %get3A_32 : f32 to vector<8x128xf32>
      %sub3A_910 = arith.subf %get3A_908, %sub3A_909 : vector<8x128xf32>
      %get3A_911 = arith.constant 19 : index
      %get3A_912 = arith.constant 0 : index
      %get3A_913 = arith.constant 0 : index
      %get3A_914 = vector.load %arg1[%get3A_911, %get3A_912, %get3A_913] : memref<49x8x128xf32, #tpu.memory_space<vmem>>, vector<1x8x128xf32>
      %get3A_915 = vector.shape_cast %get3A_914 : vector<1x8x128xf32> to vector<8x128xf32>
      %sub3A_916 = vector.broadcast %get3A_35 : f32 to vector<8x128xf32>
      %sub3A_917 = arith.subf %get3A_915, %sub3A_916 : vector<8x128xf32>
      %get3A_918 = arith.constant 19 : index
      %get3A_919 = arith.constant 0 : index
      %get3A_920 = arith.constant 0 : index
      %get3A_921 = vector.load %arg2[%get3A_918, %get3A_919, %get3A_920] : memref<49x8x128xf32, #tpu.memory_space<vmem>>, vector<1x8x128xf32>
      %get3A_922 = vector.shape_cast %get3A_921 : vector<1x8x128xf32> to vector<8x128xf32>
      %sub3A_923 = vector.broadcast %get3A_38 : f32 to vector<8x128xf32>
      %sub3A_924 = arith.subf %get3A_922, %sub3A_923 : vector<8x128xf32>
      %mul3A_925 = arith.mulf %sub3A_910, %sub3A_910 : vector<8x128xf32>
      %mul3A_926 = arith.mulf %sub3A_924, %sub3A_924 : vector<8x128xf32>
      %add3A_927 = arith.addf %mul3A_925, %mul3A_926 : vector<8x128xf32>
      %mul3A_928 = arith.mulf %sub3A_917, %sub3A_917 : vector<8x128xf32>
      %add3A_929 = arith.addf %add3A_927, %mul3A_928 : vector<8x128xf32>
      %get3A_930 = arith.constant 19 : index
      %get3A_931 = arith.constant 0 : index
      %get3A_932 = arith.constant 0 : index
      %get3A_933 = vector.load %arg5[%get3A_930, %get3A_931, %get3A_932] : memref<49x8x128xf32, #tpu.memory_space<vmem>>, vector<1x8x128xf32>
      %get3A_934 = vector.shape_cast %get3A_933 : vector<1x8x128xf32> to vector<8x128xf32>
      %min3A_935 = arith.minimumf %get3A_934, %add3A_929 : vector<8x128xf32>
      %swap3A_936 = arith.constant 19 : index
      %swap3A_937 = arith.constant 0 : index
      %swap3A_938 = arith.constant 0 : index
      %swap3A_939 = vector.load %arg5[%swap3A_936, %swap3A_937, %swap3A_938] : memref<49x8x128xf32, #tpu.memory_space<vmem>>, vector<1x8x128xf32>
      %swap3A_940 = vector.shape_cast %swap3A_939 : vector<1x8x128xf32> to vector<8x128xf32>
      %swap3A_941 = vector.shape_cast %min3A_935 : vector<8x128xf32> to vector<1x8x128xf32>
      tpu.vector_store %arg5[%swap3A_936, %swap3A_937, %swap3A_938], %swap3A_941 {strides = array<i32>} : memref<49x8x128xf32, #tpu.memory_space<vmem>>, vector<1x8x128xf32>,
      %gt3A_942 = arith.cmpf ogt, %min3A_935, %select_n3A_897 : vector<8x128xf32>
      %select_n3A_943 = arith.select %gt3A_942, %min3A_935, %select_n3A_897 : vector<8x128xi1>, vector<8x128xf32>
      %get3A_944 = arith.constant 19 : index
      %get3A_945 = arith.constant 0 : index
      %get3A_946 = arith.constant 0 : index
      %get3A_947 = vector.load %arg6[%get3A_944, %get3A_945, %get3A_946] : memref<49x8x128xf32, #tpu.memory_space<vmem>>, vector<1x8x128xf32>
      %get3A_948 = vector.shape_cast %get3A_947 : vector<1x8x128xf32> to vector<8x128xf32>
      %select_n3A_949 = arith.select %gt3A_942, %get3A_948, %select_n3A_903 : vector<8x128xi1>, vector<8x128xf32>
      %get3A_950 = arith.constant 20 : index
      %get3A_951 = arith.constant 0 : index
      %get3A_952 = arith.constant 0 : index
      %get3A_953 = vector.load %arg0[%get3A_950, %get3A_951, %get3A_952] : memref<49x8x128xf32, #tpu.memory_space<vmem>>, vector<1x8x128xf32>
      %get3A_954 = vector.shape_cast %get3A_953 : vector<1x8x128xf32> to vector<8x128xf32>
      %sub3A_955 = vector.broadcast %get3A_32 : f32 to vector<8x128xf32>
      %sub3A_956 = arith.subf %get3A_954, %sub3A_955 : vector<8x128xf32>
      %get3A_957 = arith.constant 20 : index
      %get3A_958 = arith.constant 0 : index
      %get3A_959 = arith.constant 0 : index
      %get3A_960 = vector.load %arg1[%get3A_957, %get3A_958, %get3A_959] : memref<49x8x128xf32, #tpu.memory_space<vmem>>, vector<1x8x128xf32>
      %get3A_961 = vector.shape_cast %get3A_960 : vector<1x8x128xf32> to vector<8x128xf32>
      %sub3A_962 = vector.broadcast %get3A_35 : f32 to vector<8x128xf32>
      %sub3A_963 = arith.subf %get3A_961, %sub3A_962 : vector<8x128xf32>
      %get3A_964 = arith.constant 20 : index
      %get3A_965 = arith.constant 0 : index
      %get3A_966 = arith.constant 0 : index
      %get3A_967 = vector.load %arg2[%get3A_964, %get3A_965, %get3A_966] : memref<49x8x128xf32, #tpu.memory_space<vmem>>, vector<1x8x128xf32>
      %get3A_968 = vector.shape_cast %get3A_967 : vector<1x8x128xf32> to vector<8x128xf32>
      %sub3A_969 = vector.broadcast %get3A_38 : f32 to vector<8x128xf32>
      %sub3A_970 = arith.subf %get3A_968, %sub3A_969 : vector<8x128xf32>
      %mul3A_971 = arith.mulf %sub3A_956, %sub3A_956 : vector<8x128xf32>
      %mul3A_972 = arith.mulf %sub3A_970, %sub3A_970 : vector<8x128xf32>
      %add3A_973 = arith.addf %mul3A_971, %mul3A_972 : vector<8x128xf32>
      %mul3A_974 = arith.mulf %sub3A_963, %sub3A_963 : vector<8x128xf32>
      %add3A_975 = arith.addf %add3A_973, %mul3A_974 : vector<8x128xf32>
      %get3A_976 = arith.constant 20 : index
      %get3A_977 = arith.constant 0 : index
      %get3A_978 = arith.constant 0 : index
      %get3A_979 = vector.load %arg5[%get3A_976, %get3A_977, %get3A_978] : memref<49x8x128xf32, #tpu.memory_space<vmem>>, vector<1x8x128xf32>
      %get3A_980 = vector.shape_cast %get3A_979 : vector<1x8x128xf32> to vector<8x128xf32>
      %min3A_981 = arith.minimumf %get3A_980, %add3A_975 : vector<8x128xf32>
      %swap3A_982 = arith.constant 20 : index
      %swap3A_983 = arith.constant 0 : index
      %swap3A_984 = arith.constant 0 : index
      %swap3A_985 = vector.load %arg5[%swap3A_982, %swap3A_983, %swap3A_984] : memref<49x8x128xf32, #tpu.memory_space<vmem>>, vector<1x8x128xf32>
      %swap3A_986 = vector.shape_cast %swap3A_985 : vector<1x8x128xf32> to vector<8x128xf32>
      %swap3A_987 = vector.shape_cast %min3A_981 : vector<8x128xf32> to vector<1x8x128xf32>
      tpu.vector_store %arg5[%swap3A_982, %swap3A_983, %swap3A_984], %swap3A_987 {strides = array<i32>} : memref<49x8x128xf32, #tpu.memory_space<vmem>>, vector<1x8x128xf32>,
      %gt3A_988 = arith.cmpf ogt, %min3A_981, %select_n3A_943 : vector<8x128xf32>
      %select_n3A_989 = arith.select %gt3A_988, %min3A_981, %select_n3A_943 : vector<8x128xi1>, vector<8x128xf32>
      %get3A_990 = arith.constant 20 : index
      %get3A_991 = arith.constant 0 : index
      %get3A_992 = arith.constant 0 : index
      %get3A_993 = vector.load %arg6[%get3A_990, %get3A_991, %get3A_992] : memref<49x8x128xf32, #tpu.memory_space<vmem>>, vector<1x8x128xf32>
      %get3A_994 = vector.shape_cast %get3A_993 : vector<1x8x128xf32> to vector<8x128xf32>
      %select_n3A_995 = arith.select %gt3A_988, %get3A_994, %select_n3A_949 : vector<8x128xi1>, vector<8x128xf32>
      %get3A_996 = arith.constant 21 : index
      %get3A_997 = arith.constant 0 : index
      %get3A_998 = arith.constant 0 : index
      %get3A_999 = vector.load %arg0[%get3A_996, %get3A_997, %get3A_998] : memref<49x8x128xf32, #tpu.memory_space<vmem>>, vector<1x8x128xf32>
      %get3A_1000 = vector.shape_cast %get3A_999 : vector<1x8x128xf32> to vector<8x128xf32>
      %sub3A_1001 = vector.broadcast %get3A_32 : f32 to vector<8x128xf32>
      %sub3A_1002 = arith.subf %get3A_1000, %sub3A_1001 : vector<8x128xf32>
      %get3A_1003 = arith.constant 21 : index
      %get3A_1004 = arith.constant 0 : index
      %get3A_1005 = arith.constant 0 : index
      %get3A_1006 = vector.load %arg1[%get3A_1003, %get3A_1004, %get3A_1005] : memref<49x8x128xf32, #tpu.memory_space<vmem>>, vector<1x8x128xf32>
      %get3A_1007 = vector.shape_cast %get3A_1006 : vector<1x8x128xf32> to vector<8x128xf32>
      %sub3A_1008 = vector.broadcast %get3A_35 : f32 to vector<8x128xf32>
      %sub3A_1009 = arith.subf %get3A_1007, %sub3A_1008 : vector<8x128xf32>
      %get3A_1010 = arith.constant 21 : index
      %get3A_1011 = arith.constant 0 : index
      %get3A_1012 = arith.constant 0 : index
      %get3A_1013 = vector.load %arg2[%get3A_1010, %get3A_1011, %get3A_1012] : memref<49x8x128xf32, #tpu.memory_space<vmem>>, vector<1x8x128xf32>
      %get3A_1014 = vector.shape_cast %get3A_1013 : vector<1x8x128xf32> to vector<8x128xf32>
      %sub3A_1015 = vector.broadcast %get3A_38 : f32 to vector<8x128xf32>
      %sub3A_1016 = arith.subf %get3A_1014, %sub3A_1015 : vector<8x128xf32>
      %mul3A_1017 = arith.mulf %sub3A_1002, %sub3A_1002 : vector<8x128xf32>
      %mul3A_1018 = arith.mulf %sub3A_1016, %sub3A_1016 : vector<8x128xf32>
      %add3A_1019 = arith.addf %mul3A_1017, %mul3A_1018 : vector<8x128xf32>
      %mul3A_1020 = arith.mulf %sub3A_1009, %sub3A_1009 : vector<8x128xf32>
      %add3A_1021 = arith.addf %add3A_1019, %mul3A_1020 : vector<8x128xf32>
      %get3A_1022 = arith.constant 21 : index
      %get3A_1023 = arith.constant 0 : index
      %get3A_1024 = arith.constant 0 : index
      %get3A_1025 = vector.load %arg5[%get3A_1022, %get3A_1023, %get3A_1024] : memref<49x8x128xf32, #tpu.memory_space<vmem>>, vector<1x8x128xf32>
      %get3A_1026 = vector.shape_cast %get3A_1025 : vector<1x8x128xf32> to vector<8x128xf32>
      %min3A_1027 = arith.minimumf %get3A_1026, %add3A_1021 : vector<8x128xf32>
      %swap3A_1028 = arith.constant 21 : index
      %swap3A_1029 = arith.constant 0 : index
      %swap3A_1030 = arith.constant 0 : index
      %swap3A_1031 = vector.load %arg5[%swap3A_1028, %swap3A_1029, %swap3A_1030] : memref<49x8x128xf32, #tpu.memory_space<vmem>>, vector<1x8x128xf32>
      %swap3A_1032 = vector.shape_cast %swap3A_1031 : vector<1x8x128xf32> to vector<8x128xf32>
      %swap3A_1033 = vector.shape_cast %min3A_1027 : vector<8x128xf32> to vector<1x8x128xf32>
      tpu.vector_store %arg5[%swap3A_1028, %swap3A_1029, %swap3A_1030], %swap3A_1033 {strides = array<i32>} : memref<49x8x128xf32, #tpu.memory_space<vmem>>, vector<1x8x128xf32>,
      %gt3A_1034 = arith.cmpf ogt, %min3A_1027, %select_n3A_989 : vector<8x128xf32>
      %select_n3A_1035 = arith.select %gt3A_1034, %min3A_1027, %select_n3A_989 : vector<8x128xi1>, vector<8x128xf32>
      %get3A_1036 = arith.constant 21 : index
      %get3A_1037 = arith.constant 0 : index
      %get3A_1038 = arith.constant 0 : index
      %get3A_1039 = vector.load %arg6[%get3A_1036, %get3A_1037, %get3A_1038] : memref<49x8x128xf32, #tpu.memory_space<vmem>>, vector<1x8x128xf32>
      %get3A_1040 = vector.shape_cast %get3A_1039 : vector<1x8x128xf32> to vector<8x128xf32>
      %select_n3A_1041 = arith.select %gt3A_1034, %get3A_1040, %select_n3A_995 : vector<8x128xi1>, vector<8x128xf32>
      %get3A_1042 = arith.constant 22 : index
      %get3A_1043 = arith.constant 0 : index
      %get3A_1044 = arith.constant 0 : index
      %get3A_1045 = vector.load %arg0[%get3A_1042, %get3A_1043, %get3A_1044] : memref<49x8x128xf32, #tpu.memory_space<vmem>>, vector<1x8x128xf32>
      %get3A_1046 = vector.shape_cast %get3A_1045 : vector<1x8x128xf32> to vector<8x128xf32>
      %sub3A_1047 = vector.broadcast %get3A_32 : f32 to vector<8x128xf32>
      %sub3A_1048 = arith.subf %get3A_1046, %sub3A_1047 : vector<8x128xf32>
      %get3A_1049 = arith.constant 22 : index
      %get3A_1050 = arith.constant 0 : index
      %get3A_1051 = arith.constant 0 : index
      %get3A_1052 = vector.load %arg1[%get3A_1049, %get3A_1050, %get3A_1051] : memref<49x8x128xf32, #tpu.memory_space<vmem>>, vector<1x8x128xf32>
      %get3A_1053 = vector.shape_cast %get3A_1052 : vector<1x8x128xf32> to vector<8x128xf32>
      %sub3A_1054 = vector.broadcast %get3A_35 : f32 to vector<8x128xf32>
      %sub3A_1055 = arith.subf %get3A_1053, %sub3A_1054 : vector<8x128xf32>
      %get3A_1056 = arith.constant 22 : index
      %get3A_1057 = arith.constant 0 : index
      %get3A_1058 = arith.constant 0 : index
      %get3A_1059 = vector.load %arg2[%get3A_1056, %get3A_1057, %get3A_1058] : memref<49x8x128xf32, #tpu.memory_space<vmem>>, vector<1x8x128xf32>
      %get3A_1060 = vector.shape_cast %get3A_1059 : vector<1x8x128xf32> to vector<8x128xf32>
      %sub3A_1061 = vector.broadcast %get3A_38 : f32 to vector<8x128xf32>
      %sub3A_1062 = arith.subf %get3A_1060, %sub3A_1061 : vector<8x128xf32>
      %mul3A_1063 = arith.mulf %sub3A_1048, %sub3A_1048 : vector<8x128xf32>
      %mul3A_1064 = arith.mulf %sub3A_1062, %sub3A_1062 : vector<8x128xf32>
      %add3A_1065 = arith.addf %mul3A_1063, %mul3A_1064 : vector<8x128xf32>
      %mul3A_1066 = arith.mulf %sub3A_1055, %sub3A_1055 : vector<8x128xf32>
      %add3A_1067 = arith.addf %add3A_1065, %mul3A_1066 : vector<8x128xf32>
      %get3A_1068 = arith.constant 22 : index
      %get3A_1069 = arith.constant 0 : index
      %get3A_1070 = arith.constant 0 : index
      %get3A_1071 = vector.load %arg5[%get3A_1068, %get3A_1069, %get3A_1070] : memref<49x8x128xf32, #tpu.memory_space<vmem>>, vector<1x8x128xf32>
      %get3A_1072 = vector.shape_cast %get3A_1071 : vector<1x8x128xf32> to vector<8x128xf32>
      %min3A_1073 = arith.minimumf %get3A_1072, %add3A_1067 : vector<8x128xf32>
      %swap3A_1074 = arith.constant 22 : index
      %swap3A_1075 = arith.constant 0 : index
      %swap3A_1076 = arith.constant 0 : index
      %swap3A_1077 = vector.load %arg5[%swap3A_1074, %swap3A_1075, %swap3A_1076] : memref<49x8x128xf32, #tpu.memory_space<vmem>>, vector<1x8x128xf32>
      %swap3A_1078 = vector.shape_cast %swap3A_1077 : vector<1x8x128xf32> to vector<8x128xf32>
      %swap3A_1079 = vector.shape_cast %min3A_1073 : vector<8x128xf32> to vector<1x8x128xf32>
      tpu.vector_store %arg5[%swap3A_1074, %swap3A_1075, %swap3A_1076], %swap3A_1079 {strides = array<i32>} : memref<49x8x128xf32, #tpu.memory_space<vmem>>, vector<1x8x128xf32>,
      %gt3A_1080 = arith.cmpf ogt, %min3A_1073, %select_n3A_1035 : vector<8x128xf32>
      %select_n3A_1081 = arith.select %gt3A_1080, %min3A_1073, %select_n3A_1035 : vector<8x128xi1>, vector<8x128xf32>
      %get3A_1082 = arith.constant 22 : index
      %get3A_1083 = arith.constant 0 : index
      %get3A_1084 = arith.constant 0 : index
      %get3A_1085 = vector.load %arg6[%get3A_1082, %get3A_1083, %get3A_1084] : memref<49x8x128xf32, #tpu.memory_space<vmem>>, vector<1x8x128xf32>
      %get3A_1086 = vector.shape_cast %get3A_1085 : vector<1x8x128xf32> to vector<8x128xf32>
      %select_n3A_1087 = arith.select %gt3A_1080, %get3A_1086, %select_n3A_1041 : vector<8x128xi1>, vector<8x128xf32>
      %get3A_1088 = arith.constant 23 : index
      %get3A_1089 = arith.constant 0 : index
      %get3A_1090 = arith.constant 0 : index
      %get3A_1091 = vector.load %arg0[%get3A_1088, %get3A_1089, %get3A_1090] : memref<49x8x128xf32, #tpu.memory_space<vmem>>, vector<1x8x128xf32>
      %get3A_1092 = vector.shape_cast %get3A_1091 : vector<1x8x128xf32> to vector<8x128xf32>
      %sub3A_1093 = vector.broadcast %get3A_32 : f32 to vector<8x128xf32>
      %sub3A_1094 = arith.subf %get3A_1092, %sub3A_1093 : vector<8x128xf32>
      %get3A_1095 = arith.constant 23 : index
      %get3A_1096 = arith.constant 0 : index
      %get3A_1097 = arith.constant 0 : index
      %get3A_1098 = vector.load %arg1[%get3A_1095, %get3A_1096, %get3A_1097] : memref<49x8x128xf32, #tpu.memory_space<vmem>>, vector<1x8x128xf32>
      %get3A_1099 = vector.shape_cast %get3A_1098 : vector<1x8x128xf32> to vector<8x128xf32>
      %sub3A_1100 = vector.broadcast %get3A_35 : f32 to vector<8x128xf32>
      %sub3A_1101 = arith.subf %get3A_1099, %sub3A_1100 : vector<8x128xf32>
      %get3A_1102 = arith.constant 23 : index
      %get3A_1103 = arith.constant 0 : index
      %get3A_1104 = arith.constant 0 : index
      %get3A_1105 = vector.load %arg2[%get3A_1102, %get3A_1103, %get3A_1104] : memref<49x8x128xf32, #tpu.memory_space<vmem>>, vector<1x8x128xf32>
      %get3A_1106 = vector.shape_cast %get3A_1105 : vector<1x8x128xf32> to vector<8x128xf32>
      %sub3A_1107 = vector.broadcast %get3A_38 : f32 to vector<8x128xf32>
      %sub3A_1108 = arith.subf %get3A_1106, %sub3A_1107 : vector<8x128xf32>
      %mul3A_1109 = arith.mulf %sub3A_1094, %sub3A_1094 : vector<8x128xf32>
      %mul3A_1110 = arith.mulf %sub3A_1108, %sub3A_1108 : vector<8x128xf32>
      %add3A_1111 = arith.addf %mul3A_1109, %mul3A_1110 : vector<8x128xf32>
      %mul3A_1112 = arith.mulf %sub3A_1101, %sub3A_1101 : vector<8x128xf32>
      %add3A_1113 = arith.addf %add3A_1111, %mul3A_1112 : vector<8x128xf32>
      %get3A_1114 = arith.constant 23 : index
      %get3A_1115 = arith.constant 0 : index
      %get3A_1116 = arith.constant 0 : index
      %get3A_1117 = vector.load %arg5[%get3A_1114, %get3A_1115, %get3A_1116] : memref<49x8x128xf32, #tpu.memory_space<vmem>>, vector<1x8x128xf32>
      %get3A_1118 = vector.shape_cast %get3A_1117 : vector<1x8x128xf32> to vector<8x128xf32>
      %min3A_1119 = arith.minimumf %get3A_1118, %add3A_1113 : vector<8x128xf32>
      %swap3A_1120 = arith.constant 23 : index
      %swap3A_1121 = arith.constant 0 : index
      %swap3A_1122 = arith.constant 0 : index
      %swap3A_1123 = vector.load %arg5[%swap3A_1120, %swap3A_1121, %swap3A_1122] : memref<49x8x128xf32, #tpu.memory_space<vmem>>, vector<1x8x128xf32>
      %swap3A_1124 = vector.shape_cast %swap3A_1123 : vector<1x8x128xf32> to vector<8x128xf32>
      %swap3A_1125 = vector.shape_cast %min3A_1119 : vector<8x128xf32> to vector<1x8x128xf32>
      tpu.vector_store %arg5[%swap3A_1120, %swap3A_1121, %swap3A_1122], %swap3A_1125 {strides = array<i32>} : memref<49x8x128xf32, #tpu.memory_space<vmem>>, vector<1x8x128xf32>,
      %gt3A_1126 = arith.cmpf ogt, %min3A_1119, %select_n3A_1081 : vector<8x128xf32>
      %select_n3A_1127 = arith.select %gt3A_1126, %min3A_1119, %select_n3A_1081 : vector<8x128xi1>, vector<8x128xf32>
      %get3A_1128 = arith.constant 23 : index
      %get3A_1129 = arith.constant 0 : index
      %get3A_1130 = arith.constant 0 : index
      %get3A_1131 = vector.load %arg6[%get3A_1128, %get3A_1129, %get3A_1130] : memref<49x8x128xf32, #tpu.memory_space<vmem>>, vector<1x8x128xf32>
      %get3A_1132 = vector.shape_cast %get3A_1131 : vector<1x8x128xf32> to vector<8x128xf32>
      %select_n3A_1133 = arith.select %gt3A_1126, %get3A_1132, %select_n3A_1087 : vector<8x128xi1>, vector<8x128xf32>
      %get3A_1134 = arith.constant 24 : index
      %get3A_1135 = arith.constant 0 : index
      %get3A_1136 = arith.constant 0 : index
      %get3A_1137 = vector.load %arg0[%get3A_1134, %get3A_1135, %get3A_1136] : memref<49x8x128xf32, #tpu.memory_space<vmem>>, vector<1x8x128xf32>
      %get3A_1138 = vector.shape_cast %get3A_1137 : vector<1x8x128xf32> to vector<8x128xf32>
      %sub3A_1139 = vector.broadcast %get3A_32 : f32 to vector<8x128xf32>
      %sub3A_1140 = arith.subf %get3A_1138, %sub3A_1139 : vector<8x128xf32>
      %get3A_1141 = arith.constant 24 : index
      %get3A_1142 = arith.constant 0 : index
      %get3A_1143 = arith.constant 0 : index
      %get3A_1144 = vector.load %arg1[%get3A_1141, %get3A_1142, %get3A_1143] : memref<49x8x128xf32, #tpu.memory_space<vmem>>, vector<1x8x128xf32>
      %get3A_1145 = vector.shape_cast %get3A_1144 : vector<1x8x128xf32> to vector<8x128xf32>
      %sub3A_1146 = vector.broadcast %get3A_35 : f32 to vector<8x128xf32>
      %sub3A_1147 = arith.subf %get3A_1145, %sub3A_1146 : vector<8x128xf32>
      %get3A_1148 = arith.constant 24 : index
      %get3A_1149 = arith.constant 0 : index
      %get3A_1150 = arith.constant 0 : index
      %get3A_1151 = vector.load %arg2[%get3A_1148, %get3A_1149, %get3A_1150] : memref<49x8x128xf32, #tpu.memory_space<vmem>>, vector<1x8x128xf32>
      %get3A_1152 = vector.shape_cast %get3A_1151 : vector<1x8x128xf32> to vector<8x128xf32>
      %sub3A_1153 = vector.broadcast %get3A_38 : f32 to vector<8x128xf32>
      %sub3A_1154 = arith.subf %get3A_1152, %sub3A_1153 : vector<8x128xf32>
      %mul3A_1155 = arith.mulf %sub3A_1140, %sub3A_1140 : vector<8x128xf32>
      %mul3A_1156 = arith.mulf %sub3A_1154, %sub3A_1154 : vector<8x128xf32>
      %add3A_1157 = arith.addf %mul3A_1155, %mul3A_1156 : vector<8x128xf32>
      %mul3A_1158 = arith.mulf %sub3A_1147, %sub3A_1147 : vector<8x128xf32>
      %add3A_1159 = arith.addf %add3A_1157, %mul3A_1158 : vector<8x128xf32>
      %get3A_1160 = arith.constant 24 : index
      %get3A_1161 = arith.constant 0 : index
      %get3A_1162 = arith.constant 0 : index
      %get3A_1163 = vector.load %arg5[%get3A_1160, %get3A_1161, %get3A_1162] : memref<49x8x128xf32, #tpu.memory_space<vmem>>, vector<1x8x128xf32>
      %get3A_1164 = vector.shape_cast %get3A_1163 : vector<1x8x128xf32> to vector<8x128xf32>
      %min3A_1165 = arith.minimumf %get3A_1164, %add3A_1159 : vector<8x128xf32>
      %swap3A_1166 = arith.constant 24 : index
      %swap3A_1167 = arith.constant 0 : index
      %swap3A_1168 = arith.constant 0 : index
      %swap3A_1169 = vector.load %arg5[%swap3A_1166, %swap3A_1167, %swap3A_1168] : memref<49x8x128xf32, #tpu.memory_space<vmem>>, vector<1x8x128xf32>
      %swap3A_1170 = vector.shape_cast %swap3A_1169 : vector<1x8x128xf32> to vector<8x128xf32>
      %swap3A_1171 = vector.shape_cast %min3A_1165 : vector<8x128xf32> to vector<1x8x128xf32>
      tpu.vector_store %arg5[%swap3A_1166, %swap3A_1167, %swap3A_1168], %swap3A_1171 {strides = array<i32>} : memref<49x8x128xf32, #tpu.memory_space<vmem>>, vector<1x8x128xf32>,
      %gt3A_1172 = arith.cmpf ogt, %min3A_1165, %select_n3A_1127 : vector<8x128xf32>
      %select_n3A_1173 = arith.select %gt3A_1172, %min3A_1165, %select_n3A_1127 : vector<8x128xi1>, vector<8x128xf32>
      %get3A_1174 = arith.constant 24 : index
      %get3A_1175 = arith.constant 0 : index
      %get3A_1176 = arith.constant 0 : index
      %get3A_1177 = vector.load %arg6[%get3A_1174, %get3A_1175, %get3A_1176] : memref<49x8x128xf32, #tpu.memory_space<vmem>>, vector<1x8x128xf32>
      %get3A_1178 = vector.shape_cast %get3A_1177 : vector<1x8x128xf32> to vector<8x128xf32>
      %select_n3A_1179 = arith.select %gt3A_1172, %get3A_1178, %select_n3A_1133 : vector<8x128xi1>, vector<8x128xf32>
      %get3A_1180 = arith.constant 25 : index
      %get3A_1181 = arith.constant 0 : index
      %get3A_1182 = arith.constant 0 : index
      %get3A_1183 = vector.load %arg0[%get3A_1180, %get3A_1181, %get3A_1182] : memref<49x8x128xf32, #tpu.memory_space<vmem>>, vector<1x8x128xf32>
      %get3A_1184 = vector.shape_cast %get3A_1183 : vector<1x8x128xf32> to vector<8x128xf32>
      %sub3A_1185 = vector.broadcast %get3A_32 : f32 to vector<8x128xf32>
      %sub3A_1186 = arith.subf %get3A_1184, %sub3A_1185 : vector<8x128xf32>
      %get3A_1187 = arith.constant 25 : index
      %get3A_1188 = arith.constant 0 : index
      %get3A_1189 = arith.constant 0 : index
      %get3A_1190 = vector.load %arg1[%get3A_1187, %get3A_1188, %get3A_1189] : memref<49x8x128xf32, #tpu.memory_space<vmem>>, vector<1x8x128xf32>
      %get3A_1191 = vector.shape_cast %get3A_1190 : vector<1x8x128xf32> to vector<8x128xf32>
      %sub3A_1192 = vector.broadcast %get3A_35 : f32 to vector<8x128xf32>
      %sub3A_1193 = arith.subf %get3A_1191, %sub3A_1192 : vector<8x128xf32>
      %get3A_1194 = arith.constant 25 : index
      %get3A_1195 = arith.constant 0 : index
      %get3A_1196 = arith.constant 0 : index
      %get3A_1197 = vector.load %arg2[%get3A_1194, %get3A_1195, %get3A_1196] : memref<49x8x128xf32, #tpu.memory_space<vmem>>, vector<1x8x128xf32>
      %get3A_1198 = vector.shape_cast %get3A_1197 : vector<1x8x128xf32> to vector<8x128xf32>
      %sub3A_1199 = vector.broadcast %get3A_38 : f32 to vector<8x128xf32>
      %sub3A_1200 = arith.subf %get3A_1198, %sub3A_1199 : vector<8x128xf32>
      %mul3A_1201 = arith.mulf %sub3A_1186, %sub3A_1186 : vector<8x128xf32>
      %mul3A_1202 = arith.mulf %sub3A_1200, %sub3A_1200 : vector<8x128xf32>
      %add3A_1203 = arith.addf %mul3A_1201, %mul3A_1202 : vector<8x128xf32>
      %mul3A_1204 = arith.mulf %sub3A_1193, %sub3A_1193 : vector<8x128xf32>
      %add3A_1205 = arith.addf %add3A_1203, %mul3A_1204 : vector<8x128xf32>
      %get3A_1206 = arith.constant 25 : index
      %get3A_1207 = arith.constant 0 : index
      %get3A_1208 = arith.constant 0 : index
      %get3A_1209 = vector.load %arg5[%get3A_1206, %get3A_1207, %get3A_1208] : memref<49x8x128xf32, #tpu.memory_space<vmem>>, vector<1x8x128xf32>
      %get3A_1210 = vector.shape_cast %get3A_1209 : vector<1x8x128xf32> to vector<8x128xf32>
      %min3A_1211 = arith.minimumf %get3A_1210, %add3A_1205 : vector<8x128xf32>
      %swap3A_1212 = arith.constant 25 : index
      %swap3A_1213 = arith.constant 0 : index
      %swap3A_1214 = arith.constant 0 : index
      %swap3A_1215 = vector.load %arg5[%swap3A_1212, %swap3A_1213, %swap3A_1214] : memref<49x8x128xf32, #tpu.memory_space<vmem>>, vector<1x8x128xf32>
      %swap3A_1216 = vector.shape_cast %swap3A_1215 : vector<1x8x128xf32> to vector<8x128xf32>
      %swap3A_1217 = vector.shape_cast %min3A_1211 : vector<8x128xf32> to vector<1x8x128xf32>
      tpu.vector_store %arg5[%swap3A_1212, %swap3A_1213, %swap3A_1214], %swap3A_1217 {strides = array<i32>} : memref<49x8x128xf32, #tpu.memory_space<vmem>>, vector<1x8x128xf32>,
      %gt3A_1218 = arith.cmpf ogt, %min3A_1211, %select_n3A_1173 : vector<8x128xf32>
      %select_n3A_1219 = arith.select %gt3A_1218, %min3A_1211, %select_n3A_1173 : vector<8x128xi1>, vector<8x128xf32>
      %get3A_1220 = arith.constant 25 : index
      %get3A_1221 = arith.constant 0 : index
      %get3A_1222 = arith.constant 0 : index
      %get3A_1223 = vector.load %arg6[%get3A_1220, %get3A_1221, %get3A_1222] : memref<49x8x128xf32, #tpu.memory_space<vmem>>, vector<1x8x128xf32>
      %get3A_1224 = vector.shape_cast %get3A_1223 : vector<1x8x128xf32> to vector<8x128xf32>
      %select_n3A_1225 = arith.select %gt3A_1218, %get3A_1224, %select_n3A_1179 : vector<8x128xi1>, vector<8x128xf32>
      %get3A_1226 = arith.constant 26 : index
      %get3A_1227 = arith.constant 0 : index
      %get3A_1228 = arith.constant 0 : index
      %get3A_1229 = vector.load %arg0[%get3A_1226, %get3A_1227, %get3A_1228] : memref<49x8x128xf32, #tpu.memory_space<vmem>>, vector<1x8x128xf32>
      %get3A_1230 = vector.shape_cast %get3A_1229 : vector<1x8x128xf32> to vector<8x128xf32>
      %sub3A_1231 = vector.broadcast %get3A_32 : f32 to vector<8x128xf32>
      %sub3A_1232 = arith.subf %get3A_1230, %sub3A_1231 : vector<8x128xf32>
      %get3A_1233 = arith.constant 26 : index
      %get3A_1234 = arith.constant 0 : index
      %get3A_1235 = arith.constant 0 : index
      %get3A_1236 = vector.load %arg1[%get3A_1233, %get3A_1234, %get3A_1235] : memref<49x8x128xf32, #tpu.memory_space<vmem>>, vector<1x8x128xf32>
      %get3A_1237 = vector.shape_cast %get3A_1236 : vector<1x8x128xf32> to vector<8x128xf32>
      %sub3A_1238 = vector.broadcast %get3A_35 : f32 to vector<8x128xf32>
      %sub3A_1239 = arith.subf %get3A_1237, %sub3A_1238 : vector<8x128xf32>
      %get3A_1240 = arith.constant 26 : index
      %get3A_1241 = arith.constant 0 : index
      %get3A_1242 = arith.constant 0 : index
      %get3A_1243 = vector.load %arg2[%get3A_1240, %get3A_1241, %get3A_1242] : memref<49x8x128xf32, #tpu.memory_space<vmem>>, vector<1x8x128xf32>
      %get3A_1244 = vector.shape_cast %get3A_1243 : vector<1x8x128xf32> to vector<8x128xf32>
      %sub3A_1245 = vector.broadcast %get3A_38 : f32 to vector<8x128xf32>
      %sub3A_1246 = arith.subf %get3A_1244, %sub3A_1245 : vector<8x128xf32>
      %mul3A_1247 = arith.mulf %sub3A_1232, %sub3A_1232 : vector<8x128xf32>
      %mul3A_1248 = arith.mulf %sub3A_1246, %sub3A_1246 : vector<8x128xf32>
      %add3A_1249 = arith.addf %mul3A_1247, %mul3A_1248 : vector<8x128xf32>
      %mul3A_1250 = arith.mulf %sub3A_1239, %sub3A_1239 : vector<8x128xf32>
      %add3A_1251 = arith.addf %add3A_1249, %mul3A_1250 : vector<8x128xf32>
      %get3A_1252 = arith.constant 26 : index
      %get3A_1253 = arith.constant 0 : index
      %get3A_1254 = arith.constant 0 : index
      %get3A_1255 = vector.load %arg5[%get3A_1252, %get3A_1253, %get3A_1254] : memref<49x8x128xf32, #tpu.memory_space<vmem>>, vector<1x8x128xf32>
      %get3A_1256 = vector.shape_cast %get3A_1255 : vector<1x8x128xf32> to vector<8x128xf32>
      %min3A_1257 = arith.minimumf %get3A_1256, %add3A_1251 : vector<8x128xf32>
      %swap3A_1258 = arith.constant 26 : index
      %swap3A_1259 = arith.constant 0 : index
      %swap3A_1260 = arith.constant 0 : index
      %swap3A_1261 = vector.load %arg5[%swap3A_1258, %swap3A_1259, %swap3A_1260] : memref<49x8x128xf32, #tpu.memory_space<vmem>>, vector<1x8x128xf32>
      %swap3A_1262 = vector.shape_cast %swap3A_1261 : vector<1x8x128xf32> to vector<8x128xf32>
      %swap3A_1263 = vector.shape_cast %min3A_1257 : vector<8x128xf32> to vector<1x8x128xf32>
      tpu.vector_store %arg5[%swap3A_1258, %swap3A_1259, %swap3A_1260], %swap3A_1263 {strides = array<i32>} : memref<49x8x128xf32, #tpu.memory_space<vmem>>, vector<1x8x128xf32>,
      %get3A_1264 = arith.constant 26 : index
      %get3A_1265 = arith.constant 0 : index
      %get3A_1266 = arith.constant 0 : index
      %get3A_1267 = vector.load %arg6[%get3A_1264, %get3A_1265, %get3A_1266] : memref<49x8x128xf32, #tpu.memory_space<vmem>>, vector<1x8x128xf32>
      %get3A_1268 = vector.shape_cast %get3A_1267 : vector<1x8x128xf32> to vector<8x128xf32>
      %get3A_1269 = arith.constant 27 : index
      %get3A_1270 = arith.constant 0 : index
      %get3A_1271 = arith.constant 0 : index
      %get3A_1272 = vector.load %arg0[%get3A_1269, %get3A_1270, %get3A_1271] : memref<49x8x128xf32, #tpu.memory_space<vmem>>, vector<1x8x128xf32>
      %get3A_1273 = vector.shape_cast %get3A_1272 : vector<1x8x128xf32> to vector<8x128xf32>
      %sub3A_1274 = vector.broadcast %get3A_32 : f32 to vector<8x128xf32>
      %sub3A_1275 = arith.subf %get3A_1273, %sub3A_1274 : vector<8x128xf32>
      %get3A_1276 = arith.constant 27 : index
      %get3A_1277 = arith.constant 0 : index
      %get3A_1278 = arith.constant 0 : index
      %get3A_1279 = vector.load %arg1[%get3A_1276, %get3A_1277, %get3A_1278] : memref<49x8x128xf32, #tpu.memory_space<vmem>>, vector<1x8x128xf32>
      %get3A_1280 = vector.shape_cast %get3A_1279 : vector<1x8x128xf32> to vector<8x128xf32>
      %sub3A_1281 = vector.broadcast %get3A_35 : f32 to vector<8x128xf32>
      %sub3A_1282 = arith.subf %get3A_1280, %sub3A_1281 : vector<8x128xf32>
      %get3A_1283 = arith.constant 27 : index
      %get3A_1284 = arith.constant 0 : index
      %get3A_1285 = arith.constant 0 : index
      %get3A_1286 = vector.load %arg2[%get3A_1283, %get3A_1284, %get3A_1285] : memref<49x8x128xf32, #tpu.memory_space<vmem>>, vector<1x8x128xf32>
      %get3A_1287 = vector.shape_cast %get3A_1286 : vector<1x8x128xf32> to vector<8x128xf32>
      %sub3A_1288 = vector.broadcast %get3A_38 : f32 to vector<8x128xf32>
      %sub3A_1289 = arith.subf %get3A_1287, %sub3A_1288 : vector<8x128xf32>
      %mul3A_1290 = arith.mulf %sub3A_1275, %sub3A_1275 : vector<8x128xf32>
      %mul3A_1291 = arith.mulf %sub3A_1289, %sub3A_1289 : vector<8x128xf32>
      %add3A_1292 = arith.addf %mul3A_1290, %mul3A_1291 : vector<8x128xf32>
      %mul3A_1293 = arith.mulf %sub3A_1282, %sub3A_1282 : vector<8x128xf32>
      %add3A_1294 = arith.addf %add3A_1292, %mul3A_1293 : vector<8x128xf32>
      %get3A_1295 = arith.constant 27 : index
      %get3A_1296 = arith.constant 0 : index
      %get3A_1297 = arith.constant 0 : index
      %get3A_1298 = vector.load %arg5[%get3A_1295, %get3A_1296, %get3A_1297] : memref<49x8x128xf32, #tpu.memory_space<vmem>>, vector<1x8x128xf32>
      %get3A_1299 = vector.shape_cast %get3A_1298 : vector<1x8x128xf32> to vector<8x128xf32>
      %min3A_1300 = arith.minimumf %get3A_1299, %add3A_1294 : vector<8x128xf32>
      %swap3A_1301 = arith.constant 27 : index
      %swap3A_1302 = arith.constant 0 : index
      %swap3A_1303 = arith.constant 0 : index
      %swap3A_1304 = vector.load %arg5[%swap3A_1301, %swap3A_1302, %swap3A_1303] : memref<49x8x128xf32, #tpu.memory_space<vmem>>, vector<1x8x128xf32>
      %swap3A_1305 = vector.shape_cast %swap3A_1304 : vector<1x8x128xf32> to vector<8x128xf32>
      %swap3A_1306 = vector.shape_cast %min3A_1300 : vector<8x128xf32> to vector<1x8x128xf32>
      tpu.vector_store %arg5[%swap3A_1301, %swap3A_1302, %swap3A_1303], %swap3A_1306 {strides = array<i32>} : memref<49x8x128xf32, #tpu.memory_space<vmem>>, vector<1x8x128xf32>,
      %gt3A_1307 = arith.cmpf ogt, %min3A_1300, %min3A_1257 : vector<8x128xf32>
      %select_n3A_1308 = arith.select %gt3A_1307, %min3A_1300, %min3A_1257 : vector<8x128xi1>, vector<8x128xf32>
      %get3A_1309 = arith.constant 27 : index
      %get3A_1310 = arith.constant 0 : index
      %get3A_1311 = arith.constant 0 : index
      %get3A_1312 = vector.load %arg6[%get3A_1309, %get3A_1310, %get3A_1311] : memref<49x8x128xf32, #tpu.memory_space<vmem>>, vector<1x8x128xf32>
      %get3A_1313 = vector.shape_cast %get3A_1312 : vector<1x8x128xf32> to vector<8x128xf32>
      %select_n3A_1314 = arith.select %gt3A_1307, %get3A_1313, %get3A_1268 : vector<8x128xi1>, vector<8x128xf32>
      %get3A_1315 = arith.constant 28 : index
      %get3A_1316 = arith.constant 0 : index
      %get3A_1317 = arith.constant 0 : index
      %get3A_1318 = vector.load %arg0[%get3A_1315, %get3A_1316, %get3A_1317] : memref<49x8x128xf32, #tpu.memory_space<vmem>>, vector<1x8x128xf32>
      %get3A_1319 = vector.shape_cast %get3A_1318 : vector<1x8x128xf32> to vector<8x128xf32>
      %sub3A_1320 = vector.broadcast %get3A_32 : f32 to vector<8x128xf32>
      %sub3A_1321 = arith.subf %get3A_1319, %sub3A_1320 : vector<8x128xf32>
      %get3A_1322 = arith.constant 28 : index
      %get3A_1323 = arith.constant 0 : index
      %get3A_1324 = arith.constant 0 : index
      %get3A_1325 = vector.load %arg1[%get3A_1322, %get3A_1323, %get3A_1324] : memref<49x8x128xf32, #tpu.memory_space<vmem>>, vector<1x8x128xf32>
      %get3A_1326 = vector.shape_cast %get3A_1325 : vector<1x8x128xf32> to vector<8x128xf32>
      %sub3A_1327 = vector.broadcast %get3A_35 : f32 to vector<8x128xf32>
      %sub3A_1328 = arith.subf %get3A_1326, %sub3A_1327 : vector<8x128xf32>
      %get3A_1329 = arith.constant 28 : index
      %get3A_1330 = arith.constant 0 : index
      %get3A_1331 = arith.constant 0 : index
      %get3A_1332 = vector.load %arg2[%get3A_1329, %get3A_1330, %get3A_1331] : memref<49x8x128xf32, #tpu.memory_space<vmem>>, vector<1x8x128xf32>
      %get3A_1333 = vector.shape_cast %get3A_1332 : vector<1x8x128xf32> to vector<8x128xf32>
      %sub3A_1334 = vector.broadcast %get3A_38 : f32 to vector<8x128xf32>
      %sub3A_1335 = arith.subf %get3A_1333, %sub3A_1334 : vector<8x128xf32>
      %mul3A_1336 = arith.mulf %sub3A_1321, %sub3A_1321 : vector<8x128xf32>
      %mul3A_1337 = arith.mulf %sub3A_1335, %sub3A_1335 : vector<8x128xf32>
      %add3A_1338 = arith.addf %mul3A_1336, %mul3A_1337 : vector<8x128xf32>
      %mul3A_1339 = arith.mulf %sub3A_1328, %sub3A_1328 : vector<8x128xf32>
      %add3A_1340 = arith.addf %add3A_1338, %mul3A_1339 : vector<8x128xf32>
      %get3A_1341 = arith.constant 28 : index
      %get3A_1342 = arith.constant 0 : index
      %get3A_1343 = arith.constant 0 : index
      %get3A_1344 = vector.load %arg5[%get3A_1341, %get3A_1342, %get3A_1343] : memref<49x8x128xf32, #tpu.memory_space<vmem>>, vector<1x8x128xf32>
      %get3A_1345 = vector.shape_cast %get3A_1344 : vector<1x8x128xf32> to vector<8x128xf32>
      %min3A_1346 = arith.minimumf %get3A_1345, %add3A_1340 : vector<8x128xf32>
      %swap3A_1347 = arith.constant 28 : index
      %swap3A_1348 = arith.constant 0 : index
      %swap3A_1349 = arith.constant 0 : index
      %swap3A_1350 = vector.load %arg5[%swap3A_1347, %swap3A_1348, %swap3A_1349] : memref<49x8x128xf32, #tpu.memory_space<vmem>>, vector<1x8x128xf32>
      %swap3A_1351 = vector.shape_cast %swap3A_1350 : vector<1x8x128xf32> to vector<8x128xf32>
      %swap3A_1352 = vector.shape_cast %min3A_1346 : vector<8x128xf32> to vector<1x8x128xf32>
      tpu.vector_store %arg5[%swap3A_1347, %swap3A_1348, %swap3A_1349], %swap3A_1352 {strides = array<i32>} : memref<49x8x128xf32, #tpu.memory_space<vmem>>, vector<1x8x128xf32>,
      %gt3A_1353 = arith.cmpf ogt, %min3A_1346, %select_n3A_1308 : vector<8x128xf32>
      %select_n3A_1354 = arith.select %gt3A_1353, %min3A_1346, %select_n3A_1308 : vector<8x128xi1>, vector<8x128xf32>
      %get3A_1355 = arith.constant 28 : index
      %get3A_1356 = arith.constant 0 : index
      %get3A_1357 = arith.constant 0 : index
      %get3A_1358 = vector.load %arg6[%get3A_1355, %get3A_1356, %get3A_1357] : memref<49x8x128xf32, #tpu.memory_space<vmem>>, vector<1x8x128xf32>
      %get3A_1359 = vector.shape_cast %get3A_1358 : vector<1x8x128xf32> to vector<8x128xf32>
      %select_n3A_1360 = arith.select %gt3A_1353, %get3A_1359, %select_n3A_1314 : vector<8x128xi1>, vector<8x128xf32>
      %get3A_1361 = arith.constant 29 : index
      %get3A_1362 = arith.constant 0 : index
      %get3A_1363 = arith.constant 0 : index
      %get3A_1364 = vector.load %arg0[%get3A_1361, %get3A_1362, %get3A_1363] : memref<49x8x128xf32, #tpu.memory_space<vmem>>, vector<1x8x128xf32>
      %get3A_1365 = vector.shape_cast %get3A_1364 : vector<1x8x128xf32> to vector<8x128xf32>
      %sub3A_1366 = vector.broadcast %get3A_32 : f32 to vector<8x128xf32>
      %sub3A_1367 = arith.subf %get3A_1365, %sub3A_1366 : vector<8x128xf32>
      %get3A_1368 = arith.constant 29 : index
      %get3A_1369 = arith.constant 0 : index
      %get3A_1370 = arith.constant 0 : index
      %get3A_1371 = vector.load %arg1[%get3A_1368, %get3A_1369, %get3A_1370] : memref<49x8x128xf32, #tpu.memory_space<vmem>>, vector<1x8x128xf32>
      %get3A_1372 = vector.shape_cast %get3A_1371 : vector<1x8x128xf32> to vector<8x128xf32>
      %sub3A_1373 = vector.broadcast %get3A_35 : f32 to vector<8x128xf32>
      %sub3A_1374 = arith.subf %get3A_1372, %sub3A_1373 : vector<8x128xf32>
      %get3A_1375 = arith.constant 29 : index
      %get3A_1376 = arith.constant 0 : index
      %get3A_1377 = arith.constant 0 : index
      %get3A_1378 = vector.load %arg2[%get3A_1375, %get3A_1376, %get3A_1377] : memref<49x8x128xf32, #tpu.memory_space<vmem>>, vector<1x8x128xf32>
      %get3A_1379 = vector.shape_cast %get3A_1378 : vector<1x8x128xf32> to vector<8x128xf32>
      %sub3A_1380 = vector.broadcast %get3A_38 : f32 to vector<8x128xf32>
      %sub3A_1381 = arith.subf %get3A_1379, %sub3A_1380 : vector<8x128xf32>
      %mul3A_1382 = arith.mulf %sub3A_1367, %sub3A_1367 : vector<8x128xf32>
      %mul3A_1383 = arith.mulf %sub3A_1381, %sub3A_1381 : vector<8x128xf32>
      %add3A_1384 = arith.addf %mul3A_1382, %mul3A_1383 : vector<8x128xf32>
      %mul3A_1385 = arith.mulf %sub3A_1374, %sub3A_1374 : vector<8x128xf32>
      %add3A_1386 = arith.addf %add3A_1384, %mul3A_1385 : vector<8x128xf32>
      %get3A_1387 = arith.constant 29 : index
      %get3A_1388 = arith.constant 0 : index
      %get3A_1389 = arith.constant 0 : index
      %get3A_1390 = vector.load %arg5[%get3A_1387, %get3A_1388, %get3A_1389] : memref<49x8x128xf32, #tpu.memory_space<vmem>>, vector<1x8x128xf32>
      %get3A_1391 = vector.shape_cast %get3A_1390 : vector<1x8x128xf32> to vector<8x128xf32>
      %min3A_1392 = arith.minimumf %get3A_1391, %add3A_1386 : vector<8x128xf32>
      %swap3A_1393 = arith.constant 29 : index
      %swap3A_1394 = arith.constant 0 : index
      %swap3A_1395 = arith.constant 0 : index
      %swap3A_1396 = vector.load %arg5[%swap3A_1393, %swap3A_1394, %swap3A_1395] : memref<49x8x128xf32, #tpu.memory_space<vmem>>, vector<1x8x128xf32>
      %swap3A_1397 = vector.shape_cast %swap3A_1396 : vector<1x8x128xf32> to vector<8x128xf32>
      %swap3A_1398 = vector.shape_cast %min3A_1392 : vector<8x128xf32> to vector<1x8x128xf32>
      tpu.vector_store %arg5[%swap3A_1393, %swap3A_1394, %swap3A_1395], %swap3A_1398 {strides = array<i32>} : memref<49x8x128xf32, #tpu.memory_space<vmem>>, vector<1x8x128xf32>,
      %gt3A_1399 = arith.cmpf ogt, %min3A_1392, %select_n3A_1354 : vector<8x128xf32>
      %select_n3A_1400 = arith.select %gt3A_1399, %min3A_1392, %select_n3A_1354 : vector<8x128xi1>, vector<8x128xf32>
      %get3A_1401 = arith.constant 29 : index
      %get3A_1402 = arith.constant 0 : index
      %get3A_1403 = arith.constant 0 : index
      %get3A_1404 = vector.load %arg6[%get3A_1401, %get3A_1402, %get3A_1403] : memref<49x8x128xf32, #tpu.memory_space<vmem>>, vector<1x8x128xf32>
      %get3A_1405 = vector.shape_cast %get3A_1404 : vector<1x8x128xf32> to vector<8x128xf32>
      %select_n3A_1406 = arith.select %gt3A_1399, %get3A_1405, %select_n3A_1360 : vector<8x128xi1>, vector<8x128xf32>
      %get3A_1407 = arith.constant 30 : index
      %get3A_1408 = arith.constant 0 : index
      %get3A_1409 = arith.constant 0 : index
      %get3A_1410 = vector.load %arg0[%get3A_1407, %get3A_1408, %get3A_1409] : memref<49x8x128xf32, #tpu.memory_space<vmem>>, vector<1x8x128xf32>
      %get3A_1411 = vector.shape_cast %get3A_1410 : vector<1x8x128xf32> to vector<8x128xf32>
      %sub3A_1412 = vector.broadcast %get3A_32 : f32 to vector<8x128xf32>
      %sub3A_1413 = arith.subf %get3A_1411, %sub3A_1412 : vector<8x128xf32>
      %get3A_1414 = arith.constant 30 : index
      %get3A_1415 = arith.constant 0 : index
      %get3A_1416 = arith.constant 0 : index
      %get3A_1417 = vector.load %arg1[%get3A_1414, %get3A_1415, %get3A_1416] : memref<49x8x128xf32, #tpu.memory_space<vmem>>, vector<1x8x128xf32>
      %get3A_1418 = vector.shape_cast %get3A_1417 : vector<1x8x128xf32> to vector<8x128xf32>
      %sub3A_1419 = vector.broadcast %get3A_35 : f32 to vector<8x128xf32>
      %sub3A_1420 = arith.subf %get3A_1418, %sub3A_1419 : vector<8x128xf32>
      %get3A_1421 = arith.constant 30 : index
      %get3A_1422 = arith.constant 0 : index
      %get3A_1423 = arith.constant 0 : index
      %get3A_1424 = vector.load %arg2[%get3A_1421, %get3A_1422, %get3A_1423] : memref<49x8x128xf32, #tpu.memory_space<vmem>>, vector<1x8x128xf32>
      %get3A_1425 = vector.shape_cast %get3A_1424 : vector<1x8x128xf32> to vector<8x128xf32>
      %sub3A_1426 = vector.broadcast %get3A_38 : f32 to vector<8x128xf32>
      %sub3A_1427 = arith.subf %get3A_1425, %sub3A_1426 : vector<8x128xf32>
      %mul3A_1428 = arith.mulf %sub3A_1413, %sub3A_1413 : vector<8x128xf32>
      %mul3A_1429 = arith.mulf %sub3A_1427, %sub3A_1427 : vector<8x128xf32>
      %add3A_1430 = arith.addf %mul3A_1428, %mul3A_1429 : vector<8x128xf32>
      %mul3A_1431 = arith.mulf %sub3A_1420, %sub3A_1420 : vector<8x128xf32>
      %add3A_1432 = arith.addf %add3A_1430, %mul3A_1431 : vector<8x128xf32>
      %get3A_1433 = arith.constant 30 : index
      %get3A_1434 = arith.constant 0 : index
      %get3A_1435 = arith.constant 0 : index
      %get3A_1436 = vector.load %arg5[%get3A_1433, %get3A_1434, %get3A_1435] : memref<49x8x128xf32, #tpu.memory_space<vmem>>, vector<1x8x128xf32>
      %get3A_1437 = vector.shape_cast %get3A_1436 : vector<1x8x128xf32> to vector<8x128xf32>
      %min3A_1438 = arith.minimumf %get3A_1437, %add3A_1432 : vector<8x128xf32>
      %swap3A_1439 = arith.constant 30 : index
      %swap3A_1440 = arith.constant 0 : index
      %swap3A_1441 = arith.constant 0 : index
      %swap3A_1442 = vector.load %arg5[%swap3A_1439, %swap3A_1440, %swap3A_1441] : memref<49x8x128xf32, #tpu.memory_space<vmem>>, vector<1x8x128xf32>
      %swap3A_1443 = vector.shape_cast %swap3A_1442 : vector<1x8x128xf32> to vector<8x128xf32>
      %swap3A_1444 = vector.shape_cast %min3A_1438 : vector<8x128xf32> to vector<1x8x128xf32>
      tpu.vector_store %arg5[%swap3A_1439, %swap3A_1440, %swap3A_1441], %swap3A_1444 {strides = array<i32>} : memref<49x8x128xf32, #tpu.memory_space<vmem>>, vector<1x8x128xf32>,
      %gt3A_1445 = arith.cmpf ogt, %min3A_1438, %select_n3A_1400 : vector<8x128xf32>
      %select_n3A_1446 = arith.select %gt3A_1445, %min3A_1438, %select_n3A_1400 : vector<8x128xi1>, vector<8x128xf32>
      %get3A_1447 = arith.constant 30 : index
      %get3A_1448 = arith.constant 0 : index
      %get3A_1449 = arith.constant 0 : index
      %get3A_1450 = vector.load %arg6[%get3A_1447, %get3A_1448, %get3A_1449] : memref<49x8x128xf32, #tpu.memory_space<vmem>>, vector<1x8x128xf32>
      %get3A_1451 = vector.shape_cast %get3A_1450 : vector<1x8x128xf32> to vector<8x128xf32>
      %select_n3A_1452 = arith.select %gt3A_1445, %get3A_1451, %select_n3A_1406 : vector<8x128xi1>, vector<8x128xf32>
      %get3A_1453 = arith.constant 31 : index
      %get3A_1454 = arith.constant 0 : index
      %get3A_1455 = arith.constant 0 : index
      %get3A_1456 = vector.load %arg0[%get3A_1453, %get3A_1454, %get3A_1455] : memref<49x8x128xf32, #tpu.memory_space<vmem>>, vector<1x8x128xf32>
      %get3A_1457 = vector.shape_cast %get3A_1456 : vector<1x8x128xf32> to vector<8x128xf32>
      %sub3A_1458 = vector.broadcast %get3A_32 : f32 to vector<8x128xf32>
      %sub3A_1459 = arith.subf %get3A_1457, %sub3A_1458 : vector<8x128xf32>
      %get3A_1460 = arith.constant 31 : index
      %get3A_1461 = arith.constant 0 : index
      %get3A_1462 = arith.constant 0 : index
      %get3A_1463 = vector.load %arg1[%get3A_1460, %get3A_1461, %get3A_1462] : memref<49x8x128xf32, #tpu.memory_space<vmem>>, vector<1x8x128xf32>
      %get3A_1464 = vector.shape_cast %get3A_1463 : vector<1x8x128xf32> to vector<8x128xf32>
      %sub3A_1465 = vector.broadcast %get3A_35 : f32 to vector<8x128xf32>
      %sub3A_1466 = arith.subf %get3A_1464, %sub3A_1465 : vector<8x128xf32>
      %get3A_1467 = arith.constant 31 : index
      %get3A_1468 = arith.constant 0 : index
      %get3A_1469 = arith.constant 0 : index
      %get3A_1470 = vector.load %arg2[%get3A_1467, %get3A_1468, %get3A_1469] : memref<49x8x128xf32, #tpu.memory_space<vmem>>, vector<1x8x128xf32>
      %get3A_1471 = vector.shape_cast %get3A_1470 : vector<1x8x128xf32> to vector<8x128xf32>
      %sub3A_1472 = vector.broadcast %get3A_38 : f32 to vector<8x128xf32>
      %sub3A_1473 = arith.subf %get3A_1471, %sub3A_1472 : vector<8x128xf32>
      %mul3A_1474 = arith.mulf %sub3A_1459, %sub3A_1459 : vector<8x128xf32>
      %mul3A_1475 = arith.mulf %sub3A_1473, %sub3A_1473 : vector<8x128xf32>
      %add3A_1476 = arith.addf %mul3A_1474, %mul3A_1475 : vector<8x128xf32>
      %mul3A_1477 = arith.mulf %sub3A_1466, %sub3A_1466 : vector<8x128xf32>
      %add3A_1478 = arith.addf %add3A_1476, %mul3A_1477 : vector<8x128xf32>
      %get3A_1479 = arith.constant 31 : index
      %get3A_1480 = arith.constant 0 : index
      %get3A_1481 = arith.constant 0 : index
      %get3A_1482 = vector.load %arg5[%get3A_1479, %get3A_1480, %get3A_1481] : memref<49x8x128xf32, #tpu.memory_space<vmem>>, vector<1x8x128xf32>
      %get3A_1483 = vector.shape_cast %get3A_1482 : vector<1x8x128xf32> to vector<8x128xf32>
      %min3A_1484 = arith.minimumf %get3A_1483, %add3A_1478 : vector<8x128xf32>
      %swap3A_1485 = arith.constant 31 : index
      %swap3A_1486 = arith.constant 0 : index
      %swap3A_1487 = arith.constant 0 : index
      %swap3A_1488 = vector.load %arg5[%swap3A_1485, %swap3A_1486, %swap3A_1487] : memref<49x8x128xf32, #tpu.memory_space<vmem>>, vector<1x8x128xf32>
      %swap3A_1489 = vector.shape_cast %swap3A_1488 : vector<1x8x128xf32> to vector<8x128xf32>
      %swap3A_1490 = vector.shape_cast %min3A_1484 : vector<8x128xf32> to vector<1x8x128xf32>
      tpu.vector_store %arg5[%swap3A_1485, %swap3A_1486, %swap3A_1487], %swap3A_1490 {strides = array<i32>} : memref<49x8x128xf32, #tpu.memory_space<vmem>>, vector<1x8x128xf32>,
      %gt3A_1491 = arith.cmpf ogt, %min3A_1484, %select_n3A_1446 : vector<8x128xf32>
      %select_n3A_1492 = arith.select %gt3A_1491, %min3A_1484, %select_n3A_1446 : vector<8x128xi1>, vector<8x128xf32>
      %get3A_1493 = arith.constant 31 : index
      %get3A_1494 = arith.constant 0 : index
      %get3A_1495 = arith.constant 0 : index
      %get3A_1496 = vector.load %arg6[%get3A_1493, %get3A_1494, %get3A_1495] : memref<49x8x128xf32, #tpu.memory_space<vmem>>, vector<1x8x128xf32>
      %get3A_1497 = vector.shape_cast %get3A_1496 : vector<1x8x128xf32> to vector<8x128xf32>
      %select_n3A_1498 = arith.select %gt3A_1491, %get3A_1497, %select_n3A_1452 : vector<8x128xi1>, vector<8x128xf32>
      %get3A_1499 = arith.constant 32 : index
      %get3A_1500 = arith.constant 0 : index
      %get3A_1501 = arith.constant 0 : index
      %get3A_1502 = vector.load %arg0[%get3A_1499, %get3A_1500, %get3A_1501] : memref<49x8x128xf32, #tpu.memory_space<vmem>>, vector<1x8x128xf32>
      %get3A_1503 = vector.shape_cast %get3A_1502 : vector<1x8x128xf32> to vector<8x128xf32>
      %sub3A_1504 = vector.broadcast %get3A_32 : f32 to vector<8x128xf32>
      %sub3A_1505 = arith.subf %get3A_1503, %sub3A_1504 : vector<8x128xf32>
      %get3A_1506 = arith.constant 32 : index
      %get3A_1507 = arith.constant 0 : index
      %get3A_1508 = arith.constant 0 : index
      %get3A_1509 = vector.load %arg1[%get3A_1506, %get3A_1507, %get3A_1508] : memref<49x8x128xf32, #tpu.memory_space<vmem>>, vector<1x8x128xf32>
      %get3A_1510 = vector.shape_cast %get3A_1509 : vector<1x8x128xf32> to vector<8x128xf32>
      %sub3A_1511 = vector.broadcast %get3A_35 : f32 to vector<8x128xf32>
      %sub3A_1512 = arith.subf %get3A_1510, %sub3A_1511 : vector<8x128xf32>
      %get3A_1513 = arith.constant 32 : index
      %get3A_1514 = arith.constant 0 : index
      %get3A_1515 = arith.constant 0 : index
      %get3A_1516 = vector.load %arg2[%get3A_1513, %get3A_1514, %get3A_1515] : memref<49x8x128xf32, #tpu.memory_space<vmem>>, vector<1x8x128xf32>
      %get3A_1517 = vector.shape_cast %get3A_1516 : vector<1x8x128xf32> to vector<8x128xf32>
      %sub3A_1518 = vector.broadcast %get3A_38 : f32 to vector<8x128xf32>
      %sub3A_1519 = arith.subf %get3A_1517, %sub3A_1518 : vector<8x128xf32>
      %mul3A_1520 = arith.mulf %sub3A_1505, %sub3A_1505 : vector<8x128xf32>
      %mul3A_1521 = arith.mulf %sub3A_1519, %sub3A_1519 : vector<8x128xf32>
      %add3A_1522 = arith.addf %mul3A_1520, %mul3A_1521 : vector<8x128xf32>
      %mul3A_1523 = arith.mulf %sub3A_1512, %sub3A_1512 : vector<8x128xf32>
      %add3A_1524 = arith.addf %add3A_1522, %mul3A_1523 : vector<8x128xf32>
      %get3A_1525 = arith.constant 32 : index
      %get3A_1526 = arith.constant 0 : index
      %get3A_1527 = arith.constant 0 : index
      %get3A_1528 = vector.load %arg5[%get3A_1525, %get3A_1526, %get3A_1527] : memref<49x8x128xf32, #tpu.memory_space<vmem>>, vector<1x8x128xf32>
      %get3A_1529 = vector.shape_cast %get3A_1528 : vector<1x8x128xf32> to vector<8x128xf32>
      %min3A_1530 = arith.minimumf %get3A_1529, %add3A_1524 : vector<8x128xf32>
      %swap3A_1531 = arith.constant 32 : index
      %swap3A_1532 = arith.constant 0 : index
      %swap3A_1533 = arith.constant 0 : index
      %swap3A_1534 = vector.load %arg5[%swap3A_1531, %swap3A_1532, %swap3A_1533] : memref<49x8x128xf32, #tpu.memory_space<vmem>>, vector<1x8x128xf32>
      %swap3A_1535 = vector.shape_cast %swap3A_1534 : vector<1x8x128xf32> to vector<8x128xf32>
      %swap3A_1536 = vector.shape_cast %min3A_1530 : vector<8x128xf32> to vector<1x8x128xf32>
      tpu.vector_store %arg5[%swap3A_1531, %swap3A_1532, %swap3A_1533], %swap3A_1536 {strides = array<i32>} : memref<49x8x128xf32, #tpu.memory_space<vmem>>, vector<1x8x128xf32>,
      %gt3A_1537 = arith.cmpf ogt, %min3A_1530, %select_n3A_1492 : vector<8x128xf32>
      %select_n3A_1538 = arith.select %gt3A_1537, %min3A_1530, %select_n3A_1492 : vector<8x128xi1>, vector<8x128xf32>
      %get3A_1539 = arith.constant 32 : index
      %get3A_1540 = arith.constant 0 : index
      %get3A_1541 = arith.constant 0 : index
      %get3A_1542 = vector.load %arg6[%get3A_1539, %get3A_1540, %get3A_1541] : memref<49x8x128xf32, #tpu.memory_space<vmem>>, vector<1x8x128xf32>
      %get3A_1543 = vector.shape_cast %get3A_1542 : vector<1x8x128xf32> to vector<8x128xf32>
      %select_n3A_1544 = arith.select %gt3A_1537, %get3A_1543, %select_n3A_1498 : vector<8x128xi1>, vector<8x128xf32>
      %get3A_1545 = arith.constant 33 : index
      %get3A_1546 = arith.constant 0 : index
      %get3A_1547 = arith.constant 0 : index
      %get3A_1548 = vector.load %arg0[%get3A_1545, %get3A_1546, %get3A_1547] : memref<49x8x128xf32, #tpu.memory_space<vmem>>, vector<1x8x128xf32>
      %get3A_1549 = vector.shape_cast %get3A_1548 : vector<1x8x128xf32> to vector<8x128xf32>
      %sub3A_1550 = vector.broadcast %get3A_32 : f32 to vector<8x128xf32>
      %sub3A_1551 = arith.subf %get3A_1549, %sub3A_1550 : vector<8x128xf32>
      %get3A_1552 = arith.constant 33 : index
      %get3A_1553 = arith.constant 0 : index
      %get3A_1554 = arith.constant 0 : index
      %get3A_1555 = vector.load %arg1[%get3A_1552, %get3A_1553, %get3A_1554] : memref<49x8x128xf32, #tpu.memory_space<vmem>>, vector<1x8x128xf32>
      %get3A_1556 = vector.shape_cast %get3A_1555 : vector<1x8x128xf32> to vector<8x128xf32>
      %sub3A_1557 = vector.broadcast %get3A_35 : f32 to vector<8x128xf32>
      %sub3A_1558 = arith.subf %get3A_1556, %sub3A_1557 : vector<8x128xf32>
      %get3A_1559 = arith.constant 33 : index
      %get3A_1560 = arith.constant 0 : index
      %get3A_1561 = arith.constant 0 : index
      %get3A_1562 = vector.load %arg2[%get3A_1559, %get3A_1560, %get3A_1561] : memref<49x8x128xf32, #tpu.memory_space<vmem>>, vector<1x8x128xf32>
      %get3A_1563 = vector.shape_cast %get3A_1562 : vector<1x8x128xf32> to vector<8x128xf32>
      %sub3A_1564 = vector.broadcast %get3A_38 : f32 to vector<8x128xf32>
      %sub3A_1565 = arith.subf %get3A_1563, %sub3A_1564 : vector<8x128xf32>
      %mul3A_1566 = arith.mulf %sub3A_1551, %sub3A_1551 : vector<8x128xf32>
      %mul3A_1567 = arith.mulf %sub3A_1565, %sub3A_1565 : vector<8x128xf32>
      %add3A_1568 = arith.addf %mul3A_1566, %mul3A_1567 : vector<8x128xf32>
      %mul3A_1569 = arith.mulf %sub3A_1558, %sub3A_1558 : vector<8x128xf32>
      %add3A_1570 = arith.addf %add3A_1568, %mul3A_1569 : vector<8x128xf32>
      %get3A_1571 = arith.constant 33 : index
      %get3A_1572 = arith.constant 0 : index
      %get3A_1573 = arith.constant 0 : index
      %get3A_1574 = vector.load %arg5[%get3A_1571, %get3A_1572, %get3A_1573] : memref<49x8x128xf32, #tpu.memory_space<vmem>>, vector<1x8x128xf32>
      %get3A_1575 = vector.shape_cast %get3A_1574 : vector<1x8x128xf32> to vector<8x128xf32>
      %min3A_1576 = arith.minimumf %get3A_1575, %add3A_1570 : vector<8x128xf32>
      %swap3A_1577 = arith.constant 33 : index
      %swap3A_1578 = arith.constant 0 : index
      %swap3A_1579 = arith.constant 0 : index
      %swap3A_1580 = vector.load %arg5[%swap3A_1577, %swap3A_1578, %swap3A_1579] : memref<49x8x128xf32, #tpu.memory_space<vmem>>, vector<1x8x128xf32>
      %swap3A_1581 = vector.shape_cast %swap3A_1580 : vector<1x8x128xf32> to vector<8x128xf32>
      %swap3A_1582 = vector.shape_cast %min3A_1576 : vector<8x128xf32> to vector<1x8x128xf32>
      tpu.vector_store %arg5[%swap3A_1577, %swap3A_1578, %swap3A_1579], %swap3A_1582 {strides = array<i32>} : memref<49x8x128xf32, #tpu.memory_space<vmem>>, vector<1x8x128xf32>,
      %gt3A_1583 = arith.cmpf ogt, %min3A_1576, %select_n3A_1538 : vector<8x128xf32>
      %select_n3A_1584 = arith.select %gt3A_1583, %min3A_1576, %select_n3A_1538 : vector<8x128xi1>, vector<8x128xf32>
      %get3A_1585 = arith.constant 33 : index
      %get3A_1586 = arith.constant 0 : index
      %get3A_1587 = arith.constant 0 : index
      %get3A_1588 = vector.load %arg6[%get3A_1585, %get3A_1586, %get3A_1587] : memref<49x8x128xf32, #tpu.memory_space<vmem>>, vector<1x8x128xf32>
      %get3A_1589 = vector.shape_cast %get3A_1588 : vector<1x8x128xf32> to vector<8x128xf32>
      %select_n3A_1590 = arith.select %gt3A_1583, %get3A_1589, %select_n3A_1544 : vector<8x128xi1>, vector<8x128xf32>
      %get3A_1591 = arith.constant 34 : index
      %get3A_1592 = arith.constant 0 : index
      %get3A_1593 = arith.constant 0 : index
      %get3A_1594 = vector.load %arg0[%get3A_1591, %get3A_1592, %get3A_1593] : memref<49x8x128xf32, #tpu.memory_space<vmem>>, vector<1x8x128xf32>
      %get3A_1595 = vector.shape_cast %get3A_1594 : vector<1x8x128xf32> to vector<8x128xf32>
      %sub3A_1596 = vector.broadcast %get3A_32 : f32 to vector<8x128xf32>
      %sub3A_1597 = arith.subf %get3A_1595, %sub3A_1596 : vector<8x128xf32>
      %get3A_1598 = arith.constant 34 : index
      %get3A_1599 = arith.constant 0 : index
      %get3A_1600 = arith.constant 0 : index
      %get3A_1601 = vector.load %arg1[%get3A_1598, %get3A_1599, %get3A_1600] : memref<49x8x128xf32, #tpu.memory_space<vmem>>, vector<1x8x128xf32>
      %get3A_1602 = vector.shape_cast %get3A_1601 : vector<1x8x128xf32> to vector<8x128xf32>
      %sub3A_1603 = vector.broadcast %get3A_35 : f32 to vector<8x128xf32>
      %sub3A_1604 = arith.subf %get3A_1602, %sub3A_1603 : vector<8x128xf32>
      %get3A_1605 = arith.constant 34 : index
      %get3A_1606 = arith.constant 0 : index
      %get3A_1607 = arith.constant 0 : index
      %get3A_1608 = vector.load %arg2[%get3A_1605, %get3A_1606, %get3A_1607] : memref<49x8x128xf32, #tpu.memory_space<vmem>>, vector<1x8x128xf32>
      %get3A_1609 = vector.shape_cast %get3A_1608 : vector<1x8x128xf32> to vector<8x128xf32>
      %sub3A_1610 = vector.broadcast %get3A_38 : f32 to vector<8x128xf32>
      %sub3A_1611 = arith.subf %get3A_1609, %sub3A_1610 : vector<8x128xf32>
      %mul3A_1612 = arith.mulf %sub3A_1597, %sub3A_1597 : vector<8x128xf32>
      %mul3A_1613 = arith.mulf %sub3A_1611, %sub3A_1611 : vector<8x128xf32>
      %add3A_1614 = arith.addf %mul3A_1612, %mul3A_1613 : vector<8x128xf32>
      %mul3A_1615 = arith.mulf %sub3A_1604, %sub3A_1604 : vector<8x128xf32>
      %add3A_1616 = arith.addf %add3A_1614, %mul3A_1615 : vector<8x128xf32>
      %get3A_1617 = arith.constant 34 : index
      %get3A_1618 = arith.constant 0 : index
      %get3A_1619 = arith.constant 0 : index
      %get3A_1620 = vector.load %arg5[%get3A_1617, %get3A_1618, %get3A_1619] : memref<49x8x128xf32, #tpu.memory_space<vmem>>, vector<1x8x128xf32>
      %get3A_1621 = vector.shape_cast %get3A_1620 : vector<1x8x128xf32> to vector<8x128xf32>
      %min3A_1622 = arith.minimumf %get3A_1621, %add3A_1616 : vector<8x128xf32>
      %swap3A_1623 = arith.constant 34 : index
      %swap3A_1624 = arith.constant 0 : index
      %swap3A_1625 = arith.constant 0 : index
      %swap3A_1626 = vector.load %arg5[%swap3A_1623, %swap3A_1624, %swap3A_1625] : memref<49x8x128xf32, #tpu.memory_space<vmem>>, vector<1x8x128xf32>
      %swap3A_1627 = vector.shape_cast %swap3A_1626 : vector<1x8x128xf32> to vector<8x128xf32>
      %swap3A_1628 = vector.shape_cast %min3A_1622 : vector<8x128xf32> to vector<1x8x128xf32>
      tpu.vector_store %arg5[%swap3A_1623, %swap3A_1624, %swap3A_1625], %swap3A_1628 {strides = array<i32>} : memref<49x8x128xf32, #tpu.memory_space<vmem>>, vector<1x8x128xf32>,
      %gt3A_1629 = arith.cmpf ogt, %min3A_1622, %select_n3A_1584 : vector<8x128xf32>
      %select_n3A_1630 = arith.select %gt3A_1629, %min3A_1622, %select_n3A_1584 : vector<8x128xi1>, vector<8x128xf32>
      %get3A_1631 = arith.constant 34 : index
      %get3A_1632 = arith.constant 0 : index
      %get3A_1633 = arith.constant 0 : index
      %get3A_1634 = vector.load %arg6[%get3A_1631, %get3A_1632, %get3A_1633] : memref<49x8x128xf32, #tpu.memory_space<vmem>>, vector<1x8x128xf32>
      %get3A_1635 = vector.shape_cast %get3A_1634 : vector<1x8x128xf32> to vector<8x128xf32>
      %select_n3A_1636 = arith.select %gt3A_1629, %get3A_1635, %select_n3A_1590 : vector<8x128xi1>, vector<8x128xf32>
      %get3A_1637 = arith.constant 35 : index
      %get3A_1638 = arith.constant 0 : index
      %get3A_1639 = arith.constant 0 : index
      %get3A_1640 = vector.load %arg0[%get3A_1637, %get3A_1638, %get3A_1639] : memref<49x8x128xf32, #tpu.memory_space<vmem>>, vector<1x8x128xf32>
      %get3A_1641 = vector.shape_cast %get3A_1640 : vector<1x8x128xf32> to vector<8x128xf32>
      %sub3A_1642 = vector.broadcast %get3A_32 : f32 to vector<8x128xf32>
      %sub3A_1643 = arith.subf %get3A_1641, %sub3A_1642 : vector<8x128xf32>
      %get3A_1644 = arith.constant 35 : index
      %get3A_1645 = arith.constant 0 : index
      %get3A_1646 = arith.constant 0 : index
      %get3A_1647 = vector.load %arg1[%get3A_1644, %get3A_1645, %get3A_1646] : memref<49x8x128xf32, #tpu.memory_space<vmem>>, vector<1x8x128xf32>
      %get3A_1648 = vector.shape_cast %get3A_1647 : vector<1x8x128xf32> to vector<8x128xf32>
      %sub3A_1649 = vector.broadcast %get3A_35 : f32 to vector<8x128xf32>
      %sub3A_1650 = arith.subf %get3A_1648, %sub3A_1649 : vector<8x128xf32>
      %get3A_1651 = arith.constant 35 : index
      %get3A_1652 = arith.constant 0 : index
      %get3A_1653 = arith.constant 0 : index
      %get3A_1654 = vector.load %arg2[%get3A_1651, %get3A_1652, %get3A_1653] : memref<49x8x128xf32, #tpu.memory_space<vmem>>, vector<1x8x128xf32>
      %get3A_1655 = vector.shape_cast %get3A_1654 : vector<1x8x128xf32> to vector<8x128xf32>
      %sub3A_1656 = vector.broadcast %get3A_38 : f32 to vector<8x128xf32>
      %sub3A_1657 = arith.subf %get3A_1655, %sub3A_1656 : vector<8x128xf32>
      %mul3A_1658 = arith.mulf %sub3A_1643, %sub3A_1643 : vector<8x128xf32>
      %mul3A_1659 = arith.mulf %sub3A_1657, %sub3A_1657 : vector<8x128xf32>
      %add3A_1660 = arith.addf %mul3A_1658, %mul3A_1659 : vector<8x128xf32>
      %mul3A_1661 = arith.mulf %sub3A_1650, %sub3A_1650 : vector<8x128xf32>
      %add3A_1662 = arith.addf %add3A_1660, %mul3A_1661 : vector<8x128xf32>
      %get3A_1663 = arith.constant 35 : index
      %get3A_1664 = arith.constant 0 : index
      %get3A_1665 = arith.constant 0 : index
      %get3A_1666 = vector.load %arg5[%get3A_1663, %get3A_1664, %get3A_1665] : memref<49x8x128xf32, #tpu.memory_space<vmem>>, vector<1x8x128xf32>
      %get3A_1667 = vector.shape_cast %get3A_1666 : vector<1x8x128xf32> to vector<8x128xf32>
      %min3A_1668 = arith.minimumf %get3A_1667, %add3A_1662 : vector<8x128xf32>
      %swap3A_1669 = arith.constant 35 : index
      %swap3A_1670 = arith.constant 0 : index
      %swap3A_1671 = arith.constant 0 : index
      %swap3A_1672 = vector.load %arg5[%swap3A_1669, %swap3A_1670, %swap3A_1671] : memref<49x8x128xf32, #tpu.memory_space<vmem>>, vector<1x8x128xf32>
      %swap3A_1673 = vector.shape_cast %swap3A_1672 : vector<1x8x128xf32> to vector<8x128xf32>
      %swap3A_1674 = vector.shape_cast %min3A_1668 : vector<8x128xf32> to vector<1x8x128xf32>
      tpu.vector_store %arg5[%swap3A_1669, %swap3A_1670, %swap3A_1671], %swap3A_1674 {strides = array<i32>} : memref<49x8x128xf32, #tpu.memory_space<vmem>>, vector<1x8x128xf32>,
      %gt3A_1675 = arith.cmpf ogt, %min3A_1668, %select_n3A_1630 : vector<8x128xf32>
      %select_n3A_1676 = arith.select %gt3A_1675, %min3A_1668, %select_n3A_1630 : vector<8x128xi1>, vector<8x128xf32>
      %get3A_1677 = arith.constant 35 : index
      %get3A_1678 = arith.constant 0 : index
      %get3A_1679 = arith.constant 0 : index
      %get3A_1680 = vector.load %arg6[%get3A_1677, %get3A_1678, %get3A_1679] : memref<49x8x128xf32, #tpu.memory_space<vmem>>, vector<1x8x128xf32>
      %get3A_1681 = vector.shape_cast %get3A_1680 : vector<1x8x128xf32> to vector<8x128xf32>
      %select_n3A_1682 = arith.select %gt3A_1675, %get3A_1681, %select_n3A_1636 : vector<8x128xi1>, vector<8x128xf32>
      %get3A_1683 = arith.constant 36 : index
      %get3A_1684 = arith.constant 0 : index
      %get3A_1685 = arith.constant 0 : index
      %get3A_1686 = vector.load %arg0[%get3A_1683, %get3A_1684, %get3A_1685] : memref<49x8x128xf32, #tpu.memory_space<vmem>>, vector<1x8x128xf32>
      %get3A_1687 = vector.shape_cast %get3A_1686 : vector<1x8x128xf32> to vector<8x128xf32>
      %sub3A_1688 = vector.broadcast %get3A_32 : f32 to vector<8x128xf32>
      %sub3A_1689 = arith.subf %get3A_1687, %sub3A_1688 : vector<8x128xf32>
      %get3A_1690 = arith.constant 36 : index
      %get3A_1691 = arith.constant 0 : index
      %get3A_1692 = arith.constant 0 : index
      %get3A_1693 = vector.load %arg1[%get3A_1690, %get3A_1691, %get3A_1692] : memref<49x8x128xf32, #tpu.memory_space<vmem>>, vector<1x8x128xf32>
      %get3A_1694 = vector.shape_cast %get3A_1693 : vector<1x8x128xf32> to vector<8x128xf32>
      %sub3A_1695 = vector.broadcast %get3A_35 : f32 to vector<8x128xf32>
      %sub3A_1696 = arith.subf %get3A_1694, %sub3A_1695 : vector<8x128xf32>
      %get3A_1697 = arith.constant 36 : index
      %get3A_1698 = arith.constant 0 : index
      %get3A_1699 = arith.constant 0 : index
      %get3A_1700 = vector.load %arg2[%get3A_1697, %get3A_1698, %get3A_1699] : memref<49x8x128xf32, #tpu.memory_space<vmem>>, vector<1x8x128xf32>
      %get3A_1701 = vector.shape_cast %get3A_1700 : vector<1x8x128xf32> to vector<8x128xf32>
      %sub3A_1702 = vector.broadcast %get3A_38 : f32 to vector<8x128xf32>
      %sub3A_1703 = arith.subf %get3A_1701, %sub3A_1702 : vector<8x128xf32>
      %mul3A_1704 = arith.mulf %sub3A_1689, %sub3A_1689 : vector<8x128xf32>
      %mul3A_1705 = arith.mulf %sub3A_1703, %sub3A_1703 : vector<8x128xf32>
      %add3A_1706 = arith.addf %mul3A_1704, %mul3A_1705 : vector<8x128xf32>
      %mul3A_1707 = arith.mulf %sub3A_1696, %sub3A_1696 : vector<8x128xf32>
      %add3A_1708 = arith.addf %add3A_1706, %mul3A_1707 : vector<8x128xf32>
      %get3A_1709 = arith.constant 36 : index
      %get3A_1710 = arith.constant 0 : index
      %get3A_1711 = arith.constant 0 : index
      %get3A_1712 = vector.load %arg5[%get3A_1709, %get3A_1710, %get3A_1711] : memref<49x8x128xf32, #tpu.memory_space<vmem>>, vector<1x8x128xf32>
      %get3A_1713 = vector.shape_cast %get3A_1712 : vector<1x8x128xf32> to vector<8x128xf32>
      %min3A_1714 = arith.minimumf %get3A_1713, %add3A_1708 : vector<8x128xf32>
      %swap3A_1715 = arith.constant 36 : index
      %swap3A_1716 = arith.constant 0 : index
      %swap3A_1717 = arith.constant 0 : index
      %swap3A_1718 = vector.load %arg5[%swap3A_1715, %swap3A_1716, %swap3A_1717] : memref<49x8x128xf32, #tpu.memory_space<vmem>>, vector<1x8x128xf32>
      %swap3A_1719 = vector.shape_cast %swap3A_1718 : vector<1x8x128xf32> to vector<8x128xf32>
      %swap3A_1720 = vector.shape_cast %min3A_1714 : vector<8x128xf32> to vector<1x8x128xf32>
      tpu.vector_store %arg5[%swap3A_1715, %swap3A_1716, %swap3A_1717], %swap3A_1720 {strides = array<i32>} : memref<49x8x128xf32, #tpu.memory_space<vmem>>, vector<1x8x128xf32>,
      %gt3A_1721 = arith.cmpf ogt, %min3A_1714, %select_n3A_1676 : vector<8x128xf32>
      %select_n3A_1722 = arith.select %gt3A_1721, %min3A_1714, %select_n3A_1676 : vector<8x128xi1>, vector<8x128xf32>
      %get3A_1723 = arith.constant 36 : index
      %get3A_1724 = arith.constant 0 : index
      %get3A_1725 = arith.constant 0 : index
      %get3A_1726 = vector.load %arg6[%get3A_1723, %get3A_1724, %get3A_1725] : memref<49x8x128xf32, #tpu.memory_space<vmem>>, vector<1x8x128xf32>
      %get3A_1727 = vector.shape_cast %get3A_1726 : vector<1x8x128xf32> to vector<8x128xf32>
      %select_n3A_1728 = arith.select %gt3A_1721, %get3A_1727, %select_n3A_1682 : vector<8x128xi1>, vector<8x128xf32>
      %get3A_1729 = arith.constant 37 : index
      %get3A_1730 = arith.constant 0 : index
      %get3A_1731 = arith.constant 0 : index
      %get3A_1732 = vector.load %arg0[%get3A_1729, %get3A_1730, %get3A_1731] : memref<49x8x128xf32, #tpu.memory_space<vmem>>, vector<1x8x128xf32>
      %get3A_1733 = vector.shape_cast %get3A_1732 : vector<1x8x128xf32> to vector<8x128xf32>
      %sub3A_1734 = vector.broadcast %get3A_32 : f32 to vector<8x128xf32>
      %sub3A_1735 = arith.subf %get3A_1733, %sub3A_1734 : vector<8x128xf32>
      %get3A_1736 = arith.constant 37 : index
      %get3A_1737 = arith.constant 0 : index
      %get3A_1738 = arith.constant 0 : index
      %get3A_1739 = vector.load %arg1[%get3A_1736, %get3A_1737, %get3A_1738] : memref<49x8x128xf32, #tpu.memory_space<vmem>>, vector<1x8x128xf32>
      %get3A_1740 = vector.shape_cast %get3A_1739 : vector<1x8x128xf32> to vector<8x128xf32>
      %sub3A_1741 = vector.broadcast %get3A_35 : f32 to vector<8x128xf32>
      %sub3A_1742 = arith.subf %get3A_1740, %sub3A_1741 : vector<8x128xf32>
      %get3A_1743 = arith.constant 37 : index
      %get3A_1744 = arith.constant 0 : index
      %get3A_1745 = arith.constant 0 : index
      %get3A_1746 = vector.load %arg2[%get3A_1743, %get3A_1744, %get3A_1745] : memref<49x8x128xf32, #tpu.memory_space<vmem>>, vector<1x8x128xf32>
      %get3A_1747 = vector.shape_cast %get3A_1746 : vector<1x8x128xf32> to vector<8x128xf32>
      %sub3A_1748 = vector.broadcast %get3A_38 : f32 to vector<8x128xf32>
      %sub3A_1749 = arith.subf %get3A_1747, %sub3A_1748 : vector<8x128xf32>
      %mul3A_1750 = arith.mulf %sub3A_1735, %sub3A_1735 : vector<8x128xf32>
      %mul3A_1751 = arith.mulf %sub3A_1749, %sub3A_1749 : vector<8x128xf32>
      %add3A_1752 = arith.addf %mul3A_1750, %mul3A_1751 : vector<8x128xf32>
      %mul3A_1753 = arith.mulf %sub3A_1742, %sub3A_1742 : vector<8x128xf32>
      %add3A_1754 = arith.addf %add3A_1752, %mul3A_1753 : vector<8x128xf32>
      %get3A_1755 = arith.constant 37 : index
      %get3A_1756 = arith.constant 0 : index
      %get3A_1757 = arith.constant 0 : index
      %get3A_1758 = vector.load %arg5[%get3A_1755, %get3A_1756, %get3A_1757] : memref<49x8x128xf32, #tpu.memory_space<vmem>>, vector<1x8x128xf32>
      %get3A_1759 = vector.shape_cast %get3A_1758 : vector<1x8x128xf32> to vector<8x128xf32>
      %min3A_1760 = arith.minimumf %get3A_1759, %add3A_1754 : vector<8x128xf32>
      %swap3A_1761 = arith.constant 37 : index
      %swap3A_1762 = arith.constant 0 : index
      %swap3A_1763 = arith.constant 0 : index
      %swap3A_1764 = vector.load %arg5[%swap3A_1761, %swap3A_1762, %swap3A_1763] : memref<49x8x128xf32, #tpu.memory_space<vmem>>, vector<1x8x128xf32>
      %swap3A_1765 = vector.shape_cast %swap3A_1764 : vector<1x8x128xf32> to vector<8x128xf32>
      %swap3A_1766 = vector.shape_cast %min3A_1760 : vector<8x128xf32> to vector<1x8x128xf32>
      tpu.vector_store %arg5[%swap3A_1761, %swap3A_1762, %swap3A_1763], %swap3A_1766 {strides = array<i32>} : memref<49x8x128xf32, #tpu.memory_space<vmem>>, vector<1x8x128xf32>,
      %gt3A_1767 = arith.cmpf ogt, %min3A_1760, %select_n3A_1722 : vector<8x128xf32>
      %select_n3A_1768 = arith.select %gt3A_1767, %min3A_1760, %select_n3A_1722 : vector<8x128xi1>, vector<8x128xf32>
      %get3A_1769 = arith.constant 37 : index
      %get3A_1770 = arith.constant 0 : index
      %get3A_1771 = arith.constant 0 : index
      %get3A_1772 = vector.load %arg6[%get3A_1769, %get3A_1770, %get3A_1771] : memref<49x8x128xf32, #tpu.memory_space<vmem>>, vector<1x8x128xf32>
      %get3A_1773 = vector.shape_cast %get3A_1772 : vector<1x8x128xf32> to vector<8x128xf32>
      %select_n3A_1774 = arith.select %gt3A_1767, %get3A_1773, %select_n3A_1728 : vector<8x128xi1>, vector<8x128xf32>
      %get3A_1775 = arith.constant 38 : index
      %get3A_1776 = arith.constant 0 : index
      %get3A_1777 = arith.constant 0 : index
      %get3A_1778 = vector.load %arg0[%get3A_1775, %get3A_1776, %get3A_1777] : memref<49x8x128xf32, #tpu.memory_space<vmem>>, vector<1x8x128xf32>
      %get3A_1779 = vector.shape_cast %get3A_1778 : vector<1x8x128xf32> to vector<8x128xf32>
      %sub3A_1780 = vector.broadcast %get3A_32 : f32 to vector<8x128xf32>
      %sub3A_1781 = arith.subf %get3A_1779, %sub3A_1780 : vector<8x128xf32>
      %get3A_1782 = arith.constant 38 : index
      %get3A_1783 = arith.constant 0 : index
      %get3A_1784 = arith.constant 0 : index
      %get3A_1785 = vector.load %arg1[%get3A_1782, %get3A_1783, %get3A_1784] : memref<49x8x128xf32, #tpu.memory_space<vmem>>, vector<1x8x128xf32>
      %get3A_1786 = vector.shape_cast %get3A_1785 : vector<1x8x128xf32> to vector<8x128xf32>
      %sub3A_1787 = vector.broadcast %get3A_35 : f32 to vector<8x128xf32>
      %sub3A_1788 = arith.subf %get3A_1786, %sub3A_1787 : vector<8x128xf32>
      %get3A_1789 = arith.constant 38 : index
      %get3A_1790 = arith.constant 0 : index
      %get3A_1791 = arith.constant 0 : index
      %get3A_1792 = vector.load %arg2[%get3A_1789, %get3A_1790, %get3A_1791] : memref<49x8x128xf32, #tpu.memory_space<vmem>>, vector<1x8x128xf32>
      %get3A_1793 = vector.shape_cast %get3A_1792 : vector<1x8x128xf32> to vector<8x128xf32>
      %sub3A_1794 = vector.broadcast %get3A_38 : f32 to vector<8x128xf32>
      %sub3A_1795 = arith.subf %get3A_1793, %sub3A_1794 : vector<8x128xf32>
      %mul3A_1796 = arith.mulf %sub3A_1781, %sub3A_1781 : vector<8x128xf32>
      %mul3A_1797 = arith.mulf %sub3A_1795, %sub3A_1795 : vector<8x128xf32>
      %add3A_1798 = arith.addf %mul3A_1796, %mul3A_1797 : vector<8x128xf32>
      %mul3A_1799 = arith.mulf %sub3A_1788, %sub3A_1788 : vector<8x128xf32>
      %add3A_1800 = arith.addf %add3A_1798, %mul3A_1799 : vector<8x128xf32>
      %get3A_1801 = arith.constant 38 : index
      %get3A_1802 = arith.constant 0 : index
      %get3A_1803 = arith.constant 0 : index
      %get3A_1804 = vector.load %arg5[%get3A_1801, %get3A_1802, %get3A_1803] : memref<49x8x128xf32, #tpu.memory_space<vmem>>, vector<1x8x128xf32>
      %get3A_1805 = vector.shape_cast %get3A_1804 : vector<1x8x128xf32> to vector<8x128xf32>
      %min3A_1806 = arith.minimumf %get3A_1805, %add3A_1800 : vector<8x128xf32>
      %swap3A_1807 = arith.constant 38 : index
      %swap3A_1808 = arith.constant 0 : index
      %swap3A_1809 = arith.constant 0 : index
      %swap3A_1810 = vector.load %arg5[%swap3A_1807, %swap3A_1808, %swap3A_1809] : memref<49x8x128xf32, #tpu.memory_space<vmem>>, vector<1x8x128xf32>
      %swap3A_1811 = vector.shape_cast %swap3A_1810 : vector<1x8x128xf32> to vector<8x128xf32>
      %swap3A_1812 = vector.shape_cast %min3A_1806 : vector<8x128xf32> to vector<1x8x128xf32>
      tpu.vector_store %arg5[%swap3A_1807, %swap3A_1808, %swap3A_1809], %swap3A_1812 {strides = array<i32>} : memref<49x8x128xf32, #tpu.memory_space<vmem>>, vector<1x8x128xf32>,
      %gt3A_1813 = arith.cmpf ogt, %min3A_1806, %select_n3A_1768 : vector<8x128xf32>
      %select_n3A_1814 = arith.select %gt3A_1813, %min3A_1806, %select_n3A_1768 : vector<8x128xi1>, vector<8x128xf32>
      %get3A_1815 = arith.constant 38 : index
      %get3A_1816 = arith.constant 0 : index
      %get3A_1817 = arith.constant 0 : index
      %get3A_1818 = vector.load %arg6[%get3A_1815, %get3A_1816, %get3A_1817] : memref<49x8x128xf32, #tpu.memory_space<vmem>>, vector<1x8x128xf32>
      %get3A_1819 = vector.shape_cast %get3A_1818 : vector<1x8x128xf32> to vector<8x128xf32>
      %select_n3A_1820 = arith.select %gt3A_1813, %get3A_1819, %select_n3A_1774 : vector<8x128xi1>, vector<8x128xf32>
      %get3A_1821 = arith.constant 39 : index
      %get3A_1822 = arith.constant 0 : index
      %get3A_1823 = arith.constant 0 : index
      %get3A_1824 = vector.load %arg0[%get3A_1821, %get3A_1822, %get3A_1823] : memref<49x8x128xf32, #tpu.memory_space<vmem>>, vector<1x8x128xf32>
      %get3A_1825 = vector.shape_cast %get3A_1824 : vector<1x8x128xf32> to vector<8x128xf32>
      %sub3A_1826 = vector.broadcast %get3A_32 : f32 to vector<8x128xf32>
      %sub3A_1827 = arith.subf %get3A_1825, %sub3A_1826 : vector<8x128xf32>
      %get3A_1828 = arith.constant 39 : index
      %get3A_1829 = arith.constant 0 : index
      %get3A_1830 = arith.constant 0 : index
      %get3A_1831 = vector.load %arg1[%get3A_1828, %get3A_1829, %get3A_1830] : memref<49x8x128xf32, #tpu.memory_space<vmem>>, vector<1x8x128xf32>
      %get3A_1832 = vector.shape_cast %get3A_1831 : vector<1x8x128xf32> to vector<8x128xf32>
      %sub3A_1833 = vector.broadcast %get3A_35 : f32 to vector<8x128xf32>
      %sub3A_1834 = arith.subf %get3A_1832, %sub3A_1833 : vector<8x128xf32>
      %get3A_1835 = arith.constant 39 : index
      %get3A_1836 = arith.constant 0 : index
      %get3A_1837 = arith.constant 0 : index
      %get3A_1838 = vector.load %arg2[%get3A_1835, %get3A_1836, %get3A_1837] : memref<49x8x128xf32, #tpu.memory_space<vmem>>, vector<1x8x128xf32>
      %get3A_1839 = vector.shape_cast %get3A_1838 : vector<1x8x128xf32> to vector<8x128xf32>
      %sub3A_1840 = vector.broadcast %get3A_38 : f32 to vector<8x128xf32>
      %sub3A_1841 = arith.subf %get3A_1839, %sub3A_1840 : vector<8x128xf32>
      %mul3A_1842 = arith.mulf %sub3A_1827, %sub3A_1827 : vector<8x128xf32>
      %mul3A_1843 = arith.mulf %sub3A_1841, %sub3A_1841 : vector<8x128xf32>
      %add3A_1844 = arith.addf %mul3A_1842, %mul3A_1843 : vector<8x128xf32>
      %mul3A_1845 = arith.mulf %sub3A_1834, %sub3A_1834 : vector<8x128xf32>
      %add3A_1846 = arith.addf %add3A_1844, %mul3A_1845 : vector<8x128xf32>
      %get3A_1847 = arith.constant 39 : index
      %get3A_1848 = arith.constant 0 : index
      %get3A_1849 = arith.constant 0 : index
      %get3A_1850 = vector.load %arg5[%get3A_1847, %get3A_1848, %get3A_1849] : memref<49x8x128xf32, #tpu.memory_space<vmem>>, vector<1x8x128xf32>
      %get3A_1851 = vector.shape_cast %get3A_1850 : vector<1x8x128xf32> to vector<8x128xf32>
      %min3A_1852 = arith.minimumf %get3A_1851, %add3A_1846 : vector<8x128xf32>
      %swap3A_1853 = arith.constant 39 : index
      %swap3A_1854 = arith.constant 0 : index
      %swap3A_1855 = arith.constant 0 : index
      %swap3A_1856 = vector.load %arg5[%swap3A_1853, %swap3A_1854, %swap3A_1855] : memref<49x8x128xf32, #tpu.memory_space<vmem>>, vector<1x8x128xf32>
      %swap3A_1857 = vector.shape_cast %swap3A_1856 : vector<1x8x128xf32> to vector<8x128xf32>
      %swap3A_1858 = vector.shape_cast %min3A_1852 : vector<8x128xf32> to vector<1x8x128xf32>
      tpu.vector_store %arg5[%swap3A_1853, %swap3A_1854, %swap3A_1855], %swap3A_1858 {strides = array<i32>} : memref<49x8x128xf32, #tpu.memory_space<vmem>>, vector<1x8x128xf32>,
      %get3A_1859 = arith.constant 39 : index
      %get3A_1860 = arith.constant 0 : index
      %get3A_1861 = arith.constant 0 : index
      %get3A_1862 = vector.load %arg6[%get3A_1859, %get3A_1860, %get3A_1861] : memref<49x8x128xf32, #tpu.memory_space<vmem>>, vector<1x8x128xf32>
      %get3A_1863 = vector.shape_cast %get3A_1862 : vector<1x8x128xf32> to vector<8x128xf32>
      %get3A_1864 = arith.constant 40 : index
      %get3A_1865 = arith.constant 0 : index
      %get3A_1866 = arith.constant 0 : index
      %get3A_1867 = vector.load %arg0[%get3A_1864, %get3A_1865, %get3A_1866] : memref<49x8x128xf32, #tpu.memory_space<vmem>>, vector<1x8x128xf32>
      %get3A_1868 = vector.shape_cast %get3A_1867 : vector<1x8x128xf32> to vector<8x128xf32>
      %sub3A_1869 = vector.broadcast %get3A_32 : f32 to vector<8x128xf32>
      %sub3A_1870 = arith.subf %get3A_1868, %sub3A_1869 : vector<8x128xf32>
      %get3A_1871 = arith.constant 40 : index
      %get3A_1872 = arith.constant 0 : index
      %get3A_1873 = arith.constant 0 : index
      %get3A_1874 = vector.load %arg1[%get3A_1871, %get3A_1872, %get3A_1873] : memref<49x8x128xf32, #tpu.memory_space<vmem>>, vector<1x8x128xf32>
      %get3A_1875 = vector.shape_cast %get3A_1874 : vector<1x8x128xf32> to vector<8x128xf32>
      %sub3A_1876 = vector.broadcast %get3A_35 : f32 to vector<8x128xf32>
      %sub3A_1877 = arith.subf %get3A_1875, %sub3A_1876 : vector<8x128xf32>
      %get3A_1878 = arith.constant 40 : index
      %get3A_1879 = arith.constant 0 : index
      %get3A_1880 = arith.constant 0 : index
      %get3A_1881 = vector.load %arg2[%get3A_1878, %get3A_1879, %get3A_1880] : memref<49x8x128xf32, #tpu.memory_space<vmem>>, vector<1x8x128xf32>
      %get3A_1882 = vector.shape_cast %get3A_1881 : vector<1x8x128xf32> to vector<8x128xf32>
      %sub3A_1883 = vector.broadcast %get3A_38 : f32 to vector<8x128xf32>
      %sub3A_1884 = arith.subf %get3A_1882, %sub3A_1883 : vector<8x128xf32>
      %mul3A_1885 = arith.mulf %sub3A_1870, %sub3A_1870 : vector<8x128xf32>
      %mul3A_1886 = arith.mulf %sub3A_1884, %sub3A_1884 : vector<8x128xf32>
      %add3A_1887 = arith.addf %mul3A_1885, %mul3A_1886 : vector<8x128xf32>
      %mul3A_1888 = arith.mulf %sub3A_1877, %sub3A_1877 : vector<8x128xf32>
      %add3A_1889 = arith.addf %add3A_1887, %mul3A_1888 : vector<8x128xf32>
      %get3A_1890 = arith.constant 40 : index
      %get3A_1891 = arith.constant 0 : index
      %get3A_1892 = arith.constant 0 : index
      %get3A_1893 = vector.load %arg5[%get3A_1890, %get3A_1891, %get3A_1892] : memref<49x8x128xf32, #tpu.memory_space<vmem>>, vector<1x8x128xf32>
      %get3A_1894 = vector.shape_cast %get3A_1893 : vector<1x8x128xf32> to vector<8x128xf32>
      %min3A_1895 = arith.minimumf %get3A_1894, %add3A_1889 : vector<8x128xf32>
      %swap3A_1896 = arith.constant 40 : index
      %swap3A_1897 = arith.constant 0 : index
      %swap3A_1898 = arith.constant 0 : index
      %swap3A_1899 = vector.load %arg5[%swap3A_1896, %swap3A_1897, %swap3A_1898] : memref<49x8x128xf32, #tpu.memory_space<vmem>>, vector<1x8x128xf32>
      %swap3A_1900 = vector.shape_cast %swap3A_1899 : vector<1x8x128xf32> to vector<8x128xf32>
      %swap3A_1901 = vector.shape_cast %min3A_1895 : vector<8x128xf32> to vector<1x8x128xf32>
      tpu.vector_store %arg5[%swap3A_1896, %swap3A_1897, %swap3A_1898], %swap3A_1901 {strides = array<i32>} : memref<49x8x128xf32, #tpu.memory_space<vmem>>, vector<1x8x128xf32>,
      %gt3A_1902 = arith.cmpf ogt, %min3A_1895, %min3A_1852 : vector<8x128xf32>
      %select_n3A_1903 = arith.select %gt3A_1902, %min3A_1895, %min3A_1852 : vector<8x128xi1>, vector<8x128xf32>
      %get3A_1904 = arith.constant 40 : index
      %get3A_1905 = arith.constant 0 : index
      %get3A_1906 = arith.constant 0 : index
      %get3A_1907 = vector.load %arg6[%get3A_1904, %get3A_1905, %get3A_1906] : memref<49x8x128xf32, #tpu.memory_space<vmem>>, vector<1x8x128xf32>
      %get3A_1908 = vector.shape_cast %get3A_1907 : vector<1x8x128xf32> to vector<8x128xf32>
      %select_n3A_1909 = arith.select %gt3A_1902, %get3A_1908, %get3A_1863 : vector<8x128xi1>, vector<8x128xf32>
      %get3A_1910 = arith.constant 41 : index
      %get3A_1911 = arith.constant 0 : index
      %get3A_1912 = arith.constant 0 : index
      %get3A_1913 = vector.load %arg0[%get3A_1910, %get3A_1911, %get3A_1912] : memref<49x8x128xf32, #tpu.memory_space<vmem>>, vector<1x8x128xf32>
      %get3A_1914 = vector.shape_cast %get3A_1913 : vector<1x8x128xf32> to vector<8x128xf32>
      %sub3A_1915 = vector.broadcast %get3A_32 : f32 to vector<8x128xf32>
      %sub3A_1916 = arith.subf %get3A_1914, %sub3A_1915 : vector<8x128xf32>
      %get3A_1917 = arith.constant 41 : index
      %get3A_1918 = arith.constant 0 : index
      %get3A_1919 = arith.constant 0 : index
      %get3A_1920 = vector.load %arg1[%get3A_1917, %get3A_1918, %get3A_1919] : memref<49x8x128xf32, #tpu.memory_space<vmem>>, vector<1x8x128xf32>
      %get3A_1921 = vector.shape_cast %get3A_1920 : vector<1x8x128xf32> to vector<8x128xf32>
      %sub3A_1922 = vector.broadcast %get3A_35 : f32 to vector<8x128xf32>
      %sub3A_1923 = arith.subf %get3A_1921, %sub3A_1922 : vector<8x128xf32>
      %get3A_1924 = arith.constant 41 : index
      %get3A_1925 = arith.constant 0 : index
      %get3A_1926 = arith.constant 0 : index
      %get3A_1927 = vector.load %arg2[%get3A_1924, %get3A_1925, %get3A_1926] : memref<49x8x128xf32, #tpu.memory_space<vmem>>, vector<1x8x128xf32>
      %get3A_1928 = vector.shape_cast %get3A_1927 : vector<1x8x128xf32> to vector<8x128xf32>
      %sub3A_1929 = vector.broadcast %get3A_38 : f32 to vector<8x128xf32>
      %sub3A_1930 = arith.subf %get3A_1928, %sub3A_1929 : vector<8x128xf32>
      %mul3A_1931 = arith.mulf %sub3A_1916, %sub3A_1916 : vector<8x128xf32>
      %mul3A_1932 = arith.mulf %sub3A_1930, %sub3A_1930 : vector<8x128xf32>
      %add3A_1933 = arith.addf %mul3A_1931, %mul3A_1932 : vector<8x128xf32>
      %mul3A_1934 = arith.mulf %sub3A_1923, %sub3A_1923 : vector<8x128xf32>
      %add3A_1935 = arith.addf %add3A_1933, %mul3A_1934 : vector<8x128xf32>
      %get3A_1936 = arith.constant 41 : index
      %get3A_1937 = arith.constant 0 : index
      %get3A_1938 = arith.constant 0 : index
      %get3A_1939 = vector.load %arg5[%get3A_1936, %get3A_1937, %get3A_1938] : memref<49x8x128xf32, #tpu.memory_space<vmem>>, vector<1x8x128xf32>
      %get3A_1940 = vector.shape_cast %get3A_1939 : vector<1x8x128xf32> to vector<8x128xf32>
      %min3A_1941 = arith.minimumf %get3A_1940, %add3A_1935 : vector<8x128xf32>
      %swap3A_1942 = arith.constant 41 : index
      %swap3A_1943 = arith.constant 0 : index
      %swap3A_1944 = arith.constant 0 : index
      %swap3A_1945 = vector.load %arg5[%swap3A_1942, %swap3A_1943, %swap3A_1944] : memref<49x8x128xf32, #tpu.memory_space<vmem>>, vector<1x8x128xf32>
      %swap3A_1946 = vector.shape_cast %swap3A_1945 : vector<1x8x128xf32> to vector<8x128xf32>
      %swap3A_1947 = vector.shape_cast %min3A_1941 : vector<8x128xf32> to vector<1x8x128xf32>
      tpu.vector_store %arg5[%swap3A_1942, %swap3A_1943, %swap3A_1944], %swap3A_1947 {strides = array<i32>} : memref<49x8x128xf32, #tpu.memory_space<vmem>>, vector<1x8x128xf32>,
      %gt3A_1948 = arith.cmpf ogt, %min3A_1941, %select_n3A_1903 : vector<8x128xf32>
      %select_n3A_1949 = arith.select %gt3A_1948, %min3A_1941, %select_n3A_1903 : vector<8x128xi1>, vector<8x128xf32>
      %get3A_1950 = arith.constant 41 : index
      %get3A_1951 = arith.constant 0 : index
      %get3A_1952 = arith.constant 0 : index
      %get3A_1953 = vector.load %arg6[%get3A_1950, %get3A_1951, %get3A_1952] : memref<49x8x128xf32, #tpu.memory_space<vmem>>, vector<1x8x128xf32>
      %get3A_1954 = vector.shape_cast %get3A_1953 : vector<1x8x128xf32> to vector<8x128xf32>
      %select_n3A_1955 = arith.select %gt3A_1948, %get3A_1954, %select_n3A_1909 : vector<8x128xi1>, vector<8x128xf32>
      %get3A_1956 = arith.constant 42 : index
      %get3A_1957 = arith.constant 0 : index
      %get3A_1958 = arith.constant 0 : index
      %get3A_1959 = vector.load %arg0[%get3A_1956, %get3A_1957, %get3A_1958] : memref<49x8x128xf32, #tpu.memory_space<vmem>>, vector<1x8x128xf32>
      %get3A_1960 = vector.shape_cast %get3A_1959 : vector<1x8x128xf32> to vector<8x128xf32>
      %sub3A_1961 = vector.broadcast %get3A_32 : f32 to vector<8x128xf32>
      %sub3A_1962 = arith.subf %get3A_1960, %sub3A_1961 : vector<8x128xf32>
      %get3A_1963 = arith.constant 42 : index
      %get3A_1964 = arith.constant 0 : index
      %get3A_1965 = arith.constant 0 : index
      %get3A_1966 = vector.load %arg1[%get3A_1963, %get3A_1964, %get3A_1965] : memref<49x8x128xf32, #tpu.memory_space<vmem>>, vector<1x8x128xf32>
      %get3A_1967 = vector.shape_cast %get3A_1966 : vector<1x8x128xf32> to vector<8x128xf32>
      %sub3A_1968 = vector.broadcast %get3A_35 : f32 to vector<8x128xf32>
      %sub3A_1969 = arith.subf %get3A_1967, %sub3A_1968 : vector<8x128xf32>
      %get3A_1970 = arith.constant 42 : index
      %get3A_1971 = arith.constant 0 : index
      %get3A_1972 = arith.constant 0 : index
      %get3A_1973 = vector.load %arg2[%get3A_1970, %get3A_1971, %get3A_1972] : memref<49x8x128xf32, #tpu.memory_space<vmem>>, vector<1x8x128xf32>
      %get3A_1974 = vector.shape_cast %get3A_1973 : vector<1x8x128xf32> to vector<8x128xf32>
      %sub3A_1975 = vector.broadcast %get3A_38 : f32 to vector<8x128xf32>
      %sub3A_1976 = arith.subf %get3A_1974, %sub3A_1975 : vector<8x128xf32>
      %mul3A_1977 = arith.mulf %sub3A_1962, %sub3A_1962 : vector<8x128xf32>
      %mul3A_1978 = arith.mulf %sub3A_1976, %sub3A_1976 : vector<8x128xf32>
      %add3A_1979 = arith.addf %mul3A_1977, %mul3A_1978 : vector<8x128xf32>
      %mul3A_1980 = arith.mulf %sub3A_1969, %sub3A_1969 : vector<8x128xf32>
      %add3A_1981 = arith.addf %add3A_1979, %mul3A_1980 : vector<8x128xf32>
      %get3A_1982 = arith.constant 42 : index
      %get3A_1983 = arith.constant 0 : index
      %get3A_1984 = arith.constant 0 : index
      %get3A_1985 = vector.load %arg5[%get3A_1982, %get3A_1983, %get3A_1984] : memref<49x8x128xf32, #tpu.memory_space<vmem>>, vector<1x8x128xf32>
      %get3A_1986 = vector.shape_cast %get3A_1985 : vector<1x8x128xf32> to vector<8x128xf32>
      %min3A_1987 = arith.minimumf %get3A_1986, %add3A_1981 : vector<8x128xf32>
      %swap3A_1988 = arith.constant 42 : index
      %swap3A_1989 = arith.constant 0 : index
      %swap3A_1990 = arith.constant 0 : index
      %swap3A_1991 = vector.load %arg5[%swap3A_1988, %swap3A_1989, %swap3A_1990] : memref<49x8x128xf32, #tpu.memory_space<vmem>>, vector<1x8x128xf32>
      %swap3A_1992 = vector.shape_cast %swap3A_1991 : vector<1x8x128xf32> to vector<8x128xf32>
      %swap3A_1993 = vector.shape_cast %min3A_1987 : vector<8x128xf32> to vector<1x8x128xf32>
      tpu.vector_store %arg5[%swap3A_1988, %swap3A_1989, %swap3A_1990], %swap3A_1993 {strides = array<i32>} : memref<49x8x128xf32, #tpu.memory_space<vmem>>, vector<1x8x128xf32>,
      %gt3A_1994 = arith.cmpf ogt, %min3A_1987, %select_n3A_1949 : vector<8x128xf32>
      %select_n3A_1995 = arith.select %gt3A_1994, %min3A_1987, %select_n3A_1949 : vector<8x128xi1>, vector<8x128xf32>
      %get3A_1996 = arith.constant 42 : index
      %get3A_1997 = arith.constant 0 : index
      %get3A_1998 = arith.constant 0 : index
      %get3A_1999 = vector.load %arg6[%get3A_1996, %get3A_1997, %get3A_1998] : memref<49x8x128xf32, #tpu.memory_space<vmem>>, vector<1x8x128xf32>
      %get3A_2000 = vector.shape_cast %get3A_1999 : vector<1x8x128xf32> to vector<8x128xf32>
      %select_n3A_2001 = arith.select %gt3A_1994, %get3A_2000, %select_n3A_1955 : vector<8x128xi1>, vector<8x128xf32>
      %get3A_2002 = arith.constant 43 : index
      %get3A_2003 = arith.constant 0 : index
      %get3A_2004 = arith.constant 0 : index
      %get3A_2005 = vector.load %arg0[%get3A_2002, %get3A_2003, %get3A_2004] : memref<49x8x128xf32, #tpu.memory_space<vmem>>, vector<1x8x128xf32>
      %get3A_2006 = vector.shape_cast %get3A_2005 : vector<1x8x128xf32> to vector<8x128xf32>
      %sub3A_2007 = vector.broadcast %get3A_32 : f32 to vector<8x128xf32>
      %sub3A_2008 = arith.subf %get3A_2006, %sub3A_2007 : vector<8x128xf32>
      %get3A_2009 = arith.constant 43 : index
      %get3A_2010 = arith.constant 0 : index
      %get3A_2011 = arith.constant 0 : index
      %get3A_2012 = vector.load %arg1[%get3A_2009, %get3A_2010, %get3A_2011] : memref<49x8x128xf32, #tpu.memory_space<vmem>>, vector<1x8x128xf32>
      %get3A_2013 = vector.shape_cast %get3A_2012 : vector<1x8x128xf32> to vector<8x128xf32>
      %sub3A_2014 = vector.broadcast %get3A_35 : f32 to vector<8x128xf32>
      %sub3A_2015 = arith.subf %get3A_2013, %sub3A_2014 : vector<8x128xf32>
      %get3A_2016 = arith.constant 43 : index
      %get3A_2017 = arith.constant 0 : index
      %get3A_2018 = arith.constant 0 : index
      %get3A_2019 = vector.load %arg2[%get3A_2016, %get3A_2017, %get3A_2018] : memref<49x8x128xf32, #tpu.memory_space<vmem>>, vector<1x8x128xf32>
      %get3A_2020 = vector.shape_cast %get3A_2019 : vector<1x8x128xf32> to vector<8x128xf32>
      %sub3A_2021 = vector.broadcast %get3A_38 : f32 to vector<8x128xf32>
      %sub3A_2022 = arith.subf %get3A_2020, %sub3A_2021 : vector<8x128xf32>
      %mul3A_2023 = arith.mulf %sub3A_2008, %sub3A_2008 : vector<8x128xf32>
      %mul3A_2024 = arith.mulf %sub3A_2022, %sub3A_2022 : vector<8x128xf32>
      %add3A_2025 = arith.addf %mul3A_2023, %mul3A_2024 : vector<8x128xf32>
      %mul3A_2026 = arith.mulf %sub3A_2015, %sub3A_2015 : vector<8x128xf32>
      %add3A_2027 = arith.addf %add3A_2025, %mul3A_2026 : vector<8x128xf32>
      %get3A_2028 = arith.constant 43 : index
      %get3A_2029 = arith.constant 0 : index
      %get3A_2030 = arith.constant 0 : index
      %get3A_2031 = vector.load %arg5[%get3A_2028, %get3A_2029, %get3A_2030] : memref<49x8x128xf32, #tpu.memory_space<vmem>>, vector<1x8x128xf32>
      %get3A_2032 = vector.shape_cast %get3A_2031 : vector<1x8x128xf32> to vector<8x128xf32>
      %min3A_2033 = arith.minimumf %get3A_2032, %add3A_2027 : vector<8x128xf32>
      %swap3A_2034 = arith.constant 43 : index
      %swap3A_2035 = arith.constant 0 : index
      %swap3A_2036 = arith.constant 0 : index
      %swap3A_2037 = vector.load %arg5[%swap3A_2034, %swap3A_2035, %swap3A_2036] : memref<49x8x128xf32, #tpu.memory_space<vmem>>, vector<1x8x128xf32>
      %swap3A_2038 = vector.shape_cast %swap3A_2037 : vector<1x8x128xf32> to vector<8x128xf32>
      %swap3A_2039 = vector.shape_cast %min3A_2033 : vector<8x128xf32> to vector<1x8x128xf32>
      tpu.vector_store %arg5[%swap3A_2034, %swap3A_2035, %swap3A_2036], %swap3A_2039 {strides = array<i32>} : memref<49x8x128xf32, #tpu.memory_space<vmem>>, vector<1x8x128xf32>,
      %gt3A_2040 = arith.cmpf ogt, %min3A_2033, %select_n3A_1995 : vector<8x128xf32>
      %select_n3A_2041 = arith.select %gt3A_2040, %min3A_2033, %select_n3A_1995 : vector<8x128xi1>, vector<8x128xf32>
      %get3A_2042 = arith.constant 43 : index
      %get3A_2043 = arith.constant 0 : index
      %get3A_2044 = arith.constant 0 : index
      %get3A_2045 = vector.load %arg6[%get3A_2042, %get3A_2043, %get3A_2044] : memref<49x8x128xf32, #tpu.memory_space<vmem>>, vector<1x8x128xf32>
      %get3A_2046 = vector.shape_cast %get3A_2045 : vector<1x8x128xf32> to vector<8x128xf32>
      %select_n3A_2047 = arith.select %gt3A_2040, %get3A_2046, %select_n3A_2001 : vector<8x128xi1>, vector<8x128xf32>
      %get3A_2048 = arith.constant 44 : index
      %get3A_2049 = arith.constant 0 : index
      %get3A_2050 = arith.constant 0 : index
      %get3A_2051 = vector.load %arg0[%get3A_2048, %get3A_2049, %get3A_2050] : memref<49x8x128xf32, #tpu.memory_space<vmem>>, vector<1x8x128xf32>
      %get3A_2052 = vector.shape_cast %get3A_2051 : vector<1x8x128xf32> to vector<8x128xf32>
      %sub3A_2053 = vector.broadcast %get3A_32 : f32 to vector<8x128xf32>
      %sub3A_2054 = arith.subf %get3A_2052, %sub3A_2053 : vector<8x128xf32>
      %get3A_2055 = arith.constant 44 : index
      %get3A_2056 = arith.constant 0 : index
      %get3A_2057 = arith.constant 0 : index
      %get3A_2058 = vector.load %arg1[%get3A_2055, %get3A_2056, %get3A_2057] : memref<49x8x128xf32, #tpu.memory_space<vmem>>, vector<1x8x128xf32>
      %get3A_2059 = vector.shape_cast %get3A_2058 : vector<1x8x128xf32> to vector<8x128xf32>
      %sub3A_2060 = vector.broadcast %get3A_35 : f32 to vector<8x128xf32>
      %sub3A_2061 = arith.subf %get3A_2059, %sub3A_2060 : vector<8x128xf32>
      %get3A_2062 = arith.constant 44 : index
      %get3A_2063 = arith.constant 0 : index
      %get3A_2064 = arith.constant 0 : index
      %get3A_2065 = vector.load %arg2[%get3A_2062, %get3A_2063, %get3A_2064] : memref<49x8x128xf32, #tpu.memory_space<vmem>>, vector<1x8x128xf32>
      %get3A_2066 = vector.shape_cast %get3A_2065 : vector<1x8x128xf32> to vector<8x128xf32>
      %sub3A_2067 = vector.broadcast %get3A_38 : f32 to vector<8x128xf32>
      %sub3A_2068 = arith.subf %get3A_2066, %sub3A_2067 : vector<8x128xf32>
      %mul3A_2069 = arith.mulf %sub3A_2054, %sub3A_2054 : vector<8x128xf32>
      %mul3A_2070 = arith.mulf %sub3A_2068, %sub3A_2068 : vector<8x128xf32>
      %add3A_2071 = arith.addf %mul3A_2069, %mul3A_2070 : vector<8x128xf32>
      %mul3A_2072 = arith.mulf %sub3A_2061, %sub3A_2061 : vector<8x128xf32>
      %add3A_2073 = arith.addf %add3A_2071, %mul3A_2072 : vector<8x128xf32>
      %get3A_2074 = arith.constant 44 : index
      %get3A_2075 = arith.constant 0 : index
      %get3A_2076 = arith.constant 0 : index
      %get3A_2077 = vector.load %arg5[%get3A_2074, %get3A_2075, %get3A_2076] : memref<49x8x128xf32, #tpu.memory_space<vmem>>, vector<1x8x128xf32>
      %get3A_2078 = vector.shape_cast %get3A_2077 : vector<1x8x128xf32> to vector<8x128xf32>
      %min3A_2079 = arith.minimumf %get3A_2078, %add3A_2073 : vector<8x128xf32>
      %swap3A_2080 = arith.constant 44 : index
      %swap3A_2081 = arith.constant 0 : index
      %swap3A_2082 = arith.constant 0 : index
      %swap3A_2083 = vector.load %arg5[%swap3A_2080, %swap3A_2081, %swap3A_2082] : memref<49x8x128xf32, #tpu.memory_space<vmem>>, vector<1x8x128xf32>
      %swap3A_2084 = vector.shape_cast %swap3A_2083 : vector<1x8x128xf32> to vector<8x128xf32>
      %swap3A_2085 = vector.shape_cast %min3A_2079 : vector<8x128xf32> to vector<1x8x128xf32>
      tpu.vector_store %arg5[%swap3A_2080, %swap3A_2081, %swap3A_2082], %swap3A_2085 {strides = array<i32>} : memref<49x8x128xf32, #tpu.memory_space<vmem>>, vector<1x8x128xf32>,
      %gt3A_2086 = arith.cmpf ogt, %min3A_2079, %select_n3A_2041 : vector<8x128xf32>
      %select_n3A_2087 = arith.select %gt3A_2086, %min3A_2079, %select_n3A_2041 : vector<8x128xi1>, vector<8x128xf32>
      %get3A_2088 = arith.constant 44 : index
      %get3A_2089 = arith.constant 0 : index
      %get3A_2090 = arith.constant 0 : index
      %get3A_2091 = vector.load %arg6[%get3A_2088, %get3A_2089, %get3A_2090] : memref<49x8x128xf32, #tpu.memory_space<vmem>>, vector<1x8x128xf32>
      %get3A_2092 = vector.shape_cast %get3A_2091 : vector<1x8x128xf32> to vector<8x128xf32>
      %select_n3A_2093 = arith.select %gt3A_2086, %get3A_2092, %select_n3A_2047 : vector<8x128xi1>, vector<8x128xf32>
      %get3A_2094 = arith.constant 45 : index
      %get3A_2095 = arith.constant 0 : index
      %get3A_2096 = arith.constant 0 : index
      %get3A_2097 = vector.load %arg0[%get3A_2094, %get3A_2095, %get3A_2096] : memref<49x8x128xf32, #tpu.memory_space<vmem>>, vector<1x8x128xf32>
      %get3A_2098 = vector.shape_cast %get3A_2097 : vector<1x8x128xf32> to vector<8x128xf32>
      %sub3A_2099 = vector.broadcast %get3A_32 : f32 to vector<8x128xf32>
      %sub3A_2100 = arith.subf %get3A_2098, %sub3A_2099 : vector<8x128xf32>
      %get3A_2101 = arith.constant 45 : index
      %get3A_2102 = arith.constant 0 : index
      %get3A_2103 = arith.constant 0 : index
      %get3A_2104 = vector.load %arg1[%get3A_2101, %get3A_2102, %get3A_2103] : memref<49x8x128xf32, #tpu.memory_space<vmem>>, vector<1x8x128xf32>
      %get3A_2105 = vector.shape_cast %get3A_2104 : vector<1x8x128xf32> to vector<8x128xf32>
      %sub3A_2106 = vector.broadcast %get3A_35 : f32 to vector<8x128xf32>
      %sub3A_2107 = arith.subf %get3A_2105, %sub3A_2106 : vector<8x128xf32>
      %get3A_2108 = arith.constant 45 : index
      %get3A_2109 = arith.constant 0 : index
      %get3A_2110 = arith.constant 0 : index
      %get3A_2111 = vector.load %arg2[%get3A_2108, %get3A_2109, %get3A_2110] : memref<49x8x128xf32, #tpu.memory_space<vmem>>, vector<1x8x128xf32>
      %get3A_2112 = vector.shape_cast %get3A_2111 : vector<1x8x128xf32> to vector<8x128xf32>
      %sub3A_2113 = vector.broadcast %get3A_38 : f32 to vector<8x128xf32>
      %sub3A_2114 = arith.subf %get3A_2112, %sub3A_2113 : vector<8x128xf32>
      %mul3A_2115 = arith.mulf %sub3A_2100, %sub3A_2100 : vector<8x128xf32>
      %mul3A_2116 = arith.mulf %sub3A_2114, %sub3A_2114 : vector<8x128xf32>
      %add3A_2117 = arith.addf %mul3A_2115, %mul3A_2116 : vector<8x128xf32>
      %mul3A_2118 = arith.mulf %sub3A_2107, %sub3A_2107 : vector<8x128xf32>
      %add3A_2119 = arith.addf %add3A_2117, %mul3A_2118 : vector<8x128xf32>
      %get3A_2120 = arith.constant 45 : index
      %get3A_2121 = arith.constant 0 : index
      %get3A_2122 = arith.constant 0 : index
      %get3A_2123 = vector.load %arg5[%get3A_2120, %get3A_2121, %get3A_2122] : memref<49x8x128xf32, #tpu.memory_space<vmem>>, vector<1x8x128xf32>
      %get3A_2124 = vector.shape_cast %get3A_2123 : vector<1x8x128xf32> to vector<8x128xf32>
      %min3A_2125 = arith.minimumf %get3A_2124, %add3A_2119 : vector<8x128xf32>
      %swap3A_2126 = arith.constant 45 : index
      %swap3A_2127 = arith.constant 0 : index
      %swap3A_2128 = arith.constant 0 : index
      %swap3A_2129 = vector.load %arg5[%swap3A_2126, %swap3A_2127, %swap3A_2128] : memref<49x8x128xf32, #tpu.memory_space<vmem>>, vector<1x8x128xf32>
      %swap3A_2130 = vector.shape_cast %swap3A_2129 : vector<1x8x128xf32> to vector<8x128xf32>
      %swap3A_2131 = vector.shape_cast %min3A_2125 : vector<8x128xf32> to vector<1x8x128xf32>
      tpu.vector_store %arg5[%swap3A_2126, %swap3A_2127, %swap3A_2128], %swap3A_2131 {strides = array<i32>} : memref<49x8x128xf32, #tpu.memory_space<vmem>>, vector<1x8x128xf32>,
      %gt3A_2132 = arith.cmpf ogt, %min3A_2125, %select_n3A_2087 : vector<8x128xf32>
      %select_n3A_2133 = arith.select %gt3A_2132, %min3A_2125, %select_n3A_2087 : vector<8x128xi1>, vector<8x128xf32>
      %get3A_2134 = arith.constant 45 : index
      %get3A_2135 = arith.constant 0 : index
      %get3A_2136 = arith.constant 0 : index
      %get3A_2137 = vector.load %arg6[%get3A_2134, %get3A_2135, %get3A_2136] : memref<49x8x128xf32, #tpu.memory_space<vmem>>, vector<1x8x128xf32>
      %get3A_2138 = vector.shape_cast %get3A_2137 : vector<1x8x128xf32> to vector<8x128xf32>
      %select_n3A_2139 = arith.select %gt3A_2132, %get3A_2138, %select_n3A_2093 : vector<8x128xi1>, vector<8x128xf32>
      %get3A_2140 = arith.constant 46 : index
      %get3A_2141 = arith.constant 0 : index
      %get3A_2142 = arith.constant 0 : index
      %get3A_2143 = vector.load %arg0[%get3A_2140, %get3A_2141, %get3A_2142] : memref<49x8x128xf32, #tpu.memory_space<vmem>>, vector<1x8x128xf32>
      %get3A_2144 = vector.shape_cast %get3A_2143 : vector<1x8x128xf32> to vector<8x128xf32>
      %sub3A_2145 = vector.broadcast %get3A_32 : f32 to vector<8x128xf32>
      %sub3A_2146 = arith.subf %get3A_2144, %sub3A_2145 : vector<8x128xf32>
      %get3A_2147 = arith.constant 46 : index
      %get3A_2148 = arith.constant 0 : index
      %get3A_2149 = arith.constant 0 : index
      %get3A_2150 = vector.load %arg1[%get3A_2147, %get3A_2148, %get3A_2149] : memref<49x8x128xf32, #tpu.memory_space<vmem>>, vector<1x8x128xf32>
      %get3A_2151 = vector.shape_cast %get3A_2150 : vector<1x8x128xf32> to vector<8x128xf32>
      %sub3A_2152 = vector.broadcast %get3A_35 : f32 to vector<8x128xf32>
      %sub3A_2153 = arith.subf %get3A_2151, %sub3A_2152 : vector<8x128xf32>
      %get3A_2154 = arith.constant 46 : index
      %get3A_2155 = arith.constant 0 : index
      %get3A_2156 = arith.constant 0 : index
      %get3A_2157 = vector.load %arg2[%get3A_2154, %get3A_2155, %get3A_2156] : memref<49x8x128xf32, #tpu.memory_space<vmem>>, vector<1x8x128xf32>
      %get3A_2158 = vector.shape_cast %get3A_2157 : vector<1x8x128xf32> to vector<8x128xf32>
      %sub3A_2159 = vector.broadcast %get3A_38 : f32 to vector<8x128xf32>
      %sub3A_2160 = arith.subf %get3A_2158, %sub3A_2159 : vector<8x128xf32>
      %mul3A_2161 = arith.mulf %sub3A_2146, %sub3A_2146 : vector<8x128xf32>
      %mul3A_2162 = arith.mulf %sub3A_2160, %sub3A_2160 : vector<8x128xf32>
      %add3A_2163 = arith.addf %mul3A_2161, %mul3A_2162 : vector<8x128xf32>
      %mul3A_2164 = arith.mulf %sub3A_2153, %sub3A_2153 : vector<8x128xf32>
      %add3A_2165 = arith.addf %add3A_2163, %mul3A_2164 : vector<8x128xf32>
      %get3A_2166 = arith.constant 46 : index
      %get3A_2167 = arith.constant 0 : index
      %get3A_2168 = arith.constant 0 : index
      %get3A_2169 = vector.load %arg5[%get3A_2166, %get3A_2167, %get3A_2168] : memref<49x8x128xf32, #tpu.memory_space<vmem>>, vector<1x8x128xf32>
      %get3A_2170 = vector.shape_cast %get3A_2169 : vector<1x8x128xf32> to vector<8x128xf32>
      %min3A_2171 = arith.minimumf %get3A_2170, %add3A_2165 : vector<8x128xf32>
      %swap3A_2172 = arith.constant 46 : index
      %swap3A_2173 = arith.constant 0 : index
      %swap3A_2174 = arith.constant 0 : index
      %swap3A_2175 = vector.load %arg5[%swap3A_2172, %swap3A_2173, %swap3A_2174] : memref<49x8x128xf32, #tpu.memory_space<vmem>>, vector<1x8x128xf32>
      %swap3A_2176 = vector.shape_cast %swap3A_2175 : vector<1x8x128xf32> to vector<8x128xf32>
      %swap3A_2177 = vector.shape_cast %min3A_2171 : vector<8x128xf32> to vector<1x8x128xf32>
      tpu.vector_store %arg5[%swap3A_2172, %swap3A_2173, %swap3A_2174], %swap3A_2177 {strides = array<i32>} : memref<49x8x128xf32, #tpu.memory_space<vmem>>, vector<1x8x128xf32>,
      %gt3A_2178 = arith.cmpf ogt, %min3A_2171, %select_n3A_2133 : vector<8x128xf32>
      %select_n3A_2179 = arith.select %gt3A_2178, %min3A_2171, %select_n3A_2133 : vector<8x128xi1>, vector<8x128xf32>
      %get3A_2180 = arith.constant 46 : index
      %get3A_2181 = arith.constant 0 : index
      %get3A_2182 = arith.constant 0 : index
      %get3A_2183 = vector.load %arg6[%get3A_2180, %get3A_2181, %get3A_2182] : memref<49x8x128xf32, #tpu.memory_space<vmem>>, vector<1x8x128xf32>
      %get3A_2184 = vector.shape_cast %get3A_2183 : vector<1x8x128xf32> to vector<8x128xf32>
      %select_n3A_2185 = arith.select %gt3A_2178, %get3A_2184, %select_n3A_2139 : vector<8x128xi1>, vector<8x128xf32>
      %get3A_2186 = arith.constant 47 : index
      %get3A_2187 = arith.constant 0 : index
      %get3A_2188 = arith.constant 0 : index
      %get3A_2189 = vector.load %arg0[%get3A_2186, %get3A_2187, %get3A_2188] : memref<49x8x128xf32, #tpu.memory_space<vmem>>, vector<1x8x128xf32>
      %get3A_2190 = vector.shape_cast %get3A_2189 : vector<1x8x128xf32> to vector<8x128xf32>
      %sub3A_2191 = vector.broadcast %get3A_32 : f32 to vector<8x128xf32>
      %sub3A_2192 = arith.subf %get3A_2190, %sub3A_2191 : vector<8x128xf32>
      %get3A_2193 = arith.constant 47 : index
      %get3A_2194 = arith.constant 0 : index
      %get3A_2195 = arith.constant 0 : index
      %get3A_2196 = vector.load %arg1[%get3A_2193, %get3A_2194, %get3A_2195] : memref<49x8x128xf32, #tpu.memory_space<vmem>>, vector<1x8x128xf32>
      %get3A_2197 = vector.shape_cast %get3A_2196 : vector<1x8x128xf32> to vector<8x128xf32>
      %sub3A_2198 = vector.broadcast %get3A_35 : f32 to vector<8x128xf32>
      %sub3A_2199 = arith.subf %get3A_2197, %sub3A_2198 : vector<8x128xf32>
      %get3A_2200 = arith.constant 47 : index
      %get3A_2201 = arith.constant 0 : index
      %get3A_2202 = arith.constant 0 : index
      %get3A_2203 = vector.load %arg2[%get3A_2200, %get3A_2201, %get3A_2202] : memref<49x8x128xf32, #tpu.memory_space<vmem>>, vector<1x8x128xf32>
      %get3A_2204 = vector.shape_cast %get3A_2203 : vector<1x8x128xf32> to vector<8x128xf32>
      %sub3A_2205 = vector.broadcast %get3A_38 : f32 to vector<8x128xf32>
      %sub3A_2206 = arith.subf %get3A_2204, %sub3A_2205 : vector<8x128xf32>
      %mul3A_2207 = arith.mulf %sub3A_2192, %sub3A_2192 : vector<8x128xf32>
      %mul3A_2208 = arith.mulf %sub3A_2206, %sub3A_2206 : vector<8x128xf32>
      %add3A_2209 = arith.addf %mul3A_2207, %mul3A_2208 : vector<8x128xf32>
      %mul3A_2210 = arith.mulf %sub3A_2199, %sub3A_2199 : vector<8x128xf32>
      %add3A_2211 = arith.addf %add3A_2209, %mul3A_2210 : vector<8x128xf32>
      %get3A_2212 = arith.constant 47 : index
      %get3A_2213 = arith.constant 0 : index
      %get3A_2214 = arith.constant 0 : index
      %get3A_2215 = vector.load %arg5[%get3A_2212, %get3A_2213, %get3A_2214] : memref<49x8x128xf32, #tpu.memory_space<vmem>>, vector<1x8x128xf32>
      %get3A_2216 = vector.shape_cast %get3A_2215 : vector<1x8x128xf32> to vector<8x128xf32>
      %min3A_2217 = arith.minimumf %get3A_2216, %add3A_2211 : vector<8x128xf32>
      %swap3A_2218 = arith.constant 47 : index
      %swap3A_2219 = arith.constant 0 : index
      %swap3A_2220 = arith.constant 0 : index
      %swap3A_2221 = vector.load %arg5[%swap3A_2218, %swap3A_2219, %swap3A_2220] : memref<49x8x128xf32, #tpu.memory_space<vmem>>, vector<1x8x128xf32>
      %swap3A_2222 = vector.shape_cast %swap3A_2221 : vector<1x8x128xf32> to vector<8x128xf32>
      %swap3A_2223 = vector.shape_cast %min3A_2217 : vector<8x128xf32> to vector<1x8x128xf32>
      tpu.vector_store %arg5[%swap3A_2218, %swap3A_2219, %swap3A_2220], %swap3A_2223 {strides = array<i32>} : memref<49x8x128xf32, #tpu.memory_space<vmem>>, vector<1x8x128xf32>,
      %gt3A_2224 = arith.cmpf ogt, %min3A_2217, %select_n3A_2179 : vector<8x128xf32>
      %select_n3A_2225 = arith.select %gt3A_2224, %min3A_2217, %select_n3A_2179 : vector<8x128xi1>, vector<8x128xf32>
      %get3A_2226 = arith.constant 47 : index
      %get3A_2227 = arith.constant 0 : index
      %get3A_2228 = arith.constant 0 : index
      %get3A_2229 = vector.load %arg6[%get3A_2226, %get3A_2227, %get3A_2228] : memref<49x8x128xf32, #tpu.memory_space<vmem>>, vector<1x8x128xf32>
      %get3A_2230 = vector.shape_cast %get3A_2229 : vector<1x8x128xf32> to vector<8x128xf32>
      %select_n3A_2231 = arith.select %gt3A_2224, %get3A_2230, %select_n3A_2185 : vector<8x128xi1>, vector<8x128xf32>
      %get3A_2232 = arith.constant 48 : index
      %get3A_2233 = arith.constant 0 : index
      %get3A_2234 = arith.constant 0 : index
      %get3A_2235 = vector.load %arg0[%get3A_2232, %get3A_2233, %get3A_2234] : memref<49x8x128xf32, #tpu.memory_space<vmem>>, vector<1x8x128xf32>
      %get3A_2236 = vector.shape_cast %get3A_2235 : vector<1x8x128xf32> to vector<8x128xf32>
      %sub3A_2237 = vector.broadcast %get3A_32 : f32 to vector<8x128xf32>
      %sub3A_2238 = arith.subf %get3A_2236, %sub3A_2237 : vector<8x128xf32>
      %get3A_2239 = arith.constant 48 : index
      %get3A_2240 = arith.constant 0 : index
      %get3A_2241 = arith.constant 0 : index
      %get3A_2242 = vector.load %arg1[%get3A_2239, %get3A_2240, %get3A_2241] : memref<49x8x128xf32, #tpu.memory_space<vmem>>, vector<1x8x128xf32>
      %get3A_2243 = vector.shape_cast %get3A_2242 : vector<1x8x128xf32> to vector<8x128xf32>
      %sub3A_2244 = vector.broadcast %get3A_35 : f32 to vector<8x128xf32>
      %sub3A_2245 = arith.subf %get3A_2243, %sub3A_2244 : vector<8x128xf32>
      %get3A_2246 = arith.constant 48 : index
      %get3A_2247 = arith.constant 0 : index
      %get3A_2248 = arith.constant 0 : index
      %get3A_2249 = vector.load %arg2[%get3A_2246, %get3A_2247, %get3A_2248] : memref<49x8x128xf32, #tpu.memory_space<vmem>>, vector<1x8x128xf32>
      %get3A_2250 = vector.shape_cast %get3A_2249 : vector<1x8x128xf32> to vector<8x128xf32>
      %sub3A_2251 = vector.broadcast %get3A_38 : f32 to vector<8x128xf32>
      %sub3A_2252 = arith.subf %get3A_2250, %sub3A_2251 : vector<8x128xf32>
      %mul3A_2253 = arith.mulf %sub3A_2238, %sub3A_2238 : vector<8x128xf32>
      %mul3A_2254 = arith.mulf %sub3A_2252, %sub3A_2252 : vector<8x128xf32>
      %add3A_2255 = arith.addf %mul3A_2253, %mul3A_2254 : vector<8x128xf32>
      %mul3A_2256 = arith.mulf %sub3A_2245, %sub3A_2245 : vector<8x128xf32>
      %add3A_2257 = arith.addf %add3A_2255, %mul3A_2256 : vector<8x128xf32>
      %get3A_2258 = arith.constant 48 : index
      %get3A_2259 = arith.constant 0 : index
      %get3A_2260 = arith.constant 0 : index
      %get3A_2261 = vector.load %arg5[%get3A_2258, %get3A_2259, %get3A_2260] : memref<49x8x128xf32, #tpu.memory_space<vmem>>, vector<1x8x128xf32>
      %get3A_2262 = vector.shape_cast %get3A_2261 : vector<1x8x128xf32> to vector<8x128xf32>
      %min3A_2263 = arith.minimumf %get3A_2262, %add3A_2257 : vector<8x128xf32>
      %swap3A_2264 = arith.constant 48 : index
      %swap3A_2265 = arith.constant 0 : index
      %swap3A_2266 = arith.constant 0 : index
      %swap3A_2267 = vector.load %arg5[%swap3A_2264, %swap3A_2265, %swap3A_2266] : memref<49x8x128xf32, #tpu.memory_space<vmem>>, vector<1x8x128xf32>
      %swap3A_2268 = vector.shape_cast %swap3A_2267 : vector<1x8x128xf32> to vector<8x128xf32>
      %swap3A_2269 = vector.shape_cast %min3A_2263 : vector<8x128xf32> to vector<1x8x128xf32>
      tpu.vector_store %arg5[%swap3A_2264, %swap3A_2265, %swap3A_2266], %swap3A_2269 {strides = array<i32>} : memref<49x8x128xf32, #tpu.memory_space<vmem>>, vector<1x8x128xf32>,
      %gt3A_2270 = arith.cmpf ogt, %min3A_2263, %select_n3A_2225 : vector<8x128xf32>
      %select_n3A_2271 = arith.select %gt3A_2270, %min3A_2263, %select_n3A_2225 : vector<8x128xi1>, vector<8x128xf32>
      %get3A_2272 = arith.constant 48 : index
      %get3A_2273 = arith.constant 0 : index
      %get3A_2274 = arith.constant 0 : index
      %get3A_2275 = vector.load %arg6[%get3A_2272, %get3A_2273, %get3A_2274] : memref<49x8x128xf32, #tpu.memory_space<vmem>>, vector<1x8x128xf32>
      %get3A_2276 = vector.shape_cast %get3A_2275 : vector<1x8x128xf32> to vector<8x128xf32>
      %select_n3A_2277 = arith.select %gt3A_2270, %get3A_2276, %select_n3A_2231 : vector<8x128xi1>, vector<8x128xf32>
      %gt3A_2278 = arith.cmpf ogt, %select_n3A_1219, %select_n3A_624 : vector<8x128xf32>
      %select_n3A_2279 = arith.select %gt3A_2278, %select_n3A_1219, %select_n3A_624 : vector<8x128xi1>, vector<8x128xf32>
      %select_n3A_2280 = arith.select %gt3A_2278, %select_n3A_1225, %select_n3A_630 : vector<8x128xi1>, vector<8x128xf32>
      %gt3A_2281 = arith.cmpf ogt, %select_n3A_2271, %select_n3A_1814 : vector<8x128xf32>
      %select_n3A_2282 = arith.select %gt3A_2281, %select_n3A_2271, %select_n3A_1814 : vector<8x128xi1>, vector<8x128xf32>
      %select_n3A_2283 = arith.select %gt3A_2281, %select_n3A_2277, %select_n3A_1820 : vector<8x128xi1>, vector<8x128xf32>
      %gt3A_2284 = arith.cmpf ogt, %select_n3A_2282, %select_n3A_2279 : vector<8x128xf32>
      %select_n3A_2285 = arith.select %gt3A_2284, %select_n3A_2282, %select_n3A_2279 : vector<8x128xi1>, vector<8x128xf32>
      %select_n3A_2286 = arith.select %gt3A_2284, %select_n3A_2283, %select_n3A_2280 : vector<8x128xi1>, vector<8x128xf32>
      %roll3A = arith.constant 4 : i32
      %roll3A_2287 = tpu.dynamic_rotate %select_n3A_2285 by %roll3A dim 0 : vector<8x128xf32>, i32 -> vector<8x128xf32>
      %roll3A_2288 = arith.constant 4 : i32
      %roll3A_2289 = tpu.dynamic_rotate %select_n3A_2286 by %roll3A_2288 dim 0 : vector<8x128xf32>, i32 -> vector<8x128xf32>
      %gt3A_2290 = arith.cmpf ogt, %roll3A_2287, %select_n3A_2285 : vector<8x128xf32>
      %eq3A = arith.cmpf oeq, %roll3A_2287, %select_n3A_2285 : vector<8x128xf32>
      %lt3A_2291 = arith.cmpf olt, %roll3A_2289, %select_n3A_2286 : vector<8x128xf32>
      %and3A = arith.andi %eq3A, %lt3A_2291 : vector<8x128xi1>
      %or3A = arith.ori %gt3A_2290, %and3A : vector<8x128xi1>
      %select_n3A_2292 = arith.select %or3A, %roll3A_2287, %select_n3A_2285 : vector<8x128xi1>, vector<8x128xf32>
      %select_n3A_2293 = arith.select %or3A, %roll3A_2289, %select_n3A_2286 : vector<8x128xi1>, vector<8x128xf32>
      %roll3A_2294 = arith.constant 2 : i32
      %roll3A_2295 = tpu.dynamic_rotate %select_n3A_2292 by %roll3A_2294 dim 0 : vector<8x128xf32>, i32 -> vector<8x128xf32>
      %roll3A_2296 = arith.constant 2 : i32
      %roll3A_2297 = tpu.dynamic_rotate %select_n3A_2293 by %roll3A_2296 dim 0 : vector<8x128xf32>, i32 -> vector<8x128xf32>
      %gt3A_2298 = arith.cmpf ogt, %roll3A_2295, %select_n3A_2292 : vector<8x128xf32>
      %eq3A_2299 = arith.cmpf oeq, %roll3A_2295, %select_n3A_2292 : vector<8x128xf32>
      %lt3A_2300 = arith.cmpf olt, %roll3A_2297, %select_n3A_2293 : vector<8x128xf32>
      %and3A_2301 = arith.andi %eq3A_2299, %lt3A_2300 : vector<8x128xi1>
      %or3A_2302 = arith.ori %gt3A_2298, %and3A_2301 : vector<8x128xi1>
      %select_n3A_2303 = arith.select %or3A_2302, %roll3A_2295, %select_n3A_2292 : vector<8x128xi1>, vector<8x128xf32>
      %select_n3A_2304 = arith.select %or3A_2302, %roll3A_2297, %select_n3A_2293 : vector<8x128xi1>, vector<8x128xf32>
      %roll3A_2305 = arith.constant 1 : i32
      %roll3A_2306 = tpu.dynamic_rotate %select_n3A_2303 by %roll3A_2305 dim 0 : vector<8x128xf32>, i32 -> vector<8x128xf32>
      %roll3A_2307 = arith.constant 1 : i32
      %roll3A_2308 = tpu.dynamic_rotate %select_n3A_2304 by %roll3A_2307 dim 0 : vector<8x128xf32>, i32 -> vector<8x128xf32>
      %gt3A_2309 = arith.cmpf ogt, %roll3A_2306, %select_n3A_2303 : vector<8x128xf32>
      %eq3A_2310 = arith.cmpf oeq, %roll3A_2306, %select_n3A_2303 : vector<8x128xf32>
      %lt3A_2311 = arith.cmpf olt, %roll3A_2308, %select_n3A_2304 : vector<8x128xf32>
      %and3A_2312 = arith.andi %eq3A_2310, %lt3A_2311 : vector<8x128xi1>
      %or3A_2313 = arith.ori %gt3A_2309, %and3A_2312 : vector<8x128xi1>
      %select_n3A_2314 = arith.select %or3A_2313, %roll3A_2306, %select_n3A_2303 : vector<8x128xi1>, vector<8x128xf32>
      %select_n3A_2315 = arith.select %or3A_2313, %roll3A_2308, %select_n3A_2304 : vector<8x128xi1>, vector<8x128xf32>
      %reduce_max3A = arith.constant dense<0xFF800000> : vector<8xf32>
      %reduce_max3A_2316 = vector.multi_reduction <maximumf>, %select_n3A_2314, %reduce_max3A [1] : vector<8x128xf32> to vector<8xf32>
      %broadcast_in_dim3A_2317 = vector.shape_cast %reduce_max3A_2316 : vector<8xf32> to vector<8x1xf32>
      %eq3A_2318 = vector.broadcast %broadcast_in_dim3A_2317 : vector<8x1xf32> to vector<8x128xf32>
      %eq3A_2319 = arith.cmpf oeq, %select_n3A_2314, %eq3A_2318 : vector<8x128xf32>
      %broadcast_in_dim3A_2320 = vector.broadcast %scan3A : f32 to vector<8x128xf32>
      %select_n3A_2321 = arith.select %eq3A_2319, %select_n3A_2315, %broadcast_in_dim3A_2320 : vector<8x128xi1>, vector<8x128xf32>
      %reduce_min3A = vector.shape_cast %select_n3A_2321 : vector<8x128xf32> to vector<1x8x128xf32>
      %reduce_min3A_2322 = arith.constant dense<0x7F800000> : vector<1xf32>
      %reduce_min3A_2323 = vector.multi_reduction <minimumf>, %reduce_min3A, %reduce_min3A_2322 [1, 2] : vector<1x8x128xf32> to vector<1xf32>
      %reduce_min3A_2324 = vector.shape_cast %reduce_min3A_2323 : vector<1xf32> to vector<1x1x1xf32>
      %reduce_min3A_2325 = vector.extract %reduce_min3A_2324[0, 0, 0] : f32 from vector<1x1x1xf32>
      %convert_element_type3A_2326 = arith.fptosi %reduce_min3A_2325 : f32 to i32
      %swap3A_2327 = arith.index_cast %scan3A_29 : i32 to index
      %swap3A_2328 = memref.load %arg4[%swap3A_2327] : memref<12500xi32, #tpu.memory_space<smem>>
      memref.store %convert_element_type3A_2326, %arg4[%swap3A_2327] : memref<12500xi32, #tpu.memory_space<smem>>
      scf.yield %convert_element_type3A_2326 : i32
    }
    %scan3A_28 = arith.constant 12499 : i32
    return
  }
}

module attributes {stable_mosaic.version = 14 : i64} {
  func.func @_mlp_body(%arg0: i32, %arg1: memref<1024x128xf32, #tpu.memory_space<vmem>>, %arg2: memref<1024x3xf32, #tpu.memory_space<vmem>>, %arg3: memref<128x64xf32, #tpu.memory_space<vmem>>, %arg4: memref<3x64xf32, #tpu.memory_space<vmem>>, %arg5: memref<1x64xf32, #tpu.memory_space<vmem>>, %arg6: memref<64x64xf32, #tpu.memory_space<vmem>>, %arg7: memref<1x64xf32, #tpu.memory_space<vmem>>, %arg8: memref<1024x64xf32, #tpu.memory_space<vmem>>) attributes {dimension_semantics = [#tpu.dimension_semantics<arbitrary>], iteration_bounds = array<i64: 49>, scalar_prefetch = 0 : i64, scratch_operands = 0 : i64, tpu.core_type = #tpu.core_type<tc>, window_params = [{transform_indices = @transform_0, window_bounds = array<i64: 1024, 128>}, {transform_indices = @transform_1, window_bounds = array<i64: 1024, 3>}, {pipeline_mode = #tpu.pipeline_mode<synchronous>, transform_indices = @transform_2, window_bounds = array<i64: 128, 64>}, {pipeline_mode = #tpu.pipeline_mode<synchronous>, transform_indices = @transform_3, window_bounds = array<i64: 3, 64>}, {pipeline_mode = #tpu.pipeline_mode<synchronous>, transform_indices = @transform_4, window_bounds = array<i64: 1, 64>}, {pipeline_mode = #tpu.pipeline_mode<synchronous>, transform_indices = @transform_5, window_bounds = array<i64: 64, 64>}, {pipeline_mode = #tpu.pipeline_mode<synchronous>, transform_indices = @transform_6, window_bounds = array<i64: 1, 64>}, {transform_indices = @transform_7, window_bounds = array<i64: 1024, 64>}]} {
    %get3A = arith.constant 0 : index
    %get3A_0 = arith.constant 0 : index
    %get3A_1 = vector.load %arg1[%get3A, %get3A_0] : memref<1024x128xf32, #tpu.memory_space<vmem>>, vector<1024x128xf32>
    %get3A_2 = arith.constant 0 : index
    %get3A_3 = arith.constant 0 : index
    %get3A_4 = vector.load %arg3[%get3A_2, %get3A_3] : memref<128x64xf32, #tpu.memory_space<vmem>>, vector<128x64xf32>
    %dot_general3A = arith.constant dense<0.000000e+00> : vector<1024x64xf32>
    %dot_general3A_5 = tpu.matmul %get3A_1, %get3A_4, %dot_general3A {dimension_numbers = #tpu.dot_dimension_numbers<[1], [0], [0], [1], [0, 0, 1, 1], [], []>, transpose_lhs_hint = false} : vector<1024x128xf32>, vector<128x64xf32>, vector<1024x64xf32> -> vector<1024x64xf32>
    %get3A_6 = arith.constant 0 : index
    %get3A_7 = arith.constant 0 : index
    %get3A_8 = vector.load %arg2[%get3A_6, %get3A_7] : memref<1024x3xf32, #tpu.memory_space<vmem>>, vector<1024x3xf32>
    %slice3A = vector.extract_strided_slice %get3A_8 {offsets = [0, 0], sizes = [1024, 1], strides = [1, 1]} : vector<1024x3xf32> to vector<1024x1xf32>
    %get3A_9 = arith.constant 0 : index
    %get3A_10 = arith.constant 0 : index
    %get3A_11 = vector.load %arg4[%get3A_9, %get3A_10] : memref<3x64xf32, #tpu.memory_space<vmem>>, vector<1x64xf32>
    %mul3A = vector.broadcast %slice3A : vector<1024x1xf32> to vector<1024x64xf32>
    %mul3A_12 = vector.broadcast %get3A_11 : vector<1x64xf32> to vector<1024x64xf32>
    %mul3A_13 = arith.mulf %mul3A, %mul3A_12 : vector<1024x64xf32>
    %add3A = arith.addf %dot_general3A_5, %mul3A_13 : vector<1024x64xf32>
    %slice3A_14 = vector.extract_strided_slice %get3A_8 {offsets = [0, 1], sizes = [1024, 1], strides = [1, 1]} : vector<1024x3xf32> to vector<1024x1xf32>
    %get3A_15 = arith.constant 1 : index
    %get3A_16 = arith.constant 0 : index
    %get3A_17 = vector.load %arg4[%get3A_15, %get3A_16] : memref<3x64xf32, #tpu.memory_space<vmem>>, vector<1x64xf32>
    %mul3A_18 = vector.broadcast %slice3A_14 : vector<1024x1xf32> to vector<1024x64xf32>
    %mul3A_19 = vector.broadcast %get3A_17 : vector<1x64xf32> to vector<1024x64xf32>
    %mul3A_20 = arith.mulf %mul3A_18, %mul3A_19 : vector<1024x64xf32>
    %add3A_21 = arith.addf %add3A, %mul3A_20 : vector<1024x64xf32>
    %slice3A_22 = vector.extract_strided_slice %get3A_8 {offsets = [0, 2], sizes = [1024, 1], strides = [1, 1]} : vector<1024x3xf32> to vector<1024x1xf32>
    %get3A_23 = arith.constant 2 : index
    %get3A_24 = arith.constant 0 : index
    %get3A_25 = vector.load %arg4[%get3A_23, %get3A_24] : memref<3x64xf32, #tpu.memory_space<vmem>>, vector<1x64xf32>
    %mul3A_26 = vector.broadcast %slice3A_22 : vector<1024x1xf32> to vector<1024x64xf32>
    %mul3A_27 = vector.broadcast %get3A_25 : vector<1x64xf32> to vector<1024x64xf32>
    %mul3A_28 = arith.mulf %mul3A_26, %mul3A_27 : vector<1024x64xf32>
    %add3A_29 = arith.addf %add3A_21, %mul3A_28 : vector<1024x64xf32>
    %get3A_30 = arith.constant 0 : index
    %get3A_31 = arith.constant 0 : index
    %get3A_32 = vector.load %arg5[%get3A_30, %get3A_31] : memref<1x64xf32, #tpu.memory_space<vmem>>, vector<1x64xf32>
    %add3A_33 = vector.broadcast %get3A_32 : vector<1x64xf32> to vector<1024x64xf32>
    %add3A_34 = arith.addf %add3A_29, %add3A_33 : vector<1024x64xf32>
    %max3A = arith.constant 0.000000e+00 : f32
    %max3A_35 = vector.broadcast %max3A : f32 to vector<1024x64xf32>
    %max3A_36 = arith.maximumf %add3A_34, %max3A_35 : vector<1024x64xf32>
    %get3A_37 = arith.constant 0 : index
    %get3A_38 = arith.constant 0 : index
    %get3A_39 = vector.load %arg6[%get3A_37, %get3A_38] : memref<64x64xf32, #tpu.memory_space<vmem>>, vector<64x64xf32>
    %dot_general3A_40 = arith.constant dense<0.000000e+00> : vector<1024x64xf32>
    %dot_general3A_41 = tpu.matmul %max3A_36, %get3A_39, %dot_general3A_40 {dimension_numbers = #tpu.dot_dimension_numbers<[1], [0], [0], [1], [0, 0, 1, 1], [], []>, transpose_lhs_hint = false} : vector<1024x64xf32>, vector<64x64xf32>, vector<1024x64xf32> -> vector<1024x64xf32>
    %get3A_42 = arith.constant 0 : index
    %get3A_43 = arith.constant 0 : index
    %get3A_44 = vector.load %arg7[%get3A_42, %get3A_43] : memref<1x64xf32, #tpu.memory_space<vmem>>, vector<1x64xf32>
    %add3A_45 = vector.broadcast %get3A_44 : vector<1x64xf32> to vector<1024x64xf32>
    %add3A_46 = arith.addf %dot_general3A_41, %add3A_45 : vector<1024x64xf32>
    %swap3A = arith.constant 0 : index
    %swap3A_47 = arith.constant 0 : index
    %swap3A_48 = vector.load %arg8[%swap3A, %swap3A_47] : memref<1024x64xf32, #tpu.memory_space<vmem>>, vector<1024x64xf32>
    tpu.vector_store %arg8[%swap3A, %swap3A_47], %add3A_46 {strides = array<i32>} : memref<1024x64xf32, #tpu.memory_space<vmem>>, vector<1024x64xf32>,
    return
  }
  func.func @transform_0(%arg0: i32) -> (i32, i32) {
    %c0_i32 = arith.constant 0 : i32
    %c0_i32_0 = arith.constant 0 : i32
    return %arg0, %c0_i32 : i32, i32
  }
  func.func @transform_1(%arg0: i32) -> (i32, i32) {
    %c0_i32 = arith.constant 0 : i32
    %c0_i32_0 = arith.constant 0 : i32
    return %arg0, %c0_i32 : i32, i32
  }
  func.func @transform_2(%arg0: i32) -> (i32, i32) {
    %c0_i32 = arith.constant 0 : i32
    %c0_i32_0 = arith.constant 0 : i32
    %c0_i32_1 = arith.constant 0 : i32
    return %c0_i32, %c0_i32_0 : i32, i32
  }
  func.func @transform_3(%arg0: i32) -> (i32, i32) {
    %c0_i32 = arith.constant 0 : i32
    %c0_i32_0 = arith.constant 0 : i32
    %c0_i32_1 = arith.constant 0 : i32
    return %c0_i32, %c0_i32_0 : i32, i32
  }
  func.func @transform_4(%arg0: i32) -> (i32, i32) {
    %c0_i32 = arith.constant 0 : i32
    %c0_i32_0 = arith.constant 0 : i32
    %c0_i32_1 = arith.constant 0 : i32
    return %c0_i32, %c0_i32_0 : i32, i32
  }
  func.func @transform_5(%arg0: i32) -> (i32, i32) {
    %c0_i32 = arith.constant 0 : i32
    %c0_i32_0 = arith.constant 0 : i32
    %c0_i32_1 = arith.constant 0 : i32
    return %c0_i32, %c0_i32_0 : i32, i32
  }
  func.func @transform_6(%arg0: i32) -> (i32, i32) {
    %c0_i32 = arith.constant 0 : i32
    %c0_i32_0 = arith.constant 0 : i32
    %c0_i32_1 = arith.constant 0 : i32
    return %c0_i32, %c0_i32_0 : i32, i32
  }
  func.func @transform_7(%arg0: i32) -> (i32, i32) {
    %c0_i32 = arith.constant 0 : i32
    %c0_i32_0 = arith.constant 0 : i32
    return %arg0, %c0_i32 : i32, i32
  }
}

</mosaic_0001>

<sc_bundles>
// kernel: kernel.5.cloned.1.call-start
scs
__scs_entry_jumppad:
0x0: {  	(pc) =	sbr.rel $0x88, $3  }
0x1: {  	(tag) =	ssettag $0x0;
	lr =	simm.s32 $0x1  }
0x2: {  	[smem:$0x3F99] =	sst lr;
	_ =	strace $0xD0000000  }
0x3: {  	_ = 	snop  }
0x4: {  	_ = 	snop  }
0x5: {  	_ = 	snop  }
0x6: {  	_ = 	snop  }
0x7: {  	_ = 	snop  }
__scs_overlays_trampoline_lowered:
0x8: {  	[smem:$0x3FA8] =	sst s0  }
0x9: {  	[smem:$0x3FA9] =	sst s1  }
0xa: {  	[smem:$0x3FAA] =	sst s2  }
0xb: {  	[smem:$0x3FAB] =	sst s3  }
0xc: {  	[smem:$0x3FAC] =	sst s4  }
0xd: {  	[smem:$0x3FAD] =	sst s5  }
0xe: {  	[smem:$0x3FAE] =	sst s6  }
0xf: {  	[smem:$0x3FAF] =	sst s7  }
0x10: {  	[smem:$0x3FB0] =	sst s8  }
0x11: {  	[smem:$0x3FB1] =	sst s9;
	s0 =	simm.s32 @!p0 $0x0  }
0x12: {  	s1 =	sld [smem:$0x3F97];
	s0 =	simm.s32 @p0 $0x1  }
0x13: {  	[smem:$0x3FB2] =	sst s0;
	s0 =	simm.s32 @!p1 $0x0  }
0x14: {  	s2 =	sld [smem:$0x3F96];
	s0 =	simm.s32 @p1 $0x1  }
0x15: {  	[smem:$0x3FB3] =	sst s0;
	s0 =	simm.s32 @!p2 $0x0  }
0x16: {  	s3 =	sld [smem:$0x3FDB];
	s0 =	simm.s32 @p2 $0x1  }
0x17: {  	s4 =	simm.s32 $0x1BF5;
	[smem:$0x3FB5] =	sst s0  }
0x18: {  	s0 =	sld [smem:$0x3F98];
	_ =	swait.ge [sflag:s4], $0x0  }
0x19: {  	s7 =	sld [smem:$0x3F99]  }
0x1a: {  	s8 =	sadd.s32 $0xFFFFE003, lr  }
0x1b: {  	s9 =	sadd.s32 $0xFFFFFEF7, lr;
	s5 =	simm.s32 $0xFFFFFFFF;
	p2 =	slt.u32 s8, $0xFFFFF086  }
0x1c: {  	p1 =	slt.u32 s9, $0xF7A;
	s5 =	simm.s32 @!p2 $0x0  }
0x1d: {  	s5 =	simm.s32 @p1 $0x1;
	p0 =	seq.s32 s7, s2  }
0x1e: {  	s7 =	smul.u32 @!p0 $0xF7A, s2;
	p2 =	seq.s32 @!p0 s5, $0x0  }
0x1f: {  	s9 =	smul.u32 $0xF7A, s1;
	s8 =	simm.s32 @!p0 $0x1BF5;
	p2 =	por !p2, p0  }
0x20: {  	[sflag:s8] =	ssyncset.s32 @!p0 $0xFFFFF086;
	s6 =	sadd.s32 @!p0 s3, s7;
	s7 =	simm.s32 @!p0 $0x108  }
0x21: {  	s3 =	sadd.s32 s3, s9;
	s6 =	sadd.s32 @!p0 $0x88, s6;
	s7 =	simm.s32 @p2 $0x1082  }
0x22: {  	[simem:s7], [sflag:s8] =	dma.local @!p0 [hbm:s6], $0xF7A  }
0x23: {  	s9 =	sor.u32 $0xD0000000, s2;
	s6 =	simm.s32 $0x108;
	_ =	swait.ge @!p0 [sflag:s8], $0x0  }
0x24: {  	s3 =	sadd.s32 $0x88, s3;
	s6 =	simm.s32 @!p1 $0x1082;
	[sflag:s4] =	ssyncset.s32 $0xFFFFF086  }
0x25: {  	[simem:s6], [sflag:s4] =	dma.local [hbm:s3], $0xF7A  }
0x26: {  	[smem:$0x3F99] =	sst s1;
	(tag) =	ssettag s2;
	_ =	strace s9  }
0x27: {  	s1 =	sld [smem:$0x3FA9]  }
0x28: {  	s2 =	sld [smem:$0x3FAA]  }
0x29: {  	s4 =	sld [smem:$0x3FAC]  }
0x2a: {  	p0 =	seq.s32 s5, $0x0;
	s5 =	sld [smem:$0x3FAD]  }
0x2b: {  	s6 =	sld [smem:$0x3FAE]  }
0x2c: {  	s7 =	sld [smem:$0x3FAF]  }
0x2d: {  	s3 =	simm.s32 $0x108;
	s8 =	sld [smem:$0x3FB0]  }
0x2e: {  	s3 =	simm.s32 @!p0 $0x1082;
	s9 =	sld [smem:$0x3FB1]  }
0x2f: {  	lr =	sadd.s32 s0, s3;
	s0 =	sld [smem:$0x3FA8]  }
0x30: {  	s3 =	sld [smem:$0x3FAB]  }
0x31: {  	[smem:$0x3FB4] =	sst s10  }
0x32: {  	s10 =	sld [smem:$0x3FB2];
	_ =	sdelay $0x3  }
0x33: {  	p0 =	seq.s32 s10, $0x1;
	s10 =	sld [smem:$0x3FB4];
	_ =	sdelay $0x3  }
0x34: {  	[smem:$0x3FB4] =	sst s10  }
0x35: {  	s10 =	sld [smem:$0x3FB3];
	_ =	sdelay $0x3  }
0x36: {  	p1 =	seq.s32 s10, $0x1;
	s10 =	sld [smem:$0x3FB4];
	_ =	sdelay $0x3  }
0x37: {  	[smem:$0x3FB4] =	sst s10  }
0x38: {  	s10 =	sld [smem:$0x3FB5]  }
0x39: {  	_ = 	snop;
	(pc) =	sbr.ind lr, $3  }
0x3a: {  	_ = 	snop  }
0x3b: {  	_ = 	snop  }
0x3c: {  	p2 =	seq.s32 s10, $0x1;
	s10 =	sld [smem:$0x3FB4]  }
0x3d: {  	_ =	shalt  }
0x3e: {  	_ =	shalt  }
0x3f: {  	_ =	shalt  }
0x40: {  	_ =	shalt  }
0x41: {  	_ =	shalt  }
0x42: {  	_ =	shalt  }
0x43: {  	_ =	shalt  }
0x44: {  	_ =	shalt  }
0x45: {  	_ =	shalt  }
0x46: {  	_ =	shalt  }
0x47: {  	_ =	shalt  }
0x48: {  	_ =	shalt  }
0x49: {  	_ =	shalt  }
0x4a: {  	_ =	shalt  }
0x4b: {  	_ =	shalt  }
0x4c: {  	_ =	shalt  }
0x4d: {  	_ =	shalt  }
0x4e: {  	_ =	shalt  }
0x4f: {  	_ =	shalt  }
0x50: {  	_ =	shalt  }
0x51: {  	_ =	shalt  }
0x52: {  	_ =	shalt  }
0x53: {  	_ =	shalt  }
0x54: {  	_ =	shalt  }
0x55: {  	_ =	shalt  }
0x56: {  	_ =	shalt  }
0x57: {  	_ =	shalt  }
0x58: {  	_ =	shalt  }
0x59: {  	_ =	shalt  }
0x5a: {  	_ =	shalt  }
0x5b: {  	_ =	shalt  }
0x5c: {  	_ =	shalt  }
0x5d: {  	_ =	shalt  }
0x5e: {  	_ =	shalt  }
0x5f: {  	_ =	shalt  }
0x60: {  	_ =	shalt  }
0x61: {  	_ =	shalt  }
0x62: {  	_ =	shalt  }
0x63: {  	_ =	shalt  }
0x64: {  	_ =	shalt  }
0x65: {  	_ =	shalt  }
0x66: {  	_ =	shalt  }
0x67: {  	_ =	shalt  }
0x68: {  	_ =	shalt  }
0x69: {  	_ =	shalt  }
0x6a: {  	_ =	shalt  }
0x6b: {  	_ =	shalt  }
0x6c: {  	_ =	shalt  }
0x6d: {  	_ =	shalt  }
0x6e: {  	_ =	shalt  }
0x6f: {  	_ =	shalt  }
0x70: {  	_ =	shalt  }
0x71: {  	_ =	shalt  }
0x72: {  	_ =	shalt  }
0x73: {  	_ =	shalt  }
0x74: {  	_ =	shalt  }
0x75: {  	_ =	shalt  }
0x76: {  	_ =	shalt  }
0x77: {  	_ =	shalt  }
0x78: {  	_ =	shalt  }
0x79: {  	_ =	shalt  }
0x7a: {  	_ =	shalt  }
0x7b: {  	_ =	shalt  }
0x7c: {  	_ =	shalt  }
0x7d: {  	_ =	shalt  }
0x7e: {  	_ =	shalt  }
0x7f: {  	_ =	shalt  }
0x80: {  	_ =	shalt  }
0x81: {  	_ =	shalt  }
0x82: {  	_ =	shalt  }
0x83: {  	_ =	shalt  }
0x84: {  	_ =	shalt  }
0x85: {  	_ =	shalt  }
0x86: {  	_ =	shalt  }
0x87: {  	_ =	shalt  }
.Lfunc_end0:
.L_simem_size_0:
called_computation.1_lowered:
.L_overlay_start_0:
0x88: {  	s2 =	sld [smem:$0x3FD9]  }
0x89: {  	s3 =	sld [smem:$0x3FFE];
	_ =	sdelay $0x1  }
0x8a: {  	s1 =	srdreg.scid  }
0x8b: {  	s0 =	sand.u32 $0x1, s1  }
0x8c: {  	s14 =	sshll.u32 s0, $0xA;
	s2 =	sadd.s32 s3, s2  }
0x8d: {  	s2 =	sadd.s32 s2, s14  }
0x8e: {  	[smem:$0x3FC0] =	sst s2  }
0x8f: {  	_ = 	snop  }
0x90: {  	s2 =	sld [smem:$0x3FD0];
	_ =	sdelay $0x2  }
0x91: {  	s15 =	simm.s32 $0xA;
	s4 =	simm.s32 $0x10  }
0x92: {  	[smem:s4], [sflag:s15] =	dma.local [hbm:s2], $0x1  }
0x93: {  	_ =	swait.eq [sflag:s15], $0x1  }
0x94: {  	[sflag:s15] =	ssyncset.done $0x0  }
0x95: {  	s16 =	sld [smem:$0x10];
	[sflag:s15] =	ssyncadd.s32 $0xFFFFFFFF  }
0x96: {  	s17 =	sld [smem:$0x11];
	(tm) =	ssettm $0x1  }
0x97: {  	s18 =	sld [smem:$0x3FFB];
	_ =	sdelay $0x3  }
0x98: {  	_ =	strace s18  }
0x99: {  	s4 =	sld [smem:$0x3FFC];
	_ =	sdelay $0x3  }
0x9a: {  	_ =	strace s4  }
0x9b: {  	s4 =	sld [smem:$0x3FFD];
	_ =	sdelay $0x3  }
0x9c: {  	_ =	strace s4  }
0x9d: {  	_ =	strace $0x8FFFFFFF  }
0x9e: {  	s19 =	sld [smem:$0x3FDB];
	_ =	sdelay $0x1  }
0x9f: {  	s5 =	simm.s32 $_scs_section_size  }
0xa0: {  	s6 =	simm.s32 $_size__tile_overlayer_lowered;
	s7 =	simm.s32 $_tile_overlayer_lowered  }
0xa1: {  	s22 =	simm.s32 $0x1BFF;
	s21 =	sshll.u32 s7, $0x1;
	s4 =	sadd.s32 s5, s19  }
0xa2: {  	s8 =	simm.s32 $0x0;
	s20 =	sshll.u32 s6, $0x1;
	s6 =	sadd.s32 s21, s4  }
0xa3: {  	[timem:s8], [sflag:s22] =	dma.local [hbm:s6], s20  }
0xa4: {  	_ =	swait.ge [sflag:s22], s20  }
0xa5: {  	s5 =	ssub.s32 $0x0, s20;
	[sflag:s22] =	ssyncset.done $0x0  }
0xa6: {  	[sflag:s22] =	ssyncadd.s32 s5;
	_ =	sdelay $0x1  }
0xa7: {  	s23 =	simm.s32 $0x1B8B  }
0xa8: {  	_ =	swait.ge [sflag:s23], $0x1  }
0xa9: {  	[sflag:s23] =	ssyncset.done $0x0  }
0xaa: {  	s25 =	simm.s32 $0x1B8E;
	s24 =	sld [smem:$0x3FFE];
	[sflag:s23] =	ssyncadd.s32 $0xFFFFFFFF  }
0xab: {  	s26 =	simm.s32 $execute0_lowered;
	[smem:$0x3FD2] =	sst s25  }
0xac: {  	s6 =	sshll.u32 s26, $0x1;
	_ =	strace $0x80000046;
	[dreg:$0x1] =	wrdreg $0xFFFFFFFF  }
0xad: {  	s28 =	simm.s32 $_size_execute0_lowered;
	s4 =	sadd.s32 s4, s6;
	[dreg:$0x0] =	wrdreg $0x0  }
0xae: {  	s6 =	sshll.u32 s28, $0x1;
	[dreg:$0x2] =	wrdreg s4  }
0xaf: {  	[dreg:$0x3] =	wrdreg s6  }
0xb0: {  	[dreg:$0x4] =	wrdreg $0xC0  }
0xb1: {  	_ =	task [dreg:s8], $0x5FFFF  }
0xb2: {  	[dreg:$0x1] =	wrdreg $0xFFFFFFFF  }
0xb3: {  	[dreg:$0x0] =	wrdreg $0x60  }
0xb4: {  	[dreg:$0x2] =	wrdreg s16  }
0xb5: {  	[dreg:$0x3] =	wrdreg s24  }
0xb6: {  	[dreg:$0x4] =	wrdreg s17  }
0xb7: {  	[dreg:$0x5] =	wrdreg $0x9  }
0xb8: {  	_ =	task.clear_ibuf [dreg:s8], $0x6FFFF;
	_ =	strace $0x90000046  }
0xb9: {  	s29 =	simm.s32 $0x9;
	_ =	strace $0x80000048  }
0xba: {  	_ =	swait.ge [sflag:s29], $0x1  }
0xbb: {  	[sflag:s29] =	ssyncadd.s32 $0xFFFFFFFF  }
0xbc: {  	_ =	strace $0x90000048  }
0xbd: {  	_ =	sfence  }
0xbe: {  	s30 =	sld [smem:$0x0];
	_ =	sdelay $0x2  }
0xbf: {  	s31 =	sshll.u32 s1, $0xD;
	s1 =	sshrl.u32 s1, $0x2  }
0xc0: {  	s3 =	sand.u32 $0x4000, s31;
	s1 =	sadd.s32 s1, s30  }
0xc1: {  	s0 =	sor.u32 s3, s0;
	s1 =	sshll.u32 s1, $0x11  }
0xc2: {  	s0 =	sor.u32 s1, s0  }
0xc3: {  	s0 =	sadd.s32 $0x8F2B, s0  }
0xc4: {  	[sflag:s0] =	ssyncadd.remote.s32 $0x1  }
0xc5: {  	_ =	sfence.sel $0xFFFF  }
0xc6: {  	[dreg:$0x0] =	wrdreg $0xFFFFFFFF;
	(pc) =	sbr.abs _section_cstart, $3  }
0xc7: {  	[dreg:$0x1] =	wrdreg $0xFFFFFFFF  }
0xc8: {  	_ =	task.clear_ibuf [dreg:s8], $0x2FFFF;
	_ =	strace $0x9FFFFFFF  }
0xc9: {  	(tm) =	ssettm $0x7FFFFFFF  }
tec
execute0_lowered:
.L_overlay_start_1:
0x0: {  	(tag) =	ssettag $0x1  }
0x1: {  	s1 =	rddreg [dreg:$0x0]  }
0x2: {  	s3 =	rddreg [dreg:$0x1];
	s2 =	srdreg.scid  }
0x3: {  	s0 =	stileid.u32;
	s4 =	rddreg [dreg:$0x2]  }
0x4: {  	s5 =	simm.s32 $0x0;
	s20 =	simm.s32 $0x4000;
	s21 =	simm.s32 $0x4D00  }
0x5: {  	s22 =	simm.s32 $0x11D00;
	s23 =	simm.s32 $0x12380;
	s24 =	simm.s32 $0x12580  }
0x6: {  	s25 =	simm.s32 $0x0;
	s14 =	sand.u32 $0x1, s2;
	s6 =	sshll.u32 s0, $0x1  }
0x7: {  	[smem:$0x7FF] =	sst s5;
	s7 =	sadd.s32 $0x3400, s3;
	s18 =	smul.u32 $0xD00, s0  }
0x8: {  	s10 =	sor.u32 s14, s6;
	_ =	strace $0x80000047;
	s19 =	smul.u32 $0x680, s14  }
0x9: {  	s6 =	sadd.s32 $0x1A00, s3;
	s11 =	ssub.s32 $0x2, s14;
	s8 =	smul.u32 $0x680, s10  }
0xa: {  	s9 =	sshll.u32 s10, $0x6;
	s31 =	sshrl.u32 s11, $0x1;
	s10 =	sshll.u32 s10, $0x9  }
0xb: {  	s16 =	sadd.s32 s9, s3;
	s17 =	ssub.s32 s11, s31;
	s18 =	sadd.s32 s19, s18  }
0xc: {  	s19 =	simm.s32 $0x1;
	s8 =	sshrl.u32 s8, $0x3;
	s11 =	sadd.s32 $0xB600, s16  }
0xd: {  	s13 =	sadd.s32 $0xBE00, s16;
	s17 =	smax.u32 s17, $0x1;
	s15 =	sadd.s32 s8, s3  }
0xe: {  	s8 =	sadd.s32 $0x4E00, s15;
	s9 =	sadd.s32 $0x8200, s15;
	s12 =	sadd.s32 $0x9C00, s15  }
0xf: {  	s14 =	sadd.s32 $0x6800, s15;
	s15 =	sadd.s32 $0xC600, s16;
	s16 =	sadd.s32 $0xCE00, s16  }
.LBB2_1:
0x10: {  	[tilespmem:s5], [sflag:$0x1] =	stream.linear.gather [hbm4b:s4+s5], $0x4000, $0x38;
	[tilespmem:$0x12780] =	vst v63  }
0x11: {  	_ =	swait.ge [sflag:s19], $0x4000  }
0x12: {  	[sflag:s19] =	ssyncset.done $0x0  }
0x13: {  	[sflag:s19] =	ssyncadd.s32 $0xFFFFC000  }
0x14: {  	[tilespmem:s20], [sflag:$0x1] =	stream.linear.gather [hbm4b:s8+s5], $0x680, $0x38;
	[tilespmem:$0x12780] =	vst v63  }
0x15: {  	_ =	swait.ge [sflag:s19], $0x680  }
0x16: {  	[sflag:s19] =	ssyncset.done $0x0  }
0x17: {  	s26 =	simm.s32 $0x0;
	[sflag:s19] =	ssyncadd.s32 $0xFFFFF980  }
0x18: {  	v0 =	vld [tilespmem:s26+$0x4000];
	_ =	sdelay $0x7  }
0x19: {  	s28 =	simm.s32 $0x10;
	s29 =	simm.s32 $0x80;
	v0 =	vld.idx.msk [tilespmem:v0+s5+$0x0], $0xffff  }
.LBB2_2:
0x1a: {  	p0 =	sne.s32 s29, $0x19C0;
	v1 =	vld [tilespmem:s28+$0x4000];
	_ =	sdelay $0x3  }
.Ltmp0:
0x1b: {  	(pc) =	sbr.rel @p0 .LBB2_2-.Ltmp0, $2  }
0x1c: {  	[tilespmem:s26+$0x4680] =	vst v0;
	s26 =	smov.u32 s28;
	_ =	sdelay $0x2  }
0x1d: {  	s28 =	sshra.s32 s29, $0x2;
	s29 =	sadd.s32 $0x40, s29;
	v0 =	vld.idx.msk [tilespmem:v1+s5+$0x0], $0xffff  }
0x1e: {  	v1 =	vld [tilespmem:s28+$0x4000];
	_ =	sdelay $0x6  }
0x1f: {  	[tilespmem:s26+$0x4680] =	vst v0  }
0x20: {  	v0 =	vld.idx.msk [tilespmem:v1+s5+$0x0], $0xffff;
	_ =	sdelay $0x4  }
0x21: {  	s31 =	simm.s32 $0x0;
	[tilespmem:s28+$0x4680] =	vst v0  }
0x22: {  	[tilespmem:s21], [sflag:$0x1] =	stream.linear.gather [hbm4b:s1+s31], $0xD000, $0x38;
	[tilespmem:$0x12780] =	vst v63  }
0x23: {  	_ =	swait.ge [sflag:s19], $0xD000  }
0x24: {  	[sflag:s19] =	ssyncset.done $0x0  }
0x25: {  	s28 =	simm.s32 $0x4680;
	[sflag:s19] =	ssyncadd.s32 $0xFFFF3000  }
0x26: {  	v0 =	vld [tilespmem:s28+$0x0];
	_ =	sdelay $0x3  }
0x27: {  	s28 =	sadd.s32 $0x0, s18  }
0x28: {  	s26 =	sand.u32 $0x70, s31;
	s28 =	sand.u32 $0x1FF80, s28  }
0x29: {  	s26 =	sor.u32 s26, s28  }
0x2a: {  	v1 =	vld [tilespmem:s26+$0x4D00]  }
0x2b: {  	v0 =	vld.idx.msk [tilespmem:v0+s21+$0x0], $0xffff;
	_ =	sdelay $0x4  }
0x2c: {  	v0 =	vsub.f32 v1, v0  }
0x2d: {  	s26 =	simm.s32 $0x11D00  }
0x2e: {  	s29 =	simm.s32 $0x4690;
	[tilespmem:s26+$0x0] =	vst v0  }
0x2f: {  	s30 =	simm.s32 $0x20;
	s28 =	simm.s32 $0x10;
	v0 =	vld [tilespmem:s29+$0x0]  }
.LBB2_4:
0x30: {  	p0 =	sne.s32 s30, $0x670;
	_ =	sdelay $0x4  }
0x31: {  	s31 =	sadd.s32 s28, s18  }
0x32: {  	s2 =	sand.u32 $0x70, s28;
	s28 =	smov.u32 s30;
	s31 =	sand.u32 $0x1FF80, s31  }
0x33: {  	s2 =	sor.u32 s2, s31;
	v0 =	vld.idx.msk [tilespmem:v0+s21+$0x0], $0xffff  }
0x34: {  	v1 =	vld [tilespmem:s2+$0x4D00];
	_ =	sdelay $0x3  }
.Ltmp1:
0x35: {  	(pc) =	sbr.rel @p0 .LBB2_4-.Ltmp1, $4  }
0x36: {  	v0 =	vsub.f32 v1, v0  }
0x37: {  	s26 =	sadd.s32 $0x10, s26  }
0x38: {  	s29 =	sadd.s32 $0x10, s29;
	[tilespmem:s26+$0x0] =	vst v0  }
0x39: {  	s30 =	sadd.s32 $0x10, s30;
	v0 =	vld [tilespmem:s29+$0x0]  }
0x3a: {  	_ =	sdelay $0x3  }
0x3b: {  	s2 =	sadd.s32 s28, s18  }
0x3c: {  	s28 =	sand.u32 $0x70, s28;
	s2 =	sand.u32 $0x1FF80, s2  }
0x3d: {  	s2 =	sor.u32 s28, s2  }
0x3e: {  	v1 =	vld [tilespmem:s2+$0x4D00]  }
0x3f: {  	v0 =	vld.idx.msk [tilespmem:v0+s21+$0x0], $0xffff;
	_ =	sdelay $0x4  }
0x40: {  	v0 =	vsub.f32 v1, v0  }
0x41: {  	s31 =	sadd.s32 $0x10, s26  }
0x42: {  	s26 =	simm.s32 $0x0;
	[tilespmem:s31+$0x0] =	vst v0  }
0x43: {  	[hbm4b:s9+s26] =	stream.linear.scatter [tilespmem:s22], [sflag:$0x1], $0x680, $0x38;
	[tilespmem:$0x12780] =	vst v63  }
0x44: {  	s31 =	sand.u32 $0x180, s26;
	_ =	swait.ge [sflag:s19], $0x680  }
0x45: {  	s2 =	sand.u32 $0x70, s26;
	s26 =	sadd.s32 s31, s10;
	[sflag:s19] =	ssyncset.done $0x0  }
0x46: {  	s2 =	sadd.s32 s2, s26;
	[sflag:s19] =	ssyncadd.s32 $0xFFFFF980  }
0x47: {  	v0 =	vld [tilespmem:s2+$0x0];
	_ =	sdelay $0x7  }
0x48: {  	v0 =	vld.idx.msk [tilespmem:v0+s21+$0x0], $0xffff;
	_ =	sdelay $0x1  }
0x49: {  	s28 =	simm.s32 $0x10  }
0x4a: {  	s29 =	simm.s32 $0x20;
	s30 =	sand.u32 $0x180, s28;
	s26 =	simm.s32 $0x12380  }
.LBB2_6:
0x4b: {  	p0 =	sne.s32 s29, $0x1F0;
	s2 =	sand.u32 $0x70, s28;
	s28 =	sadd.s32 s30, s10  }
0x4c: {  	s2 =	sadd.s32 s2, s28;
	[tilespmem:s26+$0x0] =	vst v0;
	s28 =	smov.u32 s29  }
0x4d: {  	v0 =	vld [tilespmem:s2+$0x0];
	_ =	sdelay $0x7  }
.Ltmp2:
0x4e: {  	v0 =	vld.idx.msk [tilespmem:v0+s21+$0x0], $0xffff;
	(pc) =	sbr.rel @p0 .LBB2_6-.Ltmp2, $2  }
0x4f: {  	_ =	sdelay $0x2  }
0x50: {  	s29 =	sadd.s32 $0x10, s29;
	s26 =	sadd.s32 $0x10, s26;
	s30 =	sand.u32 $0x180, s28  }
0x51: {  	s2 =	sand.u32 $0x70, s28;
	s28 =	sadd.s32 s30, s10  }
0x52: {  	[tilespmem:s26+$0x0] =	vst v0;
	s2 =	sadd.s32 s2, s28  }
0x53: {  	v0 =	vld [tilespmem:s2+$0x0];
	_ =	sdelay $0x7  }
0x54: {  	v0 =	vld.idx.msk [tilespmem:v0+s21+$0x0], $0xffff;
	_ =	sdelay $0x3  }
0x55: {  	s26 =	sadd.s32 $0x10, s26  }
0x56: {  	s2 =	simm.s32 $0x0;
	[tilespmem:s26+$0x0] =	vst v0  }
0x57: {  	[hbm4b:s11+s2] =	stream.linear.scatter [tilespmem:s23], [sflag:$0x1], $0x200, $0x38;
	[tilespmem:$0x12780] =	vst v63  }
0x58: {  	_ =	swait.ge [sflag:s19], $0x200  }
0x59: {  	[sflag:s19] =	ssyncset.done $0x0  }
0x5a: {  	[sflag:s19] =	ssyncadd.s32 $0xFFFFFE00  }
0x5b: {  	[tilespmem:s21], [sflag:$0x1] =	stream.linear.gather [hbm4b:s3+s2], $0xD000, $0x38;
	[tilespmem:$0x12780] =	vst v63  }
0x5c: {  	_ =	swait.ge [sflag:s19], $0xD000  }
0x5d: {  	[sflag:s19] =	ssyncset.done $0x0  }
0x5e: {  	s31 =	simm.s32 $0x4680;
	[sflag:s19] =	ssyncadd.s32 $0xFFFF3000  }
0x5f: {  	v0 =	vld [tilespmem:s31+$0x0];
	_ =	sdelay $0x3  }
0x60: {  	s31 =	sadd.s32 $0x0, s18  }
0x61: {  	s2 =	sand.u32 $0x70, s2;
	s26 =	sand.u32 $0x1FF80, s31  }
0x62: {  	s2 =	sor.u32 s2, s26  }
0x63: {  	v1 =	vld [tilespmem:s2+$0x4D00]  }
0x64: {  	v0 =	vld.idx.msk [tilespmem:v0+s21+$0x0], $0xffff;
	_ =	sdelay $0x4  }
0x65: {  	v0 =	vsub.f32 v1, v0  }
0x66: {  	s26 =	simm.s32 $0x11D00  }
0x67: {  	s29 =	simm.s32 $0x4690;
	[tilespmem:s26+$0x0] =	vst v0  }
0x68: {  	s30 =	simm.s32 $0x20;
	s28 =	simm.s32 $0x10;
	v0 =	vld [tilespmem:s29+$0x0]  }
.LBB2_8:
0x69: {  	p0 =	sne.s32 s30, $0x670;
	_ =	sdelay $0x4  }
0x6a: {  	s2 =	sadd.s32 s28, s18  }
0x6b: {  	s31 =	sand.u32 $0x70, s28;
	s28 =	smov.u32 s30;
	s2 =	sand.u32 $0x1FF80, s2  }
0x6c: {  	s2 =	sor.u32 s31, s2;
	v0 =	vld.idx.msk [tilespmem:v0+s21+$0x0], $0xffff  }
0x6d: {  	v1 =	vld [tilespmem:s2+$0x4D00];
	_ =	sdelay $0x3  }
.Ltmp3:
0x6e: {  	(pc) =	sbr.rel @p0 .LBB2_8-.Ltmp3, $4  }
0x6f: {  	v0 =	vsub.f32 v1, v0  }
0x70: {  	s26 =	sadd.s32 $0x10, s26  }
0x71: {  	s29 =	sadd.s32 $0x10, s29;
	[tilespmem:s26+$0x0] =	vst v0  }
0x72: {  	s30 =	sadd.s32 $0x10, s30;
	v0 =	vld [tilespmem:s29+$0x0]  }
0x73: {  	_ =	sdelay $0x3  }
0x74: {  	s2 =	sadd.s32 s28, s18  }
0x75: {  	s28 =	sand.u32 $0x70, s28;
	s2 =	sand.u32 $0x1FF80, s2  }
0x76: {  	s2 =	sor.u32 s28, s2  }
0x77: {  	v1 =	vld [tilespmem:s2+$0x4D00]  }
0x78: {  	v0 =	vld.idx.msk [tilespmem:v0+s21+$0x0], $0xffff;
	_ =	sdelay $0x4  }
0x79: {  	v0 =	vsub.f32 v1, v0  }
0x7a: {  	s31 =	sadd.s32 $0x10, s26  }
0x7b: {  	s26 =	simm.s32 $0x0;
	[tilespmem:s31+$0x0] =	vst v0  }
0x7c: {  	[hbm4b:s12+s26] =	stream.linear.scatter [tilespmem:s22], [sflag:$0x1], $0x680, $0x38;
	[tilespmem:$0x12780] =	vst v63  }
0x7d: {  	s31 =	sand.u32 $0x180, s26;
	_ =	swait.ge [sflag:s19], $0x680  }
0x7e: {  	s2 =	sand.u32 $0x70, s26;
	s26 =	sadd.s32 s31, s10;
	[sflag:s19] =	ssyncset.done $0x0  }
0x7f: {  	s2 =	sadd.s32 s2, s26;
	[sflag:s19] =	ssyncadd.s32 $0xFFFFF980  }
0x80: {  	v0 =	vld [tilespmem:s2+$0x0];
	_ =	sdelay $0x7  }
0x81: {  	v0 =	vld.idx.msk [tilespmem:v0+s21+$0x0], $0xffff;
	_ =	sdelay $0x1  }
0x82: {  	s28 =	simm.s32 $0x10  }
0x83: {  	s29 =	simm.s32 $0x20;
	s30 =	sand.u32 $0x180, s28;
	s26 =	simm.s32 $0x12380  }
.LBB2_10:
0x84: {  	p0 =	sne.s32 s29, $0x1F0;
	s2 =	sand.u32 $0x70, s28;
	s28 =	sadd.s32 s30, s10  }
0x85: {  	s2 =	sadd.s32 s2, s28;
	[tilespmem:s26+$0x0] =	vst v0;
	s28 =	smov.u32 s29  }
0x86: {  	v0 =	vld [tilespmem:s2+$0x0];
	_ =	sdelay $0x7  }
.Ltmp4:
0x87: {  	v0 =	vld.idx.msk [tilespmem:v0+s21+$0x0], $0xffff;
	(pc) =	sbr.rel @p0 .LBB2_10-.Ltmp4, $2  }
0x88: {  	_ =	sdelay $0x2  }
0x89: {  	s29 =	sadd.s32 $0x10, s29;
	s26 =	sadd.s32 $0x10, s26;
	s30 =	sand.u32 $0x180, s28  }
0x8a: {  	s2 =	sand.u32 $0x70, s28;
	s28 =	sadd.s32 s30, s10  }
0x8b: {  	[tilespmem:s26+$0x0] =	vst v0;
	s2 =	sadd.s32 s2, s28  }
0x8c: {  	v0 =	vld [tilespmem:s2+$0x0];
	_ =	sdelay $0x7  }
0x8d: {  	v0 =	vld.idx.msk [tilespmem:v0+s21+$0x0], $0xffff;
	_ =	sdelay $0x3  }
0x8e: {  	s26 =	sadd.s32 $0x10, s26  }
0x8f: {  	s2 =	simm.s32 $0x0;
	[tilespmem:s26+$0x0] =	vst v0  }
0x90: {  	[hbm4b:s13+s2] =	stream.linear.scatter [tilespmem:s23], [sflag:$0x1], $0x200, $0x38;
	[tilespmem:$0x12780] =	vst v63  }
0x91: {  	_ =	swait.ge [sflag:s19], $0x200  }
0x92: {  	[sflag:s19] =	ssyncset.done $0x0  }
0x93: {  	[sflag:s19] =	ssyncadd.s32 $0xFFFFFE00  }
0x94: {  	[tilespmem:s21], [sflag:$0x1] =	stream.linear.gather [hbm4b:s6+s2], $0xD000, $0x38;
	[tilespmem:$0x12780] =	vst v63  }
0x95: {  	_ =	swait.ge [sflag:s19], $0xD000  }
0x96: {  	[sflag:s19] =	ssyncset.done $0x0  }
0x97: {  	s31 =	simm.s32 $0x4680;
	[sflag:s19] =	ssyncadd.s32 $0xFFFF3000  }
0x98: {  	v0 =	vld [tilespmem:s31+$0x0];
	_ =	sdelay $0x3  }
0x99: {  	s31 =	sadd.s32 $0x0, s18  }
0x9a: {  	s2 =	sand.u32 $0x70, s2;
	s26 =	sand.u32 $0x1FF80, s31  }
0x9b: {  	s2 =	sor.u32 s2, s26  }
0x9c: {  	v1 =	vld [tilespmem:s2+$0x4D00]  }
0x9d: {  	v0 =	vld.idx.msk [tilespmem:v0+s21+$0x0], $0xffff;
	_ =	sdelay $0x4  }
0x9e: {  	v0 =	vsub.f32 v1, v0  }
0x9f: {  	s26 =	simm.s32 $0x11D00  }
0xa0: {  	s29 =	simm.s32 $0x4690;
	[tilespmem:s26+$0x0] =	vst v0  }
0xa1: {  	s30 =	simm.s32 $0x20;
	s28 =	simm.s32 $0x10;
	v0 =	vld [tilespmem:s29+$0x0]  }
.LBB2_12:
0xa2: {  	p0 =	sne.s32 s30, $0x670;
	_ =	sdelay $0x4  }
0xa3: {  	s2 =	sadd.s32 s28, s18  }
0xa4: {  	s31 =	sand.u32 $0x70, s28;
	s28 =	smov.u32 s30;
	s2 =	sand.u32 $0x1FF80, s2  }
0xa5: {  	s2 =	sor.u32 s31, s2;
	v0 =	vld.idx.msk [tilespmem:v0+s21+$0x0], $0xffff  }
0xa6: {  	v1 =	vld [tilespmem:s2+$0x4D00];
	_ =	sdelay $0x3  }
.Ltmp5:
0xa7: {  	(pc) =	sbr.rel @p0 .LBB2_12-.Ltmp5, $4  }
0xa8: {  	v0 =	vsub.f32 v1, v0  }
0xa9: {  	s26 =	sadd.s32 $0x10, s26  }
0xaa: {  	s29 =	sadd.s32 $0x10, s29;
	[tilespmem:s26+$0x0] =	vst v0  }
0xab: {  	s30 =	sadd.s32 $0x10, s30;
	v0 =	vld [tilespmem:s29+$0x0]  }
0xac: {  	_ =	sdelay $0x3  }
0xad: {  	s2 =	sadd.s32 s28, s18  }
0xae: {  	s28 =	sand.u32 $0x70, s28;
	s2 =	sand.u32 $0x1FF80, s2  }
0xaf: {  	s2 =	sor.u32 s28, s2  }
0xb0: {  	v1 =	vld [tilespmem:s2+$0x4D00]  }
0xb1: {  	v0 =	vld.idx.msk [tilespmem:v0+s21+$0x0], $0xffff;
	_ =	sdelay $0x4  }
0xb2: {  	v0 =	vsub.f32 v1, v0  }
0xb3: {  	s31 =	sadd.s32 $0x10, s26  }
0xb4: {  	s26 =	simm.s32 $0x0;
	[tilespmem:s31+$0x0] =	vst v0  }
0xb5: {  	[hbm4b:s14+s26] =	stream.linear.scatter [tilespmem:s22], [sflag:$0x1], $0x680, $0x38;
	[tilespmem:$0x12780] =	vst v63  }
0xb6: {  	s31 =	sand.u32 $0x180, s26;
	_ =	swait.ge [sflag:s19], $0x680  }
0xb7: {  	s2 =	sand.u32 $0x70, s26;
	s26 =	sadd.s32 s31, s10;
	[sflag:s19] =	ssyncset.done $0x0  }
0xb8: {  	s2 =	sadd.s32 s2, s26;
	[sflag:s19] =	ssyncadd.s32 $0xFFFFF980  }
0xb9: {  	v0 =	vld [tilespmem:s2+$0x0];
	_ =	sdelay $0x7  }
0xba: {  	v0 =	vld.idx.msk [tilespmem:v0+s21+$0x0], $0xffff;
	_ =	sdelay $0x1  }
0xbb: {  	s28 =	simm.s32 $0x10  }
0xbc: {  	s29 =	simm.s32 $0x20;
	s30 =	sand.u32 $0x180, s28;
	s26 =	simm.s32 $0x12380  }
.LBB2_14:
0xbd: {  	p0 =	sne.s32 s29, $0x1F0;
	s2 =	sand.u32 $0x70, s28;
	s28 =	sadd.s32 s30, s10  }
0xbe: {  	s2 =	sadd.s32 s2, s28;
	[tilespmem:s26+$0x0] =	vst v0;
	s28 =	smov.u32 s29  }
0xbf: {  	v0 =	vld [tilespmem:s2+$0x0];
	_ =	sdelay $0x7  }
.Ltmp6:
0xc0: {  	v0 =	vld.idx.msk [tilespmem:v0+s21+$0x0], $0xffff;
	(pc) =	sbr.rel @p0 .LBB2_14-.Ltmp6, $2  }
0xc1: {  	_ =	sdelay $0x2  }
0xc2: {  	s29 =	sadd.s32 $0x10, s29;
	s26 =	sadd.s32 $0x10, s26;
	s30 =	sand.u32 $0x180, s28  }
0xc3: {  	s2 =	sand.u32 $0x70, s28;
	s28 =	sadd.s32 s30, s10  }
0xc4: {  	[tilespmem:s26+$0x0] =	vst v0;
	s2 =	sadd.s32 s2, s28  }
0xc5: {  	v0 =	vld [tilespmem:s2+$0x0];
	_ =	sdelay $0x7  }
0xc6: {  	v0 =	vld.idx.msk [tilespmem:v0+s21+$0x0], $0xffff;
	_ =	sdelay $0x3  }
0xc7: {  	s31 =	sadd.s32 $0x10, s26  }
0xc8: {  	s26 =	simm.s32 $0x0;
	[tilespmem:s31+$0x0] =	vst v0  }
0xc9: {  	[hbm4b:s15+s26] =	stream.linear.scatter [tilespmem:s23], [sflag:$0x1], $0x200, $0x38;
	[tilespmem:$0x12780] =	vst v63  }
0xca: {  	_ =	swait.ge [sflag:s19], $0x200  }
0xcb: {  	[sflag:s19] =	ssyncset.done $0x0  }
0xcc: {  	[sflag:s19] =	ssyncadd.s32 $0xFFFFFE00  }
0xcd: {  	[tilespmem:s21], [sflag:$0x1] =	stream.linear.gather [hbm4b:s7+s26], $0xD000, $0x38;
	[tilespmem:$0x12780] =	vst v63  }
0xce: {  	s31 =	sand.u32 $0x180, s26;
	_ =	swait.ge [sflag:s19], $0xD000  }
0xcf: {  	s2 =	sand.u32 $0x70, s26;
	s26 =	sadd.s32 s31, s10;
	[sflag:s19] =	ssyncset.done $0x0  }
0xd0: {  	s2 =	sadd.s32 s2, s26;
	[sflag:s19] =	ssyncadd.s32 $0xFFFF3000  }
0xd1: {  	v0 =	vld [tilespmem:s2+$0x0];
	_ =	sdelay $0x7  }
0xd2: {  	v0 =	vld.idx.msk [tilespmem:v0+s21+$0x0], $0xffff;
	_ =	sdelay $0x1  }
0xd3: {  	s28 =	simm.s32 $0x10  }
0xd4: {  	s29 =	simm.s32 $0x20;
	s30 =	sand.u32 $0x180, s28;
	s26 =	simm.s32 $0x12580  }
.LBB2_16:
0xd5: {  	p0 =	sne.s32 s29, $0x1F0;
	s2 =	sand.u32 $0x70, s28;
	s28 =	sadd.s32 s30, s10  }
0xd6: {  	s2 =	sadd.s32 s2, s28;
	[tilespmem:s26+$0x0] =	vst v0;
	s28 =	smov.u32 s29  }
0xd7: {  	v0 =	vld [tilespmem:s2+$0x0];
	_ =	sdelay $0x7  }
.Ltmp7:
0xd8: {  	v0 =	vld.idx.msk [tilespmem:v0+s21+$0x0], $0xffff;
	(pc) =	sbr.rel @p0 .LBB2_16-.Ltmp7, $2  }
0xd9: {  	_ =	sdelay $0x2  }
0xda: {  	s29 =	sadd.s32 $0x10, s29;
	s26 =	sadd.s32 $0x10, s26;
	s30 =	sand.u32 $0x180, s28  }
0xdb: {  	s2 =	sand.u32 $0x70, s28;
	s30 =	sadd.s32 s30, s10  }
0xdc: {  	[tilespmem:s26+$0x0] =	vst v0;
	s2 =	sadd.s32 s2, s30  }
0xdd: {  	v0 =	vld [tilespmem:s2+$0x0];
	_ =	sdelay $0x7  }
0xde: {  	v0 =	vld.idx.msk [tilespmem:v0+s21+$0x0], $0xffff;
	_ =	sdelay $0x2  }
0xdf: {  	s25 =	sadd.s32 $0x1, s25  }
0xe0: {  	s31 =	sadd.s32 $0x10, s26;
	p0 =	sne.s32 s25, s17  }
.Ltmp8:
0xe1: {  	[tilespmem:s31+$0x0] =	vst v0;
	(pc) =	sbr.rel @p0 .LBB2_1-.Ltmp8, $4  }
0xe2: {  	[hbm4b:s16+s5] =	stream.linear.scatter [tilespmem:s24], [sflag:$0x1], $0x200, $0x38;
	[tilespmem:$0x12780] =	vst v63  }
0xe3: {  	_ =	swait.ge [sflag:s19], $0x200  }
0xe4: {  	[sflag:s19] =	ssyncset.done $0x0  }
0xe5: {  	[sflag:s19] =	ssyncadd.s32 $0xFFFFFE00  }
0xe6: {  	_ =	sfence.sel $0x180000  }
0xe7: {  	[bflag:$0x0] =	sbarrier.arrive $0xFFFF  }
0xe8: {  	_ =	strace $0x90000047  }
0xe9: {  	[bflag:$0x2] =	sbarrier.arrive $0xFFFF  }
0xea: {  	p0 =	sne.s32 s0, $0x0;
	s0 =	rddreg [dreg:$0x3]  }
0xeb: {  	s0 =	sadd.s32 @!p0 $0x100000, s0  }
0xec: {  	[sflag:s0] =	ssyncadd.tile.s32 @!p0 $0x1;
	_ =	shalt  }
.Lfunc_end2:
_tile_overlayer_lowered:
.L_overlay_start_2:
0xed: {  	(tag) =	ssettag $0x2  }
0xee: {  	s0 =	rddreg [dreg:$0x0];
	s2 =	stileid.u32  }
0xef: {  	s1 =	rddreg [dreg:$0x1];
	p0 =	sne.s32 s2, $0x0  }
0xf0: {  	s3 =	rddreg [dreg:$0x2];
	[bflag:$0x3] =	sbarrier.arrive $0xFFFF;
	s2 =	simm.s32 @!p0 $0x1C01  }
0xf1: {  	[timem:s3], [sflag:s2] =	dma.local @!p0 [hbm:s0], s1  }
0xf2: {  	s0 =	simm.s32 @!p0 $0x1  }
0xf3: {  	_ =	swait.ge @!p0 [sflag:s0], s1  }
0xf4: {  	s1 =	ssub.s32 @!p0 $0x0, s1;
	[sflag:s0] =	ssyncset.done @!p0 $0x0  }
0xf5: {  	[sflag:s0] =	ssyncadd.s32 @!p0 s1  }
0xf6: {  	[bflag:$0x3] =	sbarrier.arrive $0xFFFF  }
0xf7: {  	_ =	shalt  }

// kernel: scatter_offload_async_start
scs
__scs_entry_jumppad:
0x0: {  	(pc) =	sbr.rel $0x88, $3  }
0x1: {  	(tag) =	ssettag $0x0;
	lr =	simm.s32 $0x1  }
0x2: {  	[smem:$0x3F99] =	sst lr;
	_ =	strace $0xD0000000  }
0x3: {  	_ = 	snop  }
0x4: {  	_ = 	snop  }
0x5: {  	_ = 	snop  }
0x6: {  	_ = 	snop  }
0x7: {  	_ = 	snop  }
__scs_overlays_trampoline_lowered:
0x8: {  	[smem:$0x3FA8] =	sst s0  }
0x9: {  	[smem:$0x3FA9] =	sst s1  }
0xa: {  	[smem:$0x3FAA] =	sst s2  }
0xb: {  	[smem:$0x3FAB] =	sst s3  }
0xc: {  	[smem:$0x3FAC] =	sst s4  }
0xd: {  	[smem:$0x3FAD] =	sst s5  }
0xe: {  	[smem:$0x3FAE] =	sst s6  }
0xf: {  	[smem:$0x3FAF] =	sst s7  }
0x10: {  	[smem:$0x3FB0] =	sst s8  }
0x11: {  	[smem:$0x3FB1] =	sst s9;
	s0 =	simm.s32 @!p0 $0x0  }
0x12: {  	s1 =	sld [smem:$0x3F97];
	s0 =	simm.s32 @p0 $0x1  }
0x13: {  	[smem:$0x3FB2] =	sst s0;
	s0 =	simm.s32 @!p1 $0x0  }
0x14: {  	s2 =	sld [smem:$0x3F96];
	s0 =	simm.s32 @p1 $0x1  }
0x15: {  	[smem:$0x3FB3] =	sst s0;
	s0 =	simm.s32 @!p2 $0x0  }
0x16: {  	s3 =	sld [smem:$0x3FDB];
	s0 =	simm.s32 @p2 $0x1  }
0x17: {  	s4 =	simm.s32 $0x1BF5;
	[smem:$0x3FB5] =	sst s0  }
0x18: {  	s0 =	sld [smem:$0x3F98];
	_ =	swait.ge [sflag:s4], $0x0  }
0x19: {  	s7 =	sld [smem:$0x3F99]  }
0x1a: {  	s8 =	sadd.s32 $0xFFFFE003, lr  }
0x1b: {  	s9 =	sadd.s32 $0xFFFFFEF7, lr;
	s5 =	simm.s32 $0xFFFFFFFF;
	p2 =	slt.u32 s8, $0xFFFFF086  }
0x1c: {  	p1 =	slt.u32 s9, $0xF7A;
	s5 =	simm.s32 @!p2 $0x0  }
0x1d: {  	s5 =	simm.s32 @p1 $0x1;
	p0 =	seq.s32 s7, s2  }
0x1e: {  	s7 =	smul.u32 @!p0 $0xF7A, s2;
	p2 =	seq.s32 @!p0 s5, $0x0  }
0x1f: {  	s9 =	smul.u32 $0xF7A, s1;
	s8 =	simm.s32 @!p0 $0x1BF5;
	p2 =	por !p2, p0  }
0x20: {  	[sflag:s8] =	ssyncset.s32 @!p0 $0xFFFFF086;
	s6 =	sadd.s32 @!p0 s3, s7;
	s7 =	simm.s32 @!p0 $0x108  }
0x21: {  	s3 =	sadd.s32 s3, s9;
	s6 =	sadd.s32 @!p0 $0x88, s6;
	s7 =	simm.s32 @p2 $0x1082  }
0x22: {  	[simem:s7], [sflag:s8] =	dma.local @!p0 [hbm:s6], $0xF7A  }
0x23: {  	s9 =	sor.u32 $0xD0000000, s2;
	s6 =	simm.s32 $0x108;
	_ =	swait.ge @!p0 [sflag:s8], $0x0  }
0x24: {  	s3 =	sadd.s32 $0x88, s3;
	s6 =	simm.s32 @!p1 $0x1082;
	[sflag:s4] =	ssyncset.s32 $0xFFFFF086  }
0x25: {  	[simem:s6], [sflag:s4] =	dma.local [hbm:s3], $0xF7A  }
0x26: {  	[smem:$0x3F99] =	sst s1;
	(tag) =	ssettag s2;
	_ =	strace s9  }
0x27: {  	s1 =	sld [smem:$0x3FA9]  }
0x28: {  	s2 =	sld [smem:$0x3FAA]  }
0x29: {  	s4 =	sld [smem:$0x3FAC]  }
0x2a: {  	p0 =	seq.s32 s5, $0x0;
	s5 =	sld [smem:$0x3FAD]  }
0x2b: {  	s6 =	sld [smem:$0x3FAE]  }
0x2c: {  	s7 =	sld [smem:$0x3FAF]  }
0x2d: {  	s3 =	simm.s32 $0x108;
	s8 =	sld [smem:$0x3FB0]  }
0x2e: {  	s3 =	simm.s32 @!p0 $0x1082;
	s9 =	sld [smem:$0x3FB1]  }
0x2f: {  	lr =	sadd.s32 s0, s3;
	s0 =	sld [smem:$0x3FA8]  }
0x30: {  	s3 =	sld [smem:$0x3FAB]  }
0x31: {  	[smem:$0x3FB4] =	sst s10  }
0x32: {  	s10 =	sld [smem:$0x3FB2];
	_ =	sdelay $0x3  }
0x33: {  	p0 =	seq.s32 s10, $0x1;
	s10 =	sld [smem:$0x3FB4];
	_ =	sdelay $0x3  }
0x34: {  	[smem:$0x3FB4] =	sst s10  }
0x35: {  	s10 =	sld [smem:$0x3FB3];
	_ =	sdelay $0x3  }
0x36: {  	p1 =	seq.s32 s10, $0x1;
	s10 =	sld [smem:$0x3FB4];
	_ =	sdelay $0x3  }
0x37: {  	[smem:$0x3FB4] =	sst s10  }
0x38: {  	s10 =	sld [smem:$0x3FB5]  }
0x39: {  	_ = 	snop;
	(pc) =	sbr.ind lr, $3  }
0x3a: {  	_ = 	snop  }
0x3b: {  	_ = 	snop  }
0x3c: {  	p2 =	seq.s32 s10, $0x1;
	s10 =	sld [smem:$0x3FB4]  }
0x3d: {  	_ =	shalt  }
0x3e: {  	_ =	shalt  }
0x3f: {  	_ =	shalt  }
0x40: {  	_ =	shalt  }
0x41: {  	_ =	shalt  }
0x42: {  	_ =	shalt  }
0x43: {  	_ =	shalt  }
0x44: {  	_ =	shalt  }
0x45: {  	_ =	shalt  }
0x46: {  	_ =	shalt  }
0x47: {  	_ =	shalt  }
0x48: {  	_ =	shalt  }
0x49: {  	_ =	shalt  }
0x4a: {  	_ =	shalt  }
0x4b: {  	_ =	shalt  }
0x4c: {  	_ =	shalt  }
0x4d: {  	_ =	shalt  }
0x4e: {  	_ =	shalt  }
0x4f: {  	_ =	shalt  }
0x50: {  	_ =	shalt  }
0x51: {  	_ =	shalt  }
0x52: {  	_ =	shalt  }
0x53: {  	_ =	shalt  }
0x54: {  	_ =	shalt  }
0x55: {  	_ =	shalt  }
0x56: {  	_ =	shalt  }
0x57: {  	_ =	shalt  }
0x58: {  	_ =	shalt  }
0x59: {  	_ =	shalt  }
0x5a: {  	_ =	shalt  }
0x5b: {  	_ =	shalt  }
0x5c: {  	_ =	shalt  }
0x5d: {  	_ =	shalt  }
0x5e: {  	_ =	shalt  }
0x5f: {  	_ =	shalt  }
0x60: {  	_ =	shalt  }
0x61: {  	_ =	shalt  }
0x62: {  	_ =	shalt  }
0x63: {  	_ =	shalt  }
0x64: {  	_ =	shalt  }
0x65: {  	_ =	shalt  }
0x66: {  	_ =	shalt  }
0x67: {  	_ =	shalt  }
0x68: {  	_ =	shalt  }
0x69: {  	_ =	shalt  }
0x6a: {  	_ =	shalt  }
0x6b: {  	_ =	shalt  }
0x6c: {  	_ =	shalt  }
0x6d: {  	_ =	shalt  }
0x6e: {  	_ =	shalt  }
0x6f: {  	_ =	shalt  }
0x70: {  	_ =	shalt  }
0x71: {  	_ =	shalt  }
0x72: {  	_ =	shalt  }
0x73: {  	_ =	shalt  }
0x74: {  	_ =	shalt  }
0x75: {  	_ =	shalt  }
0x76: {  	_ =	shalt  }
0x77: {  	_ =	shalt  }
0x78: {  	_ =	shalt  }
0x79: {  	_ =	shalt  }
0x7a: {  	_ =	shalt  }
0x7b: {  	_ =	shalt  }
0x7c: {  	_ =	shalt  }
0x7d: {  	_ =	shalt  }
0x7e: {  	_ =	shalt  }
0x7f: {  	_ =	shalt  }
0x80: {  	_ =	shalt  }
0x81: {  	_ =	shalt  }
0x82: {  	_ =	shalt  }
0x83: {  	_ =	shalt  }
0x84: {  	_ =	shalt  }
0x85: {  	_ =	shalt  }
0x86: {  	_ =	shalt  }
0x87: {  	_ =	shalt  }
.Lfunc_end0:
.L_simem_size_0:
called_computation_lowered:
.L_overlay_start_0:
0x88: {  	s0 =	sld [smem:$0x3FD9]  }
0x89: {  	s1 =	sld [smem:$0x3FFE];
	_ =	sdelay $0x3  }
0x8a: {  	s0 =	sadd.s32 s1, s0  }
0x8b: {  	[smem:$0x3FC0] =	sst s0  }
0x8c: {  	_ = 	snop  }
0x8d: {  	(tm) =	ssettm $0x1  }
0x8e: {  	s15 =	sld [smem:$0x3FFB];
	_ =	sdelay $0x3  }
0x8f: {  	_ =	strace s15  }
0x90: {  	s0 =	sld [smem:$0x3FFC];
	_ =	sdelay $0x3  }
0x91: {  	_ =	strace s0  }
0x92: {  	s0 =	sld [smem:$0x3FFD];
	_ =	sdelay $0x3  }
0x93: {  	_ =	strace s0  }
0x94: {  	_ =	strace $0x8FFFFFFF  }
0x95: {  	s16 =	sld [smem:$0x3FDB];
	_ =	sdelay $0x1  }
0x96: {  	s17 =	simm.s32 $_scs_section_size  }
0x97: {  	s2 =	simm.s32 $_size__tile_overlayer_lowered;
	s3 =	simm.s32 $_tile_overlayer_lowered  }
0x98: {  	s20 =	simm.s32 $0x1BFF;
	s19 =	sshll.u32 s3, $0x1;
	s0 =	sadd.s32 s17, s16  }
0x99: {  	s4 =	simm.s32 $0x0;
	s18 =	sshll.u32 s2, $0x1;
	s2 =	sadd.s32 s19, s0  }
0x9a: {  	[timem:s4], [sflag:s20] =	dma.local [hbm:s2], s18  }
0x9b: {  	_ =	swait.ge [sflag:s20], s18  }
0x9c: {  	s1 =	ssub.s32 $0x0, s18;
	[sflag:s20] =	ssyncset.done $0x0  }
0x9d: {  	[sflag:s20] =	ssyncadd.s32 s1;
	_ =	sdelay $0x1  }
0x9e: {  	s21 =	simm.s32 $0x1B8B  }
0x9f: {  	_ =	swait.ge [sflag:s21], $0x1  }
0xa0: {  	[sflag:s21] =	ssyncset.done $0x0  }
0xa1: {  	s23 =	simm.s32 $0x1B8E;
	s22 =	sld [smem:$0x3FFE];
	[sflag:s21] =	ssyncadd.s32 $0xFFFFFFFF  }
0xa2: {  	s24 =	simm.s32 $execute0_lowered;
	[smem:$0x3FD2] =	sst s23  }
0xa3: {  	s2 =	sshll.u32 s24, $0x1;
	_ =	strace $0x80000049;
	[dreg:$0x1] =	wrdreg $0xFFFFFFFF  }
0xa4: {  	s25 =	simm.s32 $_size_execute0_lowered;
	s0 =	sadd.s32 s0, s2;
	[dreg:$0x0] =	wrdreg $0x0  }
0xa5: {  	s2 =	sshll.u32 s25, $0x1;
	[dreg:$0x2] =	wrdreg s0  }
0xa6: {  	[dreg:$0x3] =	wrdreg s2  }
0xa7: {  	[dreg:$0x4] =	wrdreg $0xC0  }
0xa8: {  	_ =	task [dreg:s4], $0x5FFFF  }
0xa9: {  	[dreg:$0x1] =	wrdreg $0xFFFFFFFF  }
0xaa: {  	[dreg:$0x0] =	wrdreg $0x60  }
0xab: {  	[dreg:$0x2] =	wrdreg s22  }
0xac: {  	[dreg:$0x3] =	wrdreg $0x9  }
0xad: {  	_ =	task.clear_ibuf [dreg:s4], $0x4FFFF;
	_ =	strace $0x90000049  }
0xae: {  	s26 =	simm.s32 $0x9;
	_ =	strace $0x8000004B  }
0xaf: {  	_ =	swait.ge [sflag:s26], $0x1  }
0xb0: {  	[sflag:s26] =	ssyncadd.s32 $0xFFFFFFFF  }
0xb1: {  	_ =	strace $0x9000004B  }
0xb2: {  	_ =	sfence  }
0xb3: {  	s28 =	sld [smem:$0x0];
	_ =	sdelay $0x1  }
0xb4: {  	s29 =	srdreg.scid  }
0xb5: {  	s30 =	sshll.u32 s29, $0xD;
	s31 =	sshrl.u32 s29, $0x2  }
0xb6: {  	s1 =	sand.u32 $0x1, s29;
	s2 =	sand.u32 $0x4000, s30;
	s0 =	sadd.s32 s31, s28  }
0xb7: {  	s1 =	sor.u32 s2, s1;
	s0 =	sshll.u32 s0, $0x11  }
0xb8: {  	s0 =	sor.u32 s0, s1  }
0xb9: {  	s0 =	sadd.s32 $0x8F2B, s0  }
0xba: {  	[sflag:s0] =	ssyncadd.remote.s32 $0x1  }
0xbb: {  	_ =	sfence.sel $0xFFFF  }
0xbc: {  	[dreg:$0x0] =	wrdreg $0xFFFFFFFF;
	(pc) =	sbr.abs _section_cstart, $3  }
0xbd: {  	[dreg:$0x1] =	wrdreg $0xFFFFFFFF  }
0xbe: {  	_ =	task.clear_ibuf [dreg:s4], $0x2FFFF;
	_ =	strace $0x9FFFFFFF  }
0xbf: {  	(tm) =	ssettm $0x7FFFFFFF  }
tec
execute0_lowered:
.L_overlay_start_1:
0x0: {  	(tag) =	ssettag $0x1  }
0x1: {  	s0 =	rddreg [dreg:$0x0];
	_ =	strace $0x8000004A;
	s1 =	simm.s32 $0x1  }
0x2: {  	s8 =	simm.s32 $0x88;
	v0 =	vimm.s32 $0x0;
	[sflag:s1] =	ssyncpa.u1 $0x0  }
0x3: {  	[tilespmem:s8+$0x30] =	vst v0  }
0x4: {  	s1 =	sadd.s32 $0xD4000, s0;
	s3 =	sadd.s32 $0xD600, s0;
	[tilespmem:s8+$0x20] =	vst v0  }
0x5: {  	s4 =	sadd.s32 $0x10A00, s0;
	s5 =	sadd.s32 $0xF000, s0;
	s0 =	simm.s32 $0x40;
	[tilespmem:s8+$0x10] =	vst v0  }
.LBB2_1:
0x6: {  	s0 =	sadd.s32 $0x40, s0  }
0x7: {  	[tilespmem:s8+$0x0] =	vst v0;
	s8 =	sadd.s32 $0x40, s8;
	p0 =	slt.u32 s0, $0x5040  }
.Ltmp0:
0x8: {  	(pc) =	sbr.rel @p0 .LBB2_1-.Ltmp0, $4  }
0x9: {  	_ = 	snop  }
0xa: {  	[tilespmem:s8+$0x30] =	vst v0  }
0xb: {  	[tilespmem:s8+$0x20] =	vst v0  }
0xc: {  	[tilespmem:s8+$0x10] =	vst v0  }
0xd: {  	s9 =	stileid.u32  }
0xe: {  	s0 =	smul.u32 $0x9, s9  }
0xf: {  	s2 =	smin.u32 s9, $0xD  }
0x10: {  	s0 =	sadd.s32 s2, s0  }
0x11: {  	p0 =	slt.u32 s9, $0xD;
	s6 =	smul.u32 $0x140, s0;
	s0 =	simm.s32 $0xC80  }
0x12: {  	s0 =	simm.s32 @!p0 $0xB40  }
0x13: {  	s0 =	sadd.s32 s0, s6  }
0x14: {  	s7 =	smin.u32 s0, $0xC350  }
0x15: {  	s0 =	ssub.s32 s7, s6  }
0x16: {  	p0 =	sgt.s32 s0, $0x0  }
0x17: {  	s0 =	simm.s32 @!p0 $0x0  }
0x18: {  	s29 =	simm.s32 $0x2;
	s10 =	simm.s32 $0x7;
	s28 =	smul.u32 $0xCCCD, s0  }
0x19: {  	s31 =	simm.s32 $0x8;
	s11 =	simm.s32 $0x1;
	s15 =	simm.s32 $0x0  }
0x1a: {  	p1 =	por $0x0, $0x0;
	s16 =	simm.s32 $0xA;
	s2 =	sshrl.u32 s28, $0x18  }
0x1b: {  	s20 =	simm.s32 $0x0;
	s17 =	simm.s32 $0x0;
	s30 =	smul.u32 $0x140, s2  }
.Ltmp1:
0x1c: {  	[tilespmem:s8+$0x0] =	vst v0;
	v0 =	vimm.s32 $0xFFFFFFFF;
	s19 =	simm.s32 $0x0;
	[sflag:s29] =	ssyncpa.u1 $0x0;
	(pc) =	sbr.rel .LBB2_3-.Ltmp1, $4  }
0x1d: {  	[tilespmem:$0xA108] =	vst v0;
	[sflag:s10] =	ssyncpa.u1 $0x0;
	p0 =	sne.s32 s0, s30;
	s0 =	simm.s32 $0x1  }
0x1e: {  	s10 =	simm.s32 $0x9;
	[sflag:s31] =	ssyncpa.u1 $0x0;
	s0 =	simm.s32 @!p0 $0x0  }
0x1f: {  	s13 =	sshll.u32 s9, $0x7;
	[sflag:s10] =	ssyncpa.u1 $0x0;
	s12 =	sadd.s32 s2, s0  }
0x20: {  	v0 =	vlaneseq.u32;
	s18 =	smov.u32 s6;
	p0 =	por $0x1, $0x1;
	s14 =	sadd.s32 $0x1, s12  }
.LBB2_24:
0x21: {  	s0 =	sshrl.u32 s29, $0x2  }
.LBB2_26:
0x22: {  	_ =	swait.ge [sflag:s16], s0  }
0x23: {  	s31 =	ssub.s32 $0x0, s0;
	v1 =	vmov s22;
	vm0 =	veq.s32 v0, $0x0;
	[sflag:s16] =	ssyncset.done $0x0  }
0x24: {  	vm15 =	veq.s32 v0, $0x2;
	v1 =	vsel vm0, s28, v1;
	[sflag:s16] =	ssyncadd.s32 s31  }
0x25: {  	v1 =	vsel vm15, s20, v1;
	[sflag:s16] =	ssyncpa.u1 $0x1  }
0x26: {  	[tilespmem:$0xA108] =	vst v1  }
.LBB2_27:
0x27: {  	s0 =	sadd.s32 $0x140, s18  }
0x28: {  	s2 =	smov.u32 s6;
	p2 =	slt.s32 s0, s7  }
0x29: {  	s2 =	smov.u32 @p2 s0;
	p2 =	sne.s32 s19, s14  }
.Ltmp2:
0x2a: {  	_ = 	snop;
	(pc) =	sbr.rel @!p2 .LBB2_28-.Ltmp2, $4  }
0x2b: {  	_ = 	snop  }
0x2c: {  	s20 =	smov.u32 s17  }
0x2d: {  	s31 =	sadd.s32 $0x1, s19;
	s17 =	smov.u32 s18;
	p0 =	por !p0, !p0  }
0x2e: {  	p1 =	por !p1, !p1;
	s19 =	smov.u32 s31;
	s18 =	smov.u32 s2  }
.LBB2_3:
0x2f: {  	p2 =	sge.u32 s19, s12  }
0x30: {  	s0 =	smulhi.u32 @!p2 $0xAAAAAAAB, s19  }
0x31: {  	s2 =	smov.u32 s18;
	p3 =	sgt.s32 @!p2 s18, $0xC210  }
0x32: {  	s8 =	sshra.s32 @!p2 s18, $0x1F;
	p3 =	por !p3, p2;
	s0 =	sshrl.u32 @!p2 s0, $0x1  }
0x33: {  	s8 =	sand.u32 @!p2 s8, s18;
	s2 =	simm.s32 @p3 $0xC210;
	s0 =	smul.u32 @!p2 $0x3, s0  }
0x34: {  	s2 =	ssub.s32 @!p2 s2, s8  }
0x35: {  	s22 =	sadd.s32 $0xFFFFFFFF, s19;
	s2 =	sadd.s32 @!p2 $0xFFFF3DF0, s2;
	s0 =	ssub.s32 @!p2 s19, s0  }
0x36: {  	s8 =	sshll.u32 @!p2 s2, $0x2;
	p3 =	sgt.s32 @!p2 s2, $0x13F;
	s0 =	smul.u32 @!p2 $0x500, s0  }
0x37: {  	s21 =	sand.u32 @!p2 $0x7, s18;
	s2 =	ssub.s32 @!p2 $0x500, s8;
	p3 =	por !p3, p2  }
0x38: {  	s8 =	sshrl.u32 @!p2 s18, $0x3;
	s2 =	sshrl.u32 @!p2 s2, $0x2;
	s0 =	sshrl.u32 @!p2 s0, $0x2  }
0x39: {  	s8 =	sadd.s32 @!p2 s5, s8;
	s2 =	simm.s32 @!p3 $0x0;
	s0 =	sadd.s32 @!p2 $0xA938, s0  }
0x3a: {  	[tilespmem:s0], [sflag:$0x8] =	stream.linear.gather @!p2 [hbm4b:s8+s21], s2, $0x38;
	[tilespmem:$0x1EF78] =	vst v63  }
0x3b: {  	p2 =	sge.u32 s22, s12  }
0x3c: {  	p3 =	sgt.s32 @!p2 s17, $0xC210  }
0x3d: {  	s0 =	smov.u32 s17;
	s2 =	sshra.s32 @!p2 s17, $0x1F;
	p3 =	por !p3, p2  }
0x3e: {  	s2 =	sand.u32 @!p2 s2, s17;
	s0 =	simm.s32 @p3 $0xC210  }
0x3f: {  	s0 =	ssub.s32 @!p2 s0, s2  }
0x40: {  	s0 =	sadd.s32 @!p2 $0xFFFF3DF0, s0  }
0x41: {  	s2 =	sshll.u32 @!p2 s0, $0x2  }
0x42: {  	p3 =	sgt.s32 @!p2 s0, $0x13F;
	s0 =	ssub.s32 @!p2 $0x500, s2  }
0x43: {  	p3 =	por !p3, p2;
	s0 =	sshrl.u32 @!p2 s0, $0x2  }
0x44: {  	s8 =	simm.s32 @!p2 $0x8;
	s2 =	sand.u32 @!p2 $0x1, s22;
	s0 =	simm.s32 @!p3 $0x0  }
0x45: {  	s2 =	smul.u32 @!p2 $0x500, s2;
	_ =	swait.ge @!p2 [sflag:s8], s0  }
0x46: {  	s21 =	ssub.s32 @!p2 $0x0, s0;
	[sflag:s8] =	ssyncset.done @!p2 $0x0  }
0x47: {  	s2 =	sshrl.u32 @!p2 s2, $0x2;
	[sflag:s8] =	ssyncadd.s32 @!p2 s21;
	s8 =	sshrl.u32 @!p2 s17, $0x3  }
0x48: {  	s2 =	sadd.s32 @!p2 $0xACF8, s2;
	s21 =	sand.u32 @!p2 $0x7, s17;
	s8 =	sadd.s32 @!p2 s3, s8  }
0x49: {  	[tilespmem:s2], [sflag:$0x9] =	stream.linear.gather @!p2 [hbm4b:s8+s21], s0, $0x38;
	[tilespmem:$0x1EF78] =	vst v63  }
0x4a: {  	s21 =	ssub.s32 @!p2 $0xC350, s17  }
0x4b: {  	p3 =	slt.s32 @!p2 s21, $0x1  }
0x4c: {  	p3 =	por p2, p3  }
.Ltmp3:
0x4d: {  	_ = 	snop;
	(pc) =	sbr.rel @p3 .LBB2_9-.Ltmp3, $1  }
0x4e: {  	_ =	sdelay $0x3  }
0x4f: {  	s0 =	smulhi.u32 $0xAAAAAAAB, s22;
	_ =	sdelay $0x1  }
0x50: {  	s0 =	sshrl.u32 s0, $0x1  }
0x51: {  	s0 =	smul.u32 $0x3, s0;
	_ =	sdelay $0x1  }
0x52: {  	s0 =	ssub.s32 s22, s0  }
0x53: {  	s2 =	simm.s32 $0x1;
	s0 =	smul.u32 $0x500, s0  }
.Ltmp4:
0x54: {  	s2 =	simm.s32 @!p0 $0x0;
	(pc) =	sbr.rel .LBB2_6-.Ltmp4, $4  }
0x55: {  	s2 =	smul.u32 $0x28000, s2  }
0x56: {  	p3 =	slt.s32 @!p2 s21, $0x140;
	s0 =	sshrl.u32 s0, $0x2  }
0x57: {  	p2 =	por !p3, p2;
	s2 =	sshrl.u32 s2, $0x2;
	s0 =	sadd.s32 $0xA938, s0  }
0x58: {  	s23 =	simm.s32 $0x0;
	s21 =	simm.s32 @p2 $0x140;
	s22 =	sadd.s32 $0xAF78, s2;
	v1 =	vmov s0  }
.LBB2_5:
0x59: {  	p2 =	sge.s32 s23, s21  }
.Ltmp5:
0x5a: {  	_ = 	snop;
	(pc) =	sbr.rel @p2 .LBB2_9-.Ltmp5, $2  }
0x5b: {  	_ =	sdelay $0x2  }
0x5c: {  	s22 =	sadd.s32 $0x800, s22  }
.LBB2_6:
0x5d: {  	p2 =	sle.s32 s21, s23  }
.Ltmp6:
0x5e: {  	_ = 	snop;
	(pc) =	sbr.rel @p2 .LBB2_5-.Ltmp6, $2  }
0x5f: {  	_ =	sdelay $0x2  }
0x60: {  	s24 =	smov.u32 s23;
	s23 =	sadd.s32 $0x10, s23  }
0x61: {  	s0 =	ssub.s32 s21, s24  }
0x62: {  	p2 =	slt.s32 s0, $0x10  }
0x63: {  	s0 =	simm.s32 @!p2 $0x10  }
0x64: {  	v2 =	vmov s0  }
0x65: {  	vm0 =	vgt.s32 v2, v0;
	_ =	sdelay $0x5  }
0x66: {  	v2 =	vld.idx.msk [tilespmem:v1+s24+$0x0 ss:$0x1], vm0;
	_ =	sdelay $0x2  }
0x67: {  	p2 =	slt.s32 s23, s21;
	s0 =	smov.u32 s21  }
0x68: {  	s2 =	smov.u32 s22;
	s25 =	simm.s32 $0x0;
	s0 =	smov.u32 @p2 s23  }
.LBB2_8:
0x69: {  	(v2sf) =	vpush v2, s25;
	_ =	sdelay $0xc  }
0x6a: {  	s25 =	sadd.s32 $0x1, s25  }
0x6b: {  	s31 =	sadd.s32 s25, s24  }
0x6c: {  	p2 =	slt.s32 s31, s0;
	s8 =	spop (v2sf)  }
.Ltmp7:
0x6d: {  	s8 =	sshll.u32 s8, $0x4;
	(pc) =	sbr.rel @p2 .LBB2_8-.Ltmp7, $4  }
0x6e: {  	s8 =	sand.u32 $0x1FFFFFF0, s8  }
0x6f: {  	s8 =	sadd.s32 s4, s8  }
0x70: {  	[tilespmem:s2], [sflag:$0x7] =	stream.linear.gather [hbm4b:s8+s15], $0x40, $0x38;
	[tilespmem:$0x1EF78] =	vst v63  }
0x71: {  	s2 =	sadd.s32 $0x80, s2  }
.Ltmp8:
0x72: {  	_ = 	snop;
	(pc) =	sbr.rel .LBB2_5-.Ltmp8, $1  }
0x73: {  	_ =	sdelay $0x3  }
.LBB2_9:
0x74: {  	p2 =	slt.u32 s19, $0x2  }
.Ltmp9:
0x75: {  	_ = 	snop;
	(pc) =	sbr.rel @p2 .LBB2_27-.Ltmp9, $1  }
0x76: {  	_ =	sdelay $0x3  }
0x77: {  	p2 =	sgt.s32 s20, $0xC210;
	s0 =	smov.u32 s20  }
0x78: {  	s2 =	sshra.s32 s20, $0x1F;
	s8 =	ssub.s32 $0xC350, s20;
	s0 =	simm.s32 @!p2 $0xC210  }
0x79: {  	s2 =	sand.u32 s2, s20;
	p2 =	slt.s32 s8, $0x140;
	s21 =	smov.u32 s8  }
0x7a: {  	s0 =	ssub.s32 s0, s2;
	s21 =	simm.s32 @!p2 $0x140  }
0x7b: {  	s0 =	sadd.s32 $0xFFFF3DF0, s0;
	s26 =	sshll.u32 s21, $0x6  }
0x7c: {  	s9 =	simm.s32 $0x7;
	s29 =	sshll.u32 s0, $0x2;
	s2 =	sand.u32 $0x3FFFFFC0, s26  }
0x7d: {  	p2 =	sgt.s32 s0, $0x13F;
	s30 =	ssub.s32 $0x500, s29;
	_ =	swait.ge [sflag:s9], s2  }
0x7e: {  	s2 =	ssub.s32 $0x0, s2;
	[sflag:s9] =	ssyncset.done $0x0;
	s0 =	sshrl.u32 s30, $0x2  }
0x7f: {  	[sflag:s9] =	ssyncadd.s32 s2;
	s0 =	simm.s32 @p2 $0x0  }
0x80: {  	_ =	swait.ge [sflag:s10], s0  }
0x81: {  	s0 =	ssub.s32 $0x0, s0;
	[sflag:s10] =	ssyncset.done $0x0  }
0x82: {  	[sflag:s10] =	ssyncadd.s32 s0  }
0x83: {  	v1 =	vld [tilespmem:$0xA108];
	_ =	sdelay $0x4  }
0x84: {  	(v2sf) =	vpush v1, $0x0  }
0x85: {  	(v2sf) =	vpush v1, $0x1  }
0x86: {  	(v2sf) =	vpush v1, $0x2;
	_ =	sdelay $0x3  }
0x87: {  	s0 =	sadd.s32 $0x140, s20  }
0x88: {  	p2 =	slt.s32 s7, s0  }
0x89: {  	s0 =	smov.u32 @p2 s7;
	p2 =	sgt.s32 s8, $0x0  }
0x8a: {  	s24 =	ssub.s32 s0, s20;
	s8 =	simm.s32 @!p2 $0x0  }
0x8b: {  	p2 =	slt.s32 s8, s24  }
0x8c: {  	s24 =	smov.u32 @p2 s8  }
0x8d: {  	s23 =	simm.s32 $0x1;
	p2 =	slt.s32 s24, $0x1  }
.Ltmp10:
0x8e: {  	s23 =	simm.s32 @!p1 $0x0;
	(pc) =	sbr.rel @p2 .LBB2_14-.Ltmp10, $4  }
0x8f: {  	s31 =	smul.u32 $0x500, s23  }
0x90: {  	s25 =	spop (v2sf)  }
0x91: {  	s0 =	sshrl.u32 s31, $0x2;
	s28 =	spop (v2sf)  }
0x92: {  	s21 =	sadd.s32 $0xACF8, s0;
	s20 =	spop (v2sf)  }
0x93: {  	s0 =	smin.u32 s24, $0x10  }
0x94: {  	v1 =	vmov s0  }
0x95: {  	p3 =	sgt.s32 s24, $0x10;
	vm1 =	vgt.u32 v1, v0  }
.Ltmp11:
0x96: {  	_ = 	snop;
	(pc) =	sbr.rel @!p3 .LBB2_13-.Ltmp11, $2  }
0x97: {  	_ =	sdelay $0x2  }
0x98: {  	s26 =	simm.s32 $0x10;
	s29 =	sadd.s32 $0xFFFFFFF0, s24;
	s22 =	smov.u32 s21;
	vm0 =	vmmov vm1  }
.LBB2_12:
0x99: {  	s0 =	smin.u32 s29, $0x10;
	s26 =	sadd.s32 $0x10, s26;
	v1 =	vld.msk [tilespmem:s22+$0x0 ss:$0x1], vm1  }
0x9a: {  	v2 =	vmov s0;
	p3 =	slt.s32 s26, s24  }
0x9b: {  	vm1 =	vgt.u32 v2, v0  }
.Ltmp12:
0x9c: {  	(pc) =	sbr.rel @p3 .LBB2_12-.Ltmp12, $3  }
0x9d: {  	_ =	sdelay $0x1  }
0x9e: {  	v1 =	vshll.u32 v1, $0x4  }
0x9f: {  	s29 =	sadd.s32 $0xFFFFFFF0, s29;
	[tilespmem:s22+$0x0] =	vst.msk vm0, v1;
	s22 =	sadd.s32 $0x10, s22;
	vm0 =	vmmov vm1  }
.LBB2_13:
0xa0: {  	_ =	sdelay $0x4  }
0xa1: {  	v1 =	vld.msk [tilespmem:s22+$0x0 ss:$0x1], vm1;
	_ =	sdelay $0x4  }
0xa2: {  	v1 =	vshll.u32 v1, $0x4  }
0xa3: {  	[tilespmem:s22+$0x0] =	vst.msk vm0, v1  }
.LBB2_14:
0xa4: {  	s0 =	sand.u32 $0x1, s19  }
0xa5: {  	s2 =	smul.u32 $0xA000, s0  }
0xa6: {  	p3 =	sne.s32 s28, $0xFFFFFFFF;
	s0 =	smul.u32 $0x140, s0  }
0xa7: {  	v1 =	vld @!p3 [tilespmem:s2+$0xAF78]  }
0xa8: {  	v2 =	vld.msk @!p3 [tilespmem:s0+$0xACF8], $0x1;
	_ =	sdelay $0x3  }
0xa9: {  	[tilespmem:$0x88] =	vst @!p3 v1  }
0xaa: {  	(v2sf) =	vpush @!p3 v2, $0x0;
	v1 =	vld @!p3 [tilespmem:s2+$0xAF88];
	_ =	sdelay $0x4  }
0xab: {  	[tilespmem:$0x98] =	vst @!p3 v1  }
0xac: {  	v1 =	vld @!p3 [tilespmem:s2+$0xAF98];
	_ =	sdelay $0x4  }
0xad: {  	[tilespmem:$0xA8] =	vst @!p3 v1  }
0xae: {  	v1 =	vld @!p3 [tilespmem:s2+$0xAFA8]  }
.Ltmp13:
0xaf: {  	_ = 	snop;
	(pc) =	sbr.rel @p2 .LBB2_25-.Ltmp13, $4  }
0xb0: {  	_ = 	snop  }
0xb1: {  	s26 =	spop @!p3 (v2sf)  }
0xb2: {  	s20 =	simm.s32 @!p3 $0x0;
	s22 =	smov.u32 s26  }
0xb3: {  	s26 =	smov.u32 @p3 s25;
	s22 =	smov.u32 @p3 s28;
	[tilespmem:$0xB8] =	vst @!p3 v1;
	[sflag:s16] =	ssyncpa.u1 $0x0  }
0xb4: {  	v1 =	vld.msk [tilespmem:s21+$0x0], $0x1;
	_ =	sdelay $0x4  }
0xb5: {  	(v2sf) =	vpush v1, $0x0;
	_ =	sdelay $0xe  }
0xb6: {  	s0 =	smul.u32 $0x28000, s23;
	s30 =	spop (v2sf)  }
0xb7: {  	s24 =	ssub.s32 $0x0, s24;
	p2 =	seq.s32 s26, s30  }
0xb8: {  	s28 =	sadd.s32 $0x1, s24;
	s0 =	sshrl.u32 s0, $0x2;
	p3 =	sgt.s32 @!p2 s26, $0x0  }
0xb9: {  	s23 =	sadd.s32 $0xAF98, s0;
	s0 =	smov.u32 s26;
	p3 =	por !p3, p2  }
0xba: {  	s0 =	simm.s32 @p3 $0x0;
	p3 =	seq.s32 s28, $0x0  }
.Ltmp14:
0xbb: {  	_ = 	snop;
	(pc) =	sbr.rel @p3 .LBB2_17-.Ltmp14, $4  }
0xbc: {  	_ = 	snop  }
0xbd: {  	s25 =	simm.s32 $0x0;
	s31 =	simm.s32 @!p2 $0x1;
	s2 =	smin.u32 @!p2 s0, $0x30D78  }
0xbe: {  	s29 =	sadd.s32 $0x1, s21;
	s31 =	smov.u32 @p2 s25;
	s8 =	sand.u32 @!p2 $0x3FFF8, s2  }
0xbf: {  	s0 =	simm.s32 @!p2 $0x50C8;
	s2 =	sand.u32 @!p2 $0x7, s2;
	s8 =	sadd.s32 @!p2 s1, s8  }
.LBB2_16:
0xc0: {  	s9 =	smov.u32 s31  }
0xc1: {  	[tilespmem:s0], [sflag:$0x2] =	stream.linear.gather @!p2 [hbm4b:s8+s2], $0x40, $0x38;
	[tilespmem:$0x1EF78] =	vst v63  }
0xc2: {  	s28 =	sadd.s32 $0x1, s28;
	s2 =	smov.u32 s30;
	v1 =	vld.msk [tilespmem:s29+$0x0], $0x1  }
0xc3: {  	p3 =	seq.s32 s28, $0x0;
	_ =	sdelay $0x3  }
0xc4: {  	(v2sf) =	vpush v1, $0x0;
	_ =	sdelay $0xe  }
0xc5: {  	s30 =	spop (v2sf)  }
0xc6: {  	p2 =	seq.s32 s2, s30  }
0xc7: {  	p4 =	sgt.s32 @!p2 s2, $0x0;
	s0 =	sshll.u32 @!p2 s31, $0x8;
	s31 =	sadd.s32 @!p2 $0x1, s31  }
.Ltmp15:
0xc8: {  	p4 =	por !p4, p2;
	s0 =	sshra.s32 @!p2 s0, $0x2;
	(pc) =	sbr.rel @!p3 .LBB2_16-.Ltmp15, $4  }
0xc9: {  	s31 =	smov.u32 @p2 s9;
	s2 =	simm.s32 @p4 $0x0;
	s0 =	sadd.s32 @!p2 $0x50C8, s0  }
0xca: {  	s2 =	smin.u32 @!p2 s2, $0x30D78  }
0xcb: {  	s8 =	sand.u32 @!p2 $0x3FFF8, s2;
	s2 =	sand.u32 @!p2 $0x7, s2  }
0xcc: {  	s29 =	sadd.s32 $0x1, s29;
	s8 =	sadd.s32 @!p2 s1, s8  }
.LBB2_17:
0xcd: {  	[tilespmem:s0], [sflag:$0x2] =	stream.linear.gather @!p2 [hbm4b:s8+s2], $0x40, $0x38;
	[tilespmem:$0x1EF78] =	vst v63  }
.Ltmp16:
0xce: {  	s30 =	sshll.u32 s31, $0x6;
	(pc) =	sbr.rel .LBB2_18-.Ltmp16, $4  }
0xcf: {  	s31 =	simm.s32 $0x2;
	s0 =	sand.u32 $0x3FFFFFC0, s30  }
0xd0: {  	_ =	swait.ge [sflag:s31], s0  }
0xd1: {  	s0 =	ssub.s32 $0x0, s0;
	[sflag:s31] =	ssyncset.done $0x0  }
0xd2: {  	s29 =	simm.s32 $0x0;
	[sflag:s31] =	ssyncadd.s32 s0  }
.LBB2_19:
0xd3: {  	v1 =	vld [tilespmem:s23+$0xFFFFFFE0]  }
0xd4: {  	v2 =	vld [tilespmem:s30+$0x88];
	_ =	sdelay $0x4  }
0xd5: {  	v1 =	vmax.f32 v1, v2  }
0xd6: {  	v2 =	vld [tilespmem:s30+$0x98];
	[tilespmem:s30+$0x88] =	vst v1  }
0xd7: {  	v1 =	vld [tilespmem:s23+$0xFFFFFFF0];
	_ =	sdelay $0x4  }
0xd8: {  	v1 =	vmax.f32 v1, v2  }
0xd9: {  	v2 =	vld [tilespmem:s30+$0xA8];
	[tilespmem:s30+$0x98] =	vst v1  }
0xda: {  	v1 =	vld [tilespmem:s23+$0x0];
	_ =	sdelay $0x4  }
0xdb: {  	v1 =	vmax.f32 v1, v2  }
0xdc: {  	v2 =	vld [tilespmem:s30+$0xB8];
	[tilespmem:s30+$0xA8] =	vst v1  }
0xdd: {  	v1 =	vld [tilespmem:s23+$0x10];
	_ =	sdelay $0x4  }
0xde: {  	v1 =	vmax.f32 v1, v2  }
0xdf: {  	[tilespmem:s30+$0xB8] =	vst v1  }
.LBB2_23:
0xe0: {  	s24 =	sadd.s32 $0x1, s24  }
0xe1: {  	p2 =	seq.s32 s24, $0x0  }
.Ltmp17:
0xe2: {  	_ = 	snop;
	(pc) =	sbr.rel @p2 .LBB2_24-.Ltmp17, $2  }
0xe3: {  	_ =	sdelay $0x2  }
0xe4: {  	s23 =	sadd.s32 $0x80, s23;
	s21 =	sadd.s32 $0x1, s21;
	s26 =	smov.u32 s28  }
.LBB2_18:
0xe5: {  	v1 =	vld.msk [tilespmem:s21+$0x0], $0x1;
	_ =	sdelay $0x4  }
0xe6: {  	(v2sf) =	vpush v1, $0x0;
	_ =	sdelay $0xe  }
0xe7: {  	s28 =	spop (v2sf)  }
0xe8: {  	p2 =	sne.s32 s26, s28  }
.Ltmp18:
0xe9: {  	_ = 	snop;
	(pc) =	sbr.rel @!p2 .LBB2_19-.Ltmp18, $3  }
0xea: {  	_ =	sdelay $0x1  }
0xeb: {  	s0 =	sshll.u32 s20, $0x8  }
0xec: {  	s30 =	sshra.s32 s0, $0x2  }
0xed: {  	p2 =	seq.s32 s26, s22  }
.Ltmp19:
0xee: {  	_ = 	snop;
	(pc) =	sbr.rel @!p2 .LBB2_21-.Ltmp19, $1  }
0xef: {  	_ =	sdelay $0x3  }
.Ltmp20:
0xf0: {  	s0 =	sadd.s32 $0x88, s30;
	(pc) =	sbr.rel .LBB2_22-.Ltmp20, $4  }
0xf1: {  	[spmem:s13] =	stream.linear.scatter [tilespmem:s0], [sflag:$0x1], $0x40, $0x38;
	[tilespmem:$0x1EF78] =	vst v63  }
0xf2: {  	_ =	swait.ge [sflag:s11], $0x40  }
0xf3: {  	[sflag:s11] =	ssyncset.done $0x0  }
0xf4: {  	[sflag:s11] =	ssyncadd.s32 $0xFFFFFFC0  }
.LBB2_21:
0xf5: {  	s0 =	sshll.u32 s25, $0x8  }
0xf6: {  	v2 =	vld [tilespmem:s30+$0x88];
	s0 =	sshra.s32 s0, $0x2  }
0xf7: {  	v1 =	vld [tilespmem:s0+$0x50C8];
	_ =	sdelay $0x4  }
0xf8: {  	v1 =	vmax.f32 v1, v2  }
0xf9: {  	v2 =	vld [tilespmem:s30+$0x98];
	[tilespmem:s30+$0x88] =	vst v1  }
0xfa: {  	v1 =	vld [tilespmem:s0+$0x50D8];
	_ =	sdelay $0x4  }
0xfb: {  	v1 =	vmax.f32 v1, v2  }
0xfc: {  	v2 =	vld [tilespmem:s30+$0xA8];
	[tilespmem:s30+$0x98] =	vst v1  }
0xfd: {  	v1 =	vld [tilespmem:s0+$0x50E8];
	_ =	sdelay $0x4  }
0xfe: {  	v1 =	vmax.f32 v1, v2  }
0xff: {  	v2 =	vld [tilespmem:s30+$0xB8];
	[tilespmem:s30+$0xA8] =	vst v1  }
0x100: {  	v1 =	vld [tilespmem:s0+$0x50F8];
	_ =	sdelay $0x3  }
0x101: {  	p2 =	sgt.u32 s26, $0x30D78  }
0x102: {  	s0 =	sand.u32 @!p2 $0x3FFF8, s26;
	v1 =	vmax.f32 v1, v2  }
0x103: {  	s2 =	sadd.s32 $0x88, s30;
	s8 =	sand.u32 @!p2 $0x7, s26;
	s0 =	sadd.s32 @!p2 s1, s0;
	[tilespmem:s30+$0xB8] =	vst v1  }
0x104: {  	[hbm4b:s0+s8] =	stream.linear.scatter @!p2 [tilespmem:s2], [sflag:$0xA], $0x40, $0x38;
	[tilespmem:$0x1EF78] =	vst v63  }
0x105: {  	s0 =	simm.s32 $0x0  }
0x106: {  	s0 =	simm.s32 @!p2 $0x100  }
0x107: {  	s29 =	sadd.s32 s0, s29  }
.LBB2_22:
0x108: {  	s0 =	sadd.s32 $0x1, s20  }
0x109: {  	s2 =	smulhi.u32 $0xCCCCCCCD, s0;
	_ =	sdelay $0x1  }
0x10a: {  	v1 =	vld [tilespmem:s23+$0xFFFFFFE0];
	s2 =	sshrl.u32 s2, $0x8  }
0x10b: {  	s2 =	smul.u32 $0x140, s2;
	_ =	sdelay $0x1  }
0x10c: {  	s20 =	ssub.s32 s0, s2  }
0x10d: {  	s0 =	sshll.u32 s20, $0x6  }
0x10e: {  	[tilespmem:s0+$0x88] =	vst v1  }
0x10f: {  	v1 =	vld [tilespmem:s23+$0xFFFFFFF0];
	_ =	sdelay $0x4  }
0x110: {  	[tilespmem:s0+$0x98] =	vst v1  }
0x111: {  	v1 =	vld [tilespmem:s23+$0x0];
	_ =	sdelay $0x4  }
0x112: {  	[tilespmem:s0+$0xA8] =	vst v1  }
0x113: {  	v1 =	vld [tilespmem:s23+$0x10]  }
.Ltmp21:
0x114: {  	_ = 	snop;
	(pc) =	sbr.rel .LBB2_23-.Ltmp21, $2  }
0x115: {  	_ =	sdelay $0x2  }
0x116: {  	s25 =	sadd.s32 $0x1, s25;
	[tilespmem:s0+$0xB8] =	vst v1  }
.LBB2_25:
.Ltmp22:
0x117: {  	(pc) =	sbr.rel .LBB2_26-.Ltmp22, $4  }
0x118: {  	_ = 	snop  }
0x119: {  	s0 =	simm.s32 $0x2  }
0x11a: {  	_ =	swait.ge [sflag:s0], $0x0  }
0x11b: {  	s28 =	smov.u32 s26;
	[sflag:s0] =	ssyncset.done $0x0;
	s0 =	simm.s32 $0x0  }
.LBB2_28:
0x11c: {  	_ =	sfence.sel $0x180000  }
0x11d: {  	s0 =	simm.s32 $0x7;
	[bflag:$0x0] =	sbarrier.arrive $0xFFFF  }
0x11e: {  	s25 =	simm.s32 $0x8;
	[sflag:s0] =	ssyncpa.u1 $0x1  }
0x11f: {  	s26 =	simm.s32 $0x9;
	[sflag:s25] =	ssyncpa.u1 $0x1  }
0x120: {  	s28 =	simm.s32 $0x2;
	[sflag:s26] =	ssyncpa.u1 $0x1  }
0x121: {  	[sflag:s28] =	ssyncpa.u1 $0x1  }
0x122: {  	v0 =	vld [tilespmem:$0xA108];
	_ =	sdelay $0x4  }
0x123: {  	(v2sf) =	vpush v0, $0x0  }
0x124: {  	(v2sf) =	vpush v0, $0x1;
	_ =	sdelay $0x1  }
0x125: {  	(v2sf) =	vpush v0, $0x2;
	_ =	sdelay $0xb  }
0x126: {  	s0 =	spop (v2sf)  }
0x127: {  	s2 =	spop (v2sf)  }
0x128: {  	s3 =	smov.u32 s0;
	p0 =	sne.s32 s0, s2  }
0x129: {  	s4 =	spop (v2sf);
	s3 =	simm.s32 @!p0 $0xFFFFFFFF  }
0x12a: {  	v2 =	vimm.s32 $0x1;
	v3 =	vlaneseq.u32;
	p0 =	seq.s32 s4, $0xFFFFFFFF;
	v1 =	vmov s3  }
0x12b: {  	s7 =	stileid.u32;
	v0 =	vperm.xlane v0, v2;
	p1 =	sne.s32 @!p0 s0, s2;
	v1 =	vperm.xlane v1, v3  }
0x12c: {  	vm0 =	vcmask $0x3F04;
	s6 =	simm.s32 $0xA108;
	s0 =	simm.s32 @!p0 $0x1;
	p1 =	por !p1, p0  }
0x12d: {  	s3 =	sshll.u32 s7, $0x1;
	s2 =	sshll.u32 @!p0 s4, $0x8;
	s0 =	simm.s32 @p1 $0x0;
	v0 =	vsel vm0, v1, v0  }
0x12e: {  	s5 =	sor.u32 $0x800, s3;
	s2 =	sshra.s32 @!p0 s2, $0x2;
	s0 =	sor.u32 @!p0 s0, s3;
	[tilespmem:$0xA108] =	vst v0  }
0x12f: {  	[spmem:s5] =	stream.linear.scatter [tilespmem:s6], [sflag:$0x1], $0x2, $0x38;
	[tilespmem:$0x1EF78] =	vst v63  }
0x130: {  	s2 =	sadd.s32 @!p0 $0x88, s2;
	s0 =	sshll.u32 @!p0 s0, $0x6  }
0x131: {  	[spmem:s0] =	stream.linear.scatter @!p0 [tilespmem:s2], [sflag:$0x1], $0x40, $0x38;
	[tilespmem:$0x1EF78] =	vst v63  }
0x132: {  	s2 =	simm.s32 @!p0 $0x42  }
0x133: {  	s0 =	simm.s32 $0x1;
	s2 =	simm.s32 @p0 $0x2  }
0x134: {  	_ =	swait.ge [sflag:s0], s2  }
0x135: {  	s2 =	ssub.s32 $0x0, s2;
	[sflag:s0] =	ssyncset.done $0x0  }
0x136: {  	[sflag:s0] =	ssyncadd.s32 s2  }
0x137: {  	_ =	sfence.stream.spmem  }
0x138: {  	s29 =	simm.s32 $0x3;
	[bflag:$0x0] =	sbarrier.arrive $0xFFFF  }
0x139: {  	s30 =	simm.s32 $0x4;
	[sflag:s29] =	ssyncpa.u1 $0x1  }
0x13a: {  	s31 =	simm.s32 $0x3C;
	[sflag:s30] =	ssyncpa.u1 $0x1  }
0x13b: {  	p0 =	sne.s32 s7, $0x0;
	[sflag:s31] =	ssyncpa.u1 $0x1  }
0x13c: {  	_ =	sfence @p0  }
0x13d: {  	[sflag:s0] =	ssyncpa.u1 @p0 $0x1  }
0x13e: {  	_ =	strace @p0 $0x9000004A  }
0x13f: {  	[bflag:$0x2] =	sbarrier.arrive @p0 $0xFFFF  }
0x140: {  	_ =	shalt @p0  }
.LBB2_29:
0x141: {  	_ =	sfence.stream.spmem;
	s0 =	simm.s32 $0x5  }
0x142: {  	s2 =	simm.s32 $0x800;
	s3 =	simm.s32 $0xA118;
	[sflag:s0] =	ssyncpa.u1 $0x0  }
0x143: {  	[tilespmem:s3], [sflag:$0x5] =	stream.linear.gather [spmem:s2], $0x20, $0x38;
	[tilespmem:$0x1EF78] =	vst v63  }
0x144: {  	s30 =	simm.s32 $0xA138;
	s2 =	simm.s32 $0x0  }
0x145: {  	[tilespmem:s30], [sflag:$0x5] =	stream.linear.gather [spmem:s2], $0x800, $0x38;
	[tilespmem:$0x1EF78] =	vst v63  }
.Ltmp23:
0x146: {  	_ = 	snop;
	(pc) =	sbr.rel .LBB2_30-.Ltmp23, $4  }
0x147: {  	_ =	swait.ge [sflag:s0], $0x820  }
0x148: {  	[sflag:s0] =	ssyncset.done $0x0  }
0x149: {  	s31 =	simm.s32 $0x6;
	[sflag:s0] =	ssyncadd.s32 $0xFFFFF7E0  }
0x14a: {  	s3 =	simm.s32 $0x0;
	[sflag:s31] =	ssyncpa.u1 $0x0  }
.LBB2_36:
0x14b: {  	p0 =	slt.u32 s4, $0x30D79  }
0x14c: {  	s0 =	sand.u32 @p0 $0x3FFF8, s4  }
0x14d: {  	s4 =	sand.u32 @p0 $0x7, s4;
	s5 =	simm.s32 @p0 $0xA0C8;
	s0 =	sadd.s32 @p0 s1, s0  }
0x14e: {  	[tilespmem:s5], [sflag:$0x6] =	stream.linear.gather @p0 [hbm4b:s0+s4], $0x40, $0x38;
	[tilespmem:$0x1EF78] =	vst v63  }
0x14f: {  	s0 =	simm.s32 @p0 $0x6  }
0x150: {  	_ =	swait.ge @p0 [sflag:s0], $0x40  }
0x151: {  	[sflag:s0] =	ssyncset.done @p0 $0x0  }
0x152: {  	[sflag:s0] =	ssyncadd.s32 @p0 $0xFFFFFFC0;
	s0 =	sshll.u32 @p0 s3, $0x8  }
0x153: {  	s4 =	sshrl.u32 @p0 s0, $0x2;
	v1 =	vld @p0 [tilespmem:$0xA0C8]  }
0x154: {  	v2 =	vld @p0 [tilespmem:s4+$0xA138];
	_ =	sdelay $0x4  }
0x155: {  	v1 =	vmax.f32 @p0 v1, v2  }
0x156: {  	v2 =	vld @p0 [tilespmem:s4+$0xA148];
	[tilespmem:s4+$0xA138] =	vst @p0 v1  }
0x157: {  	v1 =	vld @p0 [tilespmem:$0xA0D8];
	_ =	sdelay $0x4  }
0x158: {  	v1 =	vmax.f32 @p0 v1, v2  }
0x159: {  	v2 =	vld @p0 [tilespmem:s4+$0xA158];
	[tilespmem:s4+$0xA148] =	vst @p0 v1  }
0x15a: {  	v1 =	vld @p0 [tilespmem:$0xA0E8];
	_ =	sdelay $0x4  }
0x15b: {  	v1 =	vmax.f32 @p0 v1, v2  }
0x15c: {  	v2 =	vld @p0 [tilespmem:s4+$0xA168];
	[tilespmem:s4+$0xA158] =	vst @p0 v1  }
0x15d: {  	v1 =	vld @p0 [tilespmem:$0xA0F8];
	_ =	sdelay $0x4  }
0x15e: {  	s5 =	sshll.u32 @!p0 s3, $0x8;
	v1 =	vmax.f32 @p0 v1, v2  }
0x15f: {  	s5 =	smov.u32 @p0 s0;
	[tilespmem:s4+$0xA168] =	vst @p0 v1  }
0x160: {  	s0 =	sshrl.u32 s5, $0x2;
	[tilespmem:s2+$0xA118] =	vst.msk $0x1, v0  }
0x161: {  	v0 =	vld [tilespmem:s0+$0xA138];
	_ =	sdelay $0x2  }
0x162: {  	s31 =	sshll.u32 s2, $0x8  }
0x163: {  	s4 =	sshra.s32 s31, $0x2  }
0x164: {  	[tilespmem:s4+$0xA138] =	vst v0  }
0x165: {  	v0 =	vld [tilespmem:s0+$0xA148];
	_ =	sdelay $0x4  }
0x166: {  	[tilespmem:s4+$0xA148] =	vst v0  }
0x167: {  	v0 =	vld [tilespmem:s0+$0xA158];
	_ =	sdelay $0x4  }
0x168: {  	[tilespmem:s4+$0xA158] =	vst v0  }
0x169: {  	v0 =	vld [tilespmem:s0+$0xA168];
	_ =	sdelay $0x4  }
0x16a: {  	s2 =	sadd.s32 $0x1, s2;
	[tilespmem:s4+$0xA168] =	vst v0  }
.LBB2_37:
0x16b: {  	s3 =	sadd.s32 $0x1, s3  }
0x16c: {  	p0 =	sne.s32 s3, $0x20  }
.Ltmp24:
0x16d: {  	_ = 	snop;
	(pc) =	sbr.rel @!p0 .LBB2_38-.Ltmp24, $1  }
0x16e: {  	_ =	sdelay $0x3  }
.LBB2_30:
0x16f: {  	v0 =	vld.msk [tilespmem:s3+$0xA118], $0x1;
	_ =	sdelay $0x4  }
0x170: {  	(v2sf) =	vpush v0, $0x0;
	_ =	sdelay $0xe  }
0x171: {  	s4 =	spop (v2sf)  }
0x172: {  	p0 =	seq.s32 s4, $0xFFFFFFFF  }
.Ltmp25:
0x173: {  	_ = 	snop;
	(pc) =	sbr.rel @p0 .LBB2_37-.Ltmp25, $1  }
0x174: {  	_ =	sdelay $0x3  }
0x175: {  	p0 =	slt.s32 s2, $0x1  }
.Ltmp26:
0x176: {  	_ = 	snop;
	(pc) =	sbr.rel @p0 .LBB2_36-.Ltmp26, $1  }
0x177: {  	_ =	sdelay $0x3  }
0x178: {  	s5 =	simm.s32 $0xA118;
	p0 =	por $0x0, $0x0  }
0x179: {  	v1 =	vld.msk @!p0 [tilespmem:s5+$0x0], $0x1;
	_ =	sdelay $0x4  }
0x17a: {  	(v2sf) =	vpush @!p0 v1, $0x0;
	_ =	sdelay $0xd  }
0x17b: {  	p2 =	sne.s32 s2, $0x1  }
.Ltmp27:
0x17c: {  	s0 =	spop @!p0 (v2sf);
	(pc) =	sbr.rel @!p2 .LBB2_34-.Ltmp27, $4  }
0x17d: {  	p1 =	seq.s32 @!p0 s4, s0  }
0x17e: {  	s6 =	simm.s32 $0x0;
	p1 =	por !p1, p0  }
0x17f: {  	s0 =	simm.s32 $0xFFFFFFFF;
	s6 =	simm.s32 @p1 $0xFFFFFFFF  }
0x180: {  	s7 =	simm.s32 $0x1;
	s6 =	smov.u32 @p0 s0  }
.LBB2_33:
0x181: {  	s0 =	smov.u32 s6;
	p0 =	sne.s32 s6, $0xFFFFFFFF  }
0x182: {  	s5 =	sadd.s32 $0x1, s5;
	s6 =	smov.u32 s7;
	s7 =	sadd.s32 $0x1, s7  }
0x183: {  	p1 =	sne.s32 s2, s7;
	v1 =	vld.msk @!p0 [tilespmem:s5+$0x0], $0x1;
	_ =	sdelay $0x4  }
0x184: {  	(v2sf) =	vpush @!p0 v1, $0x0;
	_ =	sdelay $0xe  }
.Ltmp28:
0x185: {  	s8 =	spop @!p0 (v2sf);
	(pc) =	sbr.rel @p1 .LBB2_33-.Ltmp28, $4  }
0x186: {  	p2 =	seq.s32 @!p0 s4, s8  }
0x187: {  	p2 =	por !p2, p0  }
0x188: {  	s6 =	simm.s32 @p2 $0xFFFFFFFF  }
0x189: {  	s6 =	smov.u32 @p0 s0  }
.LBB2_34:
0x18a: {  	p0 =	seq.s32 s6, $0xFFFFFFFF  }
.Ltmp29:
0x18b: {  	_ = 	snop;
	(pc) =	sbr.rel @p0 .LBB2_36-.Ltmp29, $1  }
0x18c: {  	_ =	sdelay $0x3  }
0x18d: {  	s0 =	sshll.u32 s3, $0x6  }
0x18e: {  	s4 =	sshll.u32 s6, $0x8;
	s0 =	sand.u32 $0x3FFFFFC0, s0  }
0x18f: {  	s4 =	sshra.s32 s4, $0x2;
	v0 =	vld [tilespmem:s0+$0xA138]  }
0x190: {  	v1 =	vld [tilespmem:s4+$0xA138];
	_ =	sdelay $0x4  }
0x191: {  	v0 =	vmax.f32 v0, v1  }
0x192: {  	v61 =	vld [tilespmem:s4+$0xA148];
	[tilespmem:s4+$0xA138] =	vst v0  }
0x193: {  	v0 =	vld [tilespmem:s0+$0xA148];
	_ =	sdelay $0x4  }
0x194: {  	v0 =	vmax.f32 v0, v61  }
0x195: {  	v62 =	vld [tilespmem:s4+$0xA158];
	[tilespmem:s4+$0xA148] =	vst v0  }
0x196: {  	v0 =	vld [tilespmem:s0+$0xA158];
	_ =	sdelay $0x4  }
0x197: {  	v0 =	vmax.f32 v0, v62  }
0x198: {  	v63 =	vld [tilespmem:s4+$0xA168];
	[tilespmem:s4+$0xA158] =	vst v0  }
0x199: {  	v0 =	vld [tilespmem:s0+$0xA168];
	_ =	sdelay $0x1  }
.Ltmp30:
0x19a: {  	_ = 	snop;
	(pc) =	sbr.rel .LBB2_37-.Ltmp30, $3  }
0x19b: {  	_ =	sdelay $0x1  }
0x19c: {  	v0 =	vmax.f32 v0, v63  }
0x19d: {  	[tilespmem:s4+$0xA168] =	vst v0  }
.LBB2_38:
0x19e: {  	p0 =	slt.s32 s2, $0x1  }
.Ltmp31:
0x19f: {  	_ = 	snop;
	(pc) =	sbr.rel @p0 .LBB2_42-.Ltmp31, $3  }
0x1a0: {  	_ =	sdelay $0x1  }
0x1a1: {  	s0 =	simm.s32 $0x6  }
0x1a2: {  	s3 =	simm.s32 $0x0;
	[sflag:s0] =	ssyncpa.u1 $0x1  }
0x1a3: {  	s0 =	simm.s32 $0xA118  }
0x1a4: {  	v0 =	vld.msk [tilespmem:s0+$0x0], $0x1;
	_ =	sdelay $0x4  }
0x1a5: {  	(v2sf) =	vpush v0, $0x0;
	_ =	sdelay $0xe  }
0x1a6: {  	s2 =	sadd.s32 $0xFFFFFFFF, s2;
	s0 =	spop (v2sf)  }
0x1a7: {  	p1 =	sne.s32 s2, $0x0;
	p0 =	sgt.u32 s0, $0x30D78  }
.Ltmp32:
0x1a8: {  	s5 =	sand.u32 @!p0 $0x3FFF8, s0;
	(pc) =	sbr.rel @!p1 .LBB2_41-.Ltmp32, $4  }
0x1a9: {  	s4 =	simm.s32 $0xA138;
	s0 =	sand.u32 @!p0 $0x7, s0;
	s5 =	sadd.s32 @!p0 s1, s5  }
0x1aa: {  	[hbm4b:s5+s0] =	stream.linear.scatter @!p0 [tilespmem:s4], [sflag:$0x5], $0x40, $0x38;
	[tilespmem:$0x1EF78] =	vst v63  }
0x1ab: {  	s0 =	simm.s32 $0x0  }
0x1ac: {  	s5 =	simm.s32 $0xA119;
	s0 =	simm.s32 @!p0 $0x100  }
.LBB2_40:
0x1ad: {  	v0 =	vld.msk [tilespmem:s5+$0x0], $0x1;
	s2 =	sadd.s32 $0xFFFFFFFF, s2;
	s3 =	sadd.s32 s3, s0  }
0x1ae: {  	p0 =	sne.s32 s2, $0x0;
	_ =	sdelay $0x3  }
0x1af: {  	(v2sf) =	vpush v0, $0x0;
	_ =	sdelay $0xe  }
.Ltmp33:
0x1b0: {  	s6 =	spop (v2sf);
	(pc) =	sbr.rel @p0 .LBB2_40-.Ltmp33, $4  }
0x1b1: {  	s0 =	simm.s32 $0x0;
	p1 =	sgt.u32 s6, $0x30D78  }
0x1b2: {  	s4 =	sadd.s32 $0x40, s4;
	s0 =	simm.s32 @!p1 $0x100;
	s7 =	sand.u32 @!p1 $0x3FFF8, s6  }
0x1b3: {  	s5 =	sadd.s32 $0x1, s5;
	s6 =	sand.u32 @!p1 $0x7, s6;
	s7 =	sadd.s32 @!p1 s1, s7  }
0x1b4: {  	[hbm4b:s7+s6] =	stream.linear.scatter @!p1 [tilespmem:s4], [sflag:$0x5], $0x40, $0x38;
	[tilespmem:$0x1EF78] =	vst v63  }
.LBB2_41:
0x1b5: {  	s0 =	sadd.s32 s3, s0  }
0x1b6: {  	s3 =	sshrl.u32 s0, $0x2  }
.LBB2_42:
0x1b7: {  	s0 =	simm.s32 $0x5  }
0x1b8: {  	_ =	swait.ge [sflag:s0], s3  }
0x1b9: {  	s1 =	ssub.s32 $0x0, s3;
	[sflag:s0] =	ssyncset.done $0x0  }
0x1ba: {  	[sflag:s0] =	ssyncadd.s32 s1  }
0x1bb: {  	[sflag:s0] =	ssyncpa.u1 $0x1  }
0x1bc: {  	s30 =	simm.s32 $0x1;
	_ =	sfence  }
0x1bd: {  	[sflag:s30] =	ssyncpa.u1 $0x1  }
0x1be: {  	_ =	strace $0x9000004A  }
0x1bf: {  	[bflag:$0x2] =	sbarrier.arrive $0xFFFF  }
0x1c0: {  	s31 =	rddreg [dreg:$0x1]  }
0x1c1: {  	s0 =	sadd.s32 $0x100000, s31  }
0x1c2: {  	[sflag:s0] =	ssyncadd.tile.s32 $0x1;
	_ =	shalt  }
.Lfunc_end2:
_tile_overlayer_lowered:
.L_overlay_start_2:
0x1c3: {  	(tag) =	ssettag $0x2  }
0x1c4: {  	s0 =	rddreg [dreg:$0x0];
	s2 =	stileid.u32  }
0x1c5: {  	s1 =	rddreg [dreg:$0x1];
	p0 =	sne.s32 s2, $0x0  }
0x1c6: {  	s3 =	rddreg [dreg:$0x2];
	[bflag:$0x3] =	sbarrier.arrive $0xFFFF;
	s2 =	simm.s32 @!p0 $0x1C01  }
0x1c7: {  	[timem:s3], [sflag:s2] =	dma.local @!p0 [hbm:s0], s1  }
0x1c8: {  	s0 =	simm.s32 @!p0 $0x1  }
0x1c9: {  	_ =	swait.ge @!p0 [sflag:s0], s1  }
0x1ca: {  	s1 =	ssub.s32 @!p0 $0x0, s1;
	[sflag:s0] =	ssyncset.done @!p0 $0x0  }
0x1cb: {  	[sflag:s0] =	ssyncadd.s32 @!p0 s1  }
0x1cc: {  	[bflag:$0x3] =	sbarrier.arrive $0xFFFF  }
0x1cd: {  	_ =	shalt  }

</sc_bundles>
